<compile_context>
chip_gen: v7x
topology: tpu7x:2x2x1
jax: 0.10.2.dev20260603
libtpu: 0.0.44.dev20260713+nightly
codegen_flags: <defaults>
</compile_context>

<pallas_src>
import functools

import jax
import jax.numpy as jnp
from jax import lax
from jax.experimental import pallas as pl
from jax.experimental.pallas import tpu as pltpu
from jax.experimental.pallas import tpu_sc as plsc

_SC_PARAMS = pltpu.CompilerParams(use_tc_tiling_on_sc=False)

N = 10000
E = 320000
D = 128
H = 16
C = 8
HID = 8
NGRAPH = 64
OUT = 10

NPAD = 10240
TRASH = N
KCH = 128
NTILES = 32
EAP = 331776
E3P = 323584

_MM = dict(preferred_element_type=jnp.float32, precision=lax.Precision.HIGHEST)


_BN = 1024
_NSTEP = NPAD // _BN


def _tc_prep_body(x_ref, w_ref, as_ref, ad_ref, h_ref, es_ref, ed_ref, gm_ref):
    i = pl.program_id(0)
    h = jnp.dot(x_ref[...], w_ref[...], **_MM)
    h_ref[...] = h
    es = jnp.dot(h, as_ref[...], **_MM)
    ed = jnp.dot(h, ad_ref[...], **_MM)
    es_ref[...] = es
    ed_ref[...] = ed
    bm = jnp.broadcast_to(jnp.max(es, axis=0, keepdims=True), (8, H))

    @pl.when(i == 0)
    def _():
        gm_ref[...] = bm

    @pl.when(i > 0)
    def _():
        gm_ref[...] = jnp.maximum(gm_ref[...], bm)


def _tc_prep(x, w, a_s, a_d):
    return pl.pallas_call(
        _tc_prep_body,
        grid=(_NSTEP,),
        in_specs=[
            pl.BlockSpec((_BN, D), lambda i: (i, 0)),
            pl.BlockSpec((D, D), lambda i: (0, 0)),
            pl.BlockSpec((D, H), lambda i: (0, 0)),
            pl.BlockSpec((D, H), lambda i: (0, 0)),
        ],
        out_specs=[
            pl.BlockSpec((_BN, D), lambda i: (i, 0)),
            pl.BlockSpec((_BN, H), lambda i: (i, 0)),
            pl.BlockSpec((_BN, H), lambda i: (i, 0)),
            pl.BlockSpec((8, H), lambda i: (0, 0)),
        ],
        out_shape=[
            jax.ShapeDtypeStruct((NPAD, D), jnp.float32),
            jax.ShapeDtypeStruct((NPAD, H), jnp.float32),
            jax.ShapeDtypeStruct((NPAD, H), jnp.float32),
            jax.ShapeDtypeStruct((8, H), jnp.float32),
        ],
    )(x, w, a_s, a_d)


def _tc_mid_body(a0_ref, a1_ref, b_ref, w_ref, as_ref, ad_ref,
                 h_ref, es_ref, ed_ref, gm_ref):
    i = pl.program_id(0)
    xb = jnp.maximum(a0_ref[...] + a1_ref[...] + b_ref[0:1, :], 0.0)
    h = jnp.dot(xb, w_ref[...], **_MM)
    h_ref[...] = h
    es = jnp.dot(h, as_ref[...], **_MM)
    ed = jnp.dot(h, ad_ref[...], **_MM)
    es_ref[...] = es
    ed_ref[...] = ed
    bm = jnp.broadcast_to(jnp.max(es, axis=0, keepdims=True), (8, H))

    @pl.when(i == 0)
    def _():
        gm_ref[...] = bm

    @pl.when(i > 0)
    def _():
        gm_ref[...] = jnp.maximum(gm_ref[...], bm)


def _tc_mid(a0, a1, b, w, a_s, a_d):
    return pl.pallas_call(
        _tc_mid_body,
        grid=(_NSTEP,),
        in_specs=[
            pl.BlockSpec((_BN, D), lambda i: (i, 0)),
            pl.BlockSpec((_BN, D), lambda i: (i, 0)),
            pl.BlockSpec((8, D), lambda i: (0, 0)),
            pl.BlockSpec((D, D), lambda i: (0, 0)),
            pl.BlockSpec((D, H), lambda i: (0, 0)),
            pl.BlockSpec((D, H), lambda i: (0, 0)),
        ],
        out_specs=[
            pl.BlockSpec((_BN, D), lambda i: (i, 0)),
            pl.BlockSpec((_BN, H), lambda i: (i, 0)),
            pl.BlockSpec((_BN, H), lambda i: (i, 0)),
            pl.BlockSpec((8, H), lambda i: (0, 0)),
        ],
        out_shape=[
            jax.ShapeDtypeStruct((NPAD, D), jnp.float32),
            jax.ShapeDtypeStruct((NPAD, H), jnp.float32),
            jax.ShapeDtypeStruct((NPAD, H), jnp.float32),
            jax.ShapeDtypeStruct((8, H), jnp.float32),
        ],
    )(a0, a1, b, w, a_s, a_d)


def _tc_two_mats_body(a0_ref, a1_ref, b_ref, wl_ref, wr_ref, yl_ref, yr_ref):
    xb = jnp.maximum(a0_ref[...] + a1_ref[...] + b_ref[0:1, :], 0.0)
    yl_ref[...] = jnp.dot(xb, wl_ref[...], **_MM)
    yr_ref[...] = jnp.dot(xb, wr_ref[...], **_MM)


def _tc_two_mats(a0, a1, b, wl, wr):
    dw = a0.shape[1]
    return pl.pallas_call(
        _tc_two_mats_body,
        grid=(_NSTEP,),
        in_specs=[
            pl.BlockSpec((_BN, dw), lambda i: (i, 0)),
            pl.BlockSpec((_BN, dw), lambda i: (i, 0)),
            pl.BlockSpec((8, dw), lambda i: (0, 0)),
            pl.BlockSpec((dw, H), lambda i: (0, 0)),
            pl.BlockSpec((dw, H), lambda i: (0, 0)),
        ],
        out_specs=[
            pl.BlockSpec((_BN, H), lambda i: (i, 0)),
            pl.BlockSpec((_BN, H), lambda i: (i, 0)),
        ],
        out_shape=[
            jax.ShapeDtypeStruct((NPAD, H), jnp.float32),
            jax.ShapeDtypeStruct((NPAD, H), jnp.float32),
        ],
    )(a0, a1, b, wl, wr)


def _tc_l4_body(a0_ref, a1_ref, r2_ref, b_ref, wl_ref, wr_ref, yl_ref, yr_ref):
    xb = jnp.maximum(a0_ref[...] + a1_ref[...] + r2_ref[...] + b_ref[0:1, :], 0.0)
    yl_ref[...] = jnp.dot(xb, wl_ref[...], **_MM)
    yr_ref[...] = jnp.dot(xb, wr_ref[...], **_MM)


def _tc_l4(a0, a1, r2, b, wl, wr):
    return pl.pallas_call(
        _tc_l4_body,
        grid=(_NSTEP,),
        in_specs=[
            pl.BlockSpec((_BN, H), lambda i: (i, 0)),
            pl.BlockSpec((_BN, H), lambda i: (i, 0)),
            pl.BlockSpec((_BN, H), lambda i: (i, 0)),
            pl.BlockSpec((8, H), lambda i: (0, 0)),
            pl.BlockSpec((H, H), lambda i: (0, 0)),
            pl.BlockSpec((H, H), lambda i: (0, 0)),
        ],
        out_specs=[
            pl.BlockSpec((_BN, H), lambda i: (i, 0)),
            pl.BlockSpec((_BN, H), lambda i: (i, 0)),
        ],
        out_shape=[
            jax.ShapeDtypeStruct((NPAD, H), jnp.float32),
            jax.ShapeDtypeStruct((NPAD, H), jnp.float32),
        ],
    )(a0, a1, r2, b, wl, wr)


def _tc_final_body(a0_ref, a1_ref, d0_ref, d1_ref, r3_ref, b_ref, bt_ref,
                   w1_ref, b1_ref, w2_ref, b2_ref, out_ref, gs_ref, gc_ref):
    j = pl.program_id(0)
    deg = jnp.maximum(d0_ref[...] + d1_ref[...], 1.0)
    x4 = jnp.maximum(
        (a0_ref[...] + a1_ref[...]) / deg + r3_ref[...] + b_ref[0:1, :], 0.0)
    onehot = (bt_ref[...][:, 0:1]
              == lax.broadcasted_iota(jnp.int32, (1, NGRAPH), 1)
              ).astype(jnp.float32)
    ps = lax.dot_general(onehot, x4, (((0,), (0,)), ((), ())), **_MM)
    pc = lax.dot_general(onehot, jnp.ones_like(x4), (((0,), (0,)), ((), ())),
                         **_MM)

    @pl.when(j == 0)
    def _():
        gs_ref[...] = jnp.zeros_like(gs_ref)
        gc_ref[...] = jnp.zeros_like(gc_ref)

    gs_ref[...] += ps
    gc_ref[...] += pc

    @pl.when(j == _NSTEP - 1)
    def _():
        g = gs_ref[...] / jnp.maximum(gc_ref[...], 1.0)
        hfc = jnp.maximum(jnp.dot(g, w1_ref[...], **_MM) + b1_ref[0:1, :], 0.0)
        out_ref[...] = jnp.dot(hfc, w2_ref[...], **_MM) + b2_ref[0:1, :]


def _tc_final(a0, a1, d0, d1, r3, b4, batch16, w1, b1, w2, b2):
    return pl.pallas_call(
        _tc_final_body,
        grid=(_NSTEP,),
        in_specs=[
            pl.BlockSpec((_BN, H), lambda i: (i, 0)),
            pl.BlockSpec((_BN, H), lambda i: (i, 0)),
            pl.BlockSpec((_BN, H), lambda i: (i, 0)),
            pl.BlockSpec((_BN, H), lambda i: (i, 0)),
            pl.BlockSpec((_BN, H), lambda i: (i, 0)),
            pl.BlockSpec((8, H), lambda i: (0, 0)),
            pl.BlockSpec((_BN, H), lambda i: (i, 0)),
            pl.BlockSpec((H, H), lambda i: (0, 0)),
            pl.BlockSpec((8, H), lambda i: (0, 0)),
            pl.BlockSpec((H, OUT), lambda i: (0, 0)),
            pl.BlockSpec((8, OUT), lambda i: (0, 0)),
        ],
        out_specs=pl.BlockSpec((NGRAPH, OUT), lambda i: (0, 0)),
        out_shape=jax.ShapeDtypeStruct((NGRAPH, OUT), jnp.float32),
        scratch_shapes=[
            pltpu.VMEM((NGRAPH, H), jnp.float32),
            pltpu.VMEM((NGRAPH, H), jnp.float32),
        ],
    )(a0, a1, d0, d1, r3, b4, batch16, w1, b1, w2, b2)



_RPT = NPAD // 16


@functools.cache
def _sc_mesh():
    return plsc.VectorSubcoreMesh(core_axis_name="c", subcore_axis_name="s",
                                  num_cores=2, num_subcores=16)


@functools.cache
def _sc_gat_pass1_kernel():
    return functools.partial(
        pl.kernel,
        out_type=(
            jax.ShapeDtypeStruct((EAP, H), jnp.float32),
            jax.ShapeDtypeStruct((2 * NPAD, H), jnp.float32),
        ),
        mesh=_sc_mesh(),
        compiler_params=_SC_PARAMS,
        scratch_types=[
            pltpu.VMEM((KCH,), jnp.int32),
            pltpu.VMEM((KCH,), jnp.int32),
            pltpu.VMEM((KCH, H), jnp.float32),
            pltpu.VMEM((KCH, H), jnp.float32),
            pltpu.VMEM((KCH, H), jnp.float32),
            pltpu.VMEM((16,), jnp.float32),
            pltpu.VMEM_SHARED((NPAD, H), jnp.float32),
        ],
    )(_sc_gat_pass1_body)


def _sc_gat_pass1_body(src_hbm, dst_hbm, es_hbm, ed_hbm, gmax_hbm, zeros_hbm,
                       p_hbm, sout_hbm,
                       src_v, dst_v, es_r, ed_r, p_r, gmax_v, s_acc):
    cid = lax.axis_index("c")
    sid = lax.axis_index("s")
    wid = cid * 16 + sid
    r0 = sid * _RPT
    pltpu.sync_copy(zeros_hbm.at[pl.ds(r0, _RPT)], s_acc.at[pl.ds(r0, _RPT)])
    pltpu.sync_copy(gmax_hbm, gmax_v)
    plsc.subcore_barrier()
    gv = gmax_v[...]
    ew = EAP // NTILES

    @pl.loop(0, ew // KCH)
    def _(cix):
        e0 = wid * ew + cix * KCH
        pltpu.sync_copy(src_hbm.at[pl.ds(e0, KCH)], src_v)
        pltpu.sync_copy(dst_hbm.at[pl.ds(e0, KCH)], dst_v)
        pltpu.sync_copy(es_hbm.at[src_v], es_r)
        pltpu.sync_copy(ed_hbm.at[dst_v], ed_r)

        @pl.loop(0, KCH)
        def _(i):
            esv = es_r[i]
            edv = ed_r[i]
            ev = esv + edv
            ev = jnp.where(ev >= 0.0, ev, 0.2 * ev)
            mv = gv + edv
            mv = jnp.where(mv >= 0.0, mv, 0.2 * mv)
            p_r[i] = jnp.exp(ev - mv)

        pltpu.sync_copy(p_r, p_hbm.at[pl.ds(e0, KCH)])
        pltpu.sync_copy(p_r, s_acc.at[dst_v], add=True)

    plsc.subcore_barrier()
    pltpu.sync_copy(s_acc.at[pl.ds(r0, _RPT)],
                    sout_hbm.at[pl.ds(cid * NPAD + r0, _RPT)])


@functools.cache
def _sc_gat_pass2_kernel():
    return functools.partial(
        pl.kernel,
        out_type=jax.ShapeDtypeStruct((2 * NPAD, D), jnp.float32),
        mesh=_sc_mesh(),
        compiler_params=_SC_PARAMS,
        scratch_types=[
            pltpu.VMEM((KCH,), jnp.int32),
            pltpu.VMEM((KCH,), jnp.int32),
            pltpu.VMEM((KCH, H), jnp.float32),
            pltpu.VMEM((KCH, H), jnp.float32),
            pltpu.VMEM((KCH, H), jnp.float32),
            pltpu.VMEM((KCH, D), jnp.float32),
            pltpu.VMEM((KCH, D), jnp.float32),
            pltpu.VMEM_SHARED((NPAD, D), jnp.float32),
        ],
    )(_sc_gat_pass2_body)


def _sc_gat_pass2_body(src_hbm, dst_hbm, p_hbm, s0_hbm, s1_hbm, h_hbm,
                       zeros_hbm, acc_hbm,
                       src_v, dst_v, p_r, s0_r, s1_r, h_r, m_r, acc):
    cid = lax.axis_index("c")
    sid = lax.axis_index("s")
    wid = cid * 16 + sid
    r0 = sid * _RPT
    pltpu.sync_copy(zeros_hbm.at[pl.ds(r0, _RPT)], acc.at[pl.ds(r0, _RPT)])
    plsc.subcore_barrier()
    ew = EAP // NTILES

    @pl.loop(0, ew // KCH)
    def _(cix):
        e0 = wid * ew + cix * KCH
        pltpu.sync_copy(src_hbm.at[pl.ds(e0, KCH)], src_v)
        pltpu.sync_copy(dst_hbm.at[pl.ds(e0, KCH)], dst_v)
        pltpu.sync_copy(p_hbm.at[pl.ds(e0, KCH)], p_r)
        pltpu.sync_copy(s0_hbm.at[dst_v], s0_r)
        pltpu.sync_copy(s1_hbm.at[dst_v], s1_r)
        pltpu.sync_copy(h_hbm.at[src_v], h_r)

        @pl.loop(0, KCH)
        def _(i):
            sv = s0_r[i] + s1_r[i]
            av = p_r[i] / (sv + 1e-16)
            for v in range(D // 16):
                m_r[i, pl.ds(v * 16, 16)] = h_r[i, pl.ds(v * 16, 16)] * av

        pltpu.sync_copy(m_r, acc.at[dst_v], add=True)

    plsc.subcore_barrier()
    pltpu.sync_copy(acc.at[pl.ds(r0, _RPT)],
                    acc_hbm.at[pl.ds(cid * NPAD + r0, _RPT)])


@functools.cache
def _make_sc_segsum(with_deg):
    out1 = jax.ShapeDtypeStruct((2 * NPAD, H), jnp.float32)
    outs = [out1]
    scratch = [
        pltpu.VMEM((KCH,), jnp.int32),
        pltpu.VMEM((KCH,), jnp.int32),
        pltpu.VMEM((KCH, H), jnp.float32),
        pltpu.VMEM_SHARED((NPAD, H), jnp.float32),
    ]
    if with_deg:
        outs.append(jax.ShapeDtypeStruct((2 * NPAD, H), jnp.float32))
        scratch.insert(3, pltpu.VMEM((KCH, H), jnp.float32))
        scratch.append(pltpu.VMEM_SHARED((NPAD, H), jnp.float32))

    @functools.partial(
        pl.kernel, out_type=tuple(outs) if with_deg else out1,
        mesh=_sc_mesh(), compiler_params=_SC_PARAMS, scratch_types=scratch,
    )
    def k(src_hbm, dst_hbm, y_hbm, zeros_hbm, *rest):
        if with_deg:
            agg_hbm, deg_hbm, src_v, dst_v, y_r, ones_r, agg, deg = rest
        else:
            agg_hbm, src_v, dst_v, y_r, agg = rest
        cid = lax.axis_index("c")
        sid = lax.axis_index("s")
        wid = cid * 16 + sid
        r0 = sid * _RPT
        pltpu.sync_copy(zeros_hbm.at[pl.ds(r0, _RPT)], agg.at[pl.ds(r0, _RPT)])
        if with_deg:
            pltpu.sync_copy(zeros_hbm.at[pl.ds(r0, _RPT)],
                            deg.at[pl.ds(r0, _RPT)])

            @pl.loop(0, KCH)
            def _(i):
                ones_r[i] = jnp.full((16,), 1.0, jnp.float32)

        plsc.subcore_barrier()
        ew = E3P // NTILES

        @pl.loop(0, ew // KCH)
        def _(cix):
            e0 = wid * ew + cix * KCH
            pltpu.sync_copy(src_hbm.at[pl.ds(e0, KCH)], src_v)
            pltpu.sync_copy(dst_hbm.at[pl.ds(e0, KCH)], dst_v)
            pltpu.sync_copy(y_hbm.at[src_v], y_r)
            pltpu.sync_copy(y_r, agg.at[dst_v], add=True)
            if with_deg:
                pltpu.sync_copy(ones_r, deg.at[dst_v], add=True)

        plsc.subcore_barrier()
        pltpu.sync_copy(agg.at[pl.ds(r0, _RPT)],
                        agg_hbm.at[pl.ds(cid * NPAD + r0, _RPT)])
        if with_deg:
            pltpu.sync_copy(deg.at[pl.ds(r0, _RPT)],
                            deg_hbm.at[pl.ds(cid * NPAD + r0, _RPT)])

    return k



def _perm_cols():
    j = jnp.arange(D)
    return (j % H) * C + j // H


def _att_mat(a):
    eye = jnp.eye(H, dtype=jnp.float32)
    return (a.T[:, :, None] * eye[None, :, :]).reshape(D, H)


def _pad16(w):
    return jnp.zeros((H, H), jnp.float32).at[:HID, :HID].set(w)


def _row8(b, width):
    r = jnp.zeros((8, width), jnp.float32)
    return r.at[0, :b.shape[0]].set(b)


def kernel(x, edge_index, batch, W1, as1, ad1, b1, W2, as2, ad2, b2,
           W3rel, W3root, b3, W4l, W4r, b4, Wfc1, bfc1, Wfc2, bfc2):
    f32 = jnp.float32
    perm = _perm_cols()

    x_pad = jnp.zeros((NPAD, D), f32).at[:N].set(x)
    ei = edge_index.astype(jnp.int32)
    loops = jnp.arange(N, dtype=jnp.int32)
    epad = jnp.full((EAP - (E + N),), TRASH, jnp.int32)
    src_a = jnp.concatenate([ei[0], loops, epad])
    dst_a = jnp.concatenate([ei[1], loops, epad])
    e3pad = jnp.full((E3P - E,), TRASH, jnp.int32)
    src_3 = jnp.concatenate([ei[0], e3pad])
    dst_3 = jnp.concatenate([ei[1], e3pad])

    W1p = W1[:, perm]
    W2p = W2[perm][:, perm]
    As1, Ad1 = _att_mat(as1), _att_mat(ad1)
    As2, Ad2 = _att_mat(as2), _att_mat(ad2)
    b1p = _row8(b1[perm], D)
    b2p = _row8(b2[perm], D)
    W3relp = jnp.zeros((D, H), f32).at[:, :HID].set(W3rel[perm])
    W3rootp = jnp.zeros((D, H), f32).at[:, :HID].set(W3root[perm])
    b3p = _row8(b3, H)
    W4lp, W4rp = _pad16(W4l), _pad16(W4r)
    b4p = _row8(b4, H)
    Wfc1p = _pad16(Wfc1)
    bfc1p = _row8(bfc1, H)
    Wfc2p = jnp.zeros((H, OUT), f32).at[:HID].set(Wfc2)
    bfc2p = _row8(bfc2, OUT)

    batch16 = jnp.full((NPAD,), NGRAPH, jnp.int32).at[:N].set(
        batch.astype(jnp.int32))
    batch16 = jnp.broadcast_to(batch16[:, None], (NPAD, H))

    zeros_h = jnp.zeros((NPAD, H), f32)
    zeros_d = jnp.zeros((NPAD, D), f32)

    gat1 = _sc_gat_pass1_kernel()
    gat2 = _sc_gat_pass2_kernel()
    segsum_deg = _make_sc_segsum(True)
    segsum = _make_sc_segsum(False)

    h1, es1, ed1, gm1 = _tc_prep(x_pad, W1p, As1, Ad1)
    p1, s1 = gat1(src_a, dst_a, es1, ed1, gm1[0], zeros_h)
    acc1 = gat2(src_a, dst_a, p1, s1[:NPAD], s1[NPAD:], h1, zeros_d)

    h2, es2, ed2, gm2 = _tc_mid(acc1[:NPAD], acc1[NPAD:], b1p, W2p, As2, Ad2)
    p2, s2 = gat1(src_a, dst_a, es2, ed2, gm2[0], zeros_h)
    acc2 = gat2(src_a, dst_a, p2, s2[:NPAD], s2[NPAD:], h2, zeros_d)

    y2, r2 = _tc_two_mats(acc2[:NPAD], acc2[NPAD:], b2p, W3relp, W3rootp)
    agg3, deg = segsum_deg(src_3, dst_3, y2, zeros_h)

    y3, r3 = _tc_l4(agg3[:NPAD], agg3[NPAD:], r2, b3p, W4lp, W4rp)
    agg4 = segsum(src_3, dst_3, y3, zeros_h)

    out = _tc_final(agg4[:NPAD], agg4[NPAD:], deg[:NPAD], deg[NPAD:],
                    r3, b4p, batch16, Wfc1p, bfc1p, Wfc2p, bfc2p)
    return out

# --- scband reference (transcript-rebuilt; emitter-appended) ---
"""Pipeline reference for scband-gnn-3934190043286 (READ-ONLY COPY).

The authoritative reference and input builder live on the scoring server;
editing this copy changes nothing except your own understanding.
"""

import jax, jax.numpy as jnp
import numpy as np

N = 10000
E = 320000
D = 128
H = 16
C = 8
HID = 8
B = 64
OUT = 10

def setup_inputs(seed: int = 0):
    key = jax.random.key(seed)
    ks = jax.random.split(key, 16)
    def w(k, shape, fan_in):
        return jax.random.normal(k, shape, dtype=jnp.float32) / np.sqrt(fan_in)
    inp = {}
    inp["x"] = jax.random.normal(ks[0], (N, D), dtype=jnp.float32)
    inp["edge_index"] = jax.random.randint(ks[1], (2, E), 0, N)
    inp["batch"] = jnp.sort(jax.random.randint(ks[2], (N,), 0, B))
    inp["W1"] = w(ks[3], (D, H * C), D)
    inp["as1"] = w(ks[4], (H, C), C)
    inp["ad1"] = w(ks[5], (H, C), C)
    inp["b1"] = jnp.zeros((H * C,), dtype=jnp.float32)
    inp["W2"] = w(ks[6], (H * C, H * C), H * C)
    inp["as2"] = w(ks[7], (H, C), C)
    inp["ad2"] = w(ks[8], (H, C), C)
    inp["b2"] = jnp.zeros((H * C,), dtype=jnp.float32)
    inp["W3rel"] = w(ks[9], (H * C, HID), H * C)
    inp["W3root"] = w(ks[10], (H * C, HID), H * C)
    inp["b3"] = jnp.zeros((HID,), dtype=jnp.float32)
    inp["W4l"] = w(ks[11], (HID, HID), HID)
    inp["W4r"] = w(ks[12], (HID, HID), HID)
    inp["b4"] = jnp.zeros((HID,), dtype=jnp.float32)
    inp["Wfc1"] = w(ks[13], (HID, HID), HID)
    inp["bfc1"] = jnp.zeros((HID,), dtype=jnp.float32)
    inp["Wfc2"] = w(ks[14], (HID, OUT), HID)
    inp["bfc2"] = jnp.zeros((OUT,), dtype=jnp.float32)
    return inp

def _gat(x, edge_index, W, a_src, a_dst, b):
    n = x.shape[0]
    loops = jnp.arange(n)
    src = jnp.concatenate([edge_index[0], loops])
    dst = jnp.concatenate([edge_index[1], loops])
    h = (x @ W).reshape(n, H, -1)
    es = (h * a_src[None]).sum(-1)
    ed = (h * a_dst[None]).sum(-1)
    e = jax.nn.leaky_relu(es[src] + ed[dst], 0.2)
    m = jax.ops.segment_max(e, dst, num_segments=n)
    m = jnp.where(jnp.isfinite(m), m, 0.0)
    ex = jnp.exp(e - m[dst])
    s = jax.ops.segment_sum(ex, dst, num_segments=n)
    alpha = ex / (s[dst] + 1e-16)
    msg = h[src] * alpha[:, :, None]
    out = jax.ops.segment_sum(msg, dst, num_segments=n)
    return out.reshape(n, -1) + b

def reference(x, edge_index, batch, W1, as1, ad1, b1, W2, as2, ad2, b2, W3rel, W3root, b3, W4l, W4r, b4, Wfc1, bfc1, Wfc2, bfc2):
    n = x.shape[0]
    src, dst = edge_index[0], edge_index[1]
    x1 = jax.nn.relu(_gat(x, edge_index, W1, as1, ad1, b1))
    x2 = jax.nn.relu(_gat(x1, edge_index, W2, as2, ad2, b2))
    agg = jax.ops.segment_sum(x2[src], dst, num_segments=n)
    x3 = jax.nn.relu(agg @ W3rel + b3 + x2 @ W3root)
    deg = jax.ops.segment_sum(jnp.ones((src.shape[0],), dtype=x.dtype), dst, num_segments=n)
    mean = jax.ops.segment_sum(x3[src], dst, num_segments=n) / jnp.maximum(deg, 1.0)[:, None]
    x4 = jax.nn.relu(mean @ W4l + b4 + x3 @ W4r)
    gsum = jax.ops.segment_sum(x4, batch, num_segments=B)
    gcnt = jax.ops.segment_sum(jnp.ones((n,), dtype=x.dtype), batch, num_segments=B)
    g = gsum / jnp.maximum(gcnt, 1.0)[:, None]
    hfc = jax.nn.relu(g @ Wfc1 + bfc1)
    return hfc @ Wfc2 + bfc2

if __name__ == "__main__":
    import jax
    _d = setup_inputs()
    print(jax.jit(kernel)(*tuple(_d.values())))

</pallas_src>

<mosaic_0001>
#map = affine_map<(d0, d1) -> (0)>
#map1 = affine_map<(d0, d1) -> (0, 0)>
module attributes {stable_mosaic.version = 14 : i64} {
  func.func @_sc_gat_pass1_body(%arg0: i32, %arg1: i32, %arg2: memref<331776xi32, #tpu.memory_space<hbm>>, %arg3: memref<331776xi32, #tpu.memory_space<hbm>>, %arg4: memref<10240x16xf32, #tpu.memory_space<hbm>>, %arg5: memref<10240x16xf32, #tpu.memory_space<hbm>>, %arg6: memref<16xf32, #tpu.memory_space<hbm>>, %arg7: memref<10240x16xf32, #tpu.memory_space<hbm>>, %arg8: memref<331776x16xf32, #tpu.memory_space<hbm>>, %arg9: memref<20480x16xf32, #tpu.memory_space<hbm>>, %arg10: memref<128xi32, #tpu.memory_space<vmem>>, %arg11: memref<128xi32, #tpu.memory_space<vmem>>, %arg12: memref<128x16xf32, #tpu.memory_space<vmem>>, %arg13: memref<128x16xf32, #tpu.memory_space<vmem>>, %arg14: memref<128x16xf32, #tpu.memory_space<vmem>>, %arg15: memref<16xf32, #tpu.memory_space<vmem>>, %arg16: memref<10240x16xf32, #tpu.memory_space<vmem_shared>>) attributes {dimension_semantics = [#tpu.dimension_semantics<core_parallel>, #tpu.dimension_semantics<subcore_parallel>], iteration_bounds = array<i64: 2, 16>, scalar_prefetch = 0 : i64, scratch_operands = 7 : i64, tpu.core_type = #tpu.core_type<sc_vector_subcore>, window_params = [{transform_indices = #map}, {transform_indices = #map}, {transform_indices = #map1}, {transform_indices = #map1}, {transform_indices = #map}, {transform_indices = #map1}, {transform_indices = #map1}, {transform_indices = #map1}]} {
    %mul3A = arith.constant 16 : i32
    %mul3A_0 = arith.muli %arg0, %mul3A : i32
    %add3A = arith.addi %mul3A_0, %arg1 : i32
    %mul3A_1 = arith.constant 640 : i32
    %mul3A_2 = arith.muli %arg1, %mul3A_1 : i32
    "tpu.region"() ({
      %run_scoped3A = tpu.sem_alloc : memref<!tpu.dma_semaphore, #tpu.memory_space<semaphore_mem>>
      %dma_start3A = arith.constant 0 : i32
      %dma_start3A_13 = tpu.memref_slice %arg16[%mul3A_2, %dma_start3A] : memref<10240x16xf32, #tpu.memory_space<vmem_shared>> -> memref<640x16xf32, #tpu.memory_space<vmem_shared>>
      %dma_start3A_14 = arith.constant 0 : i32
      %dma_start3A_15 = tpu.memref_slice %arg7[%mul3A_2, %dma_start3A_14] : memref<10240x16xf32, #tpu.memory_space<hbm>> -> memref<640x16xf32, #tpu.memory_space<hbm>>
      tpu.enqueue_dma source(%dma_start3A_15 : memref<640x16xf32, #tpu.memory_space<hbm>>) target(%dma_start3A_13 : memref<640x16xf32, #tpu.memory_space<vmem_shared>>) target_semaphore(%run_scoped3A : memref<!tpu.dma_semaphore, #tpu.memory_space<semaphore_mem>>)
      %dma_wait3A = arith.constant 0 : i32
      %dma_wait3A_16 = tpu.memref_slice %arg16[%mul3A_2, %dma_wait3A] : memref<10240x16xf32, #tpu.memory_space<vmem_shared>> -> memref<640x16xf32, #tpu.memory_space<vmem_shared>>
      %dma_wait3A_17 = arith.constant 0 : i32
      %dma_wait3A_18 = tpu.memref_slice %arg7[%mul3A_2, %dma_wait3A_17] : memref<10240x16xf32, #tpu.memory_space<hbm>> -> memref<640x16xf32, #tpu.memory_space<hbm>>
      tpu.wait_dma2 semaphore(%run_scoped3A : memref<!tpu.dma_semaphore, #tpu.memory_space<semaphore_mem>>) src(%dma_wait3A_18 : memref<640x16xf32, #tpu.memory_space<hbm>>) dst(%dma_wait3A_16 : memref<640x16xf32, #tpu.memory_space<vmem_shared>>)
      tpu.yield
    }) : () -> ()
    "tpu.region"() ({
      %run_scoped3A = tpu.sem_alloc : memref<!tpu.dma_semaphore, #tpu.memory_space<semaphore_mem>>
      tpu.enqueue_dma source(%arg6 : memref<16xf32, #tpu.memory_space<hbm>>) target(%arg15 : memref<16xf32, #tpu.memory_space<vmem>>) target_semaphore(%run_scoped3A : memref<!tpu.dma_semaphore, #tpu.memory_space<semaphore_mem>>)
      tpu.wait_dma2 semaphore(%run_scoped3A : memref<!tpu.dma_semaphore, #tpu.memory_space<semaphore_mem>>) src(%arg6 : memref<16xf32, #tpu.memory_space<hbm>>) dst(%arg15 : memref<16xf32, #tpu.memory_space<vmem>>)
      tpu.yield
    }) : () -> ()
    %barrier3A = arith.constant 0 : index
    tpu.barrier barrier_id(%barrier3A)
    %get3A = arith.constant 0 : index
    %get3A_3 = tpu.vector_load %arg15[%get3A] {strides = array<i32>} : memref<16xf32, #tpu.memory_space<vmem>>, vector<16xf32>,
    %get3A_4 = vector.shape_cast %get3A_3 : vector<16xf32> to vector<16xf32>
    %scan3A = arith.constant 0 : i32
    %scan3A_5 = arith.constant 81 : i32
    %scan3A_6 = arith.addi %scan3A, %scan3A_5 : i32
    %scan3A_7 = arith.constant 1 : i32
    scf.for %scan3A_13 = %scan3A to %scan3A_6 step %scan3A_7  : i32 {
      %mul3A_14 = arith.constant 1 : i32
      %mul3A_15 = arith.muli %scan3A_13, %mul3A_14 : i32
      %add3A_16 = arith.constant 0 : i32
      %add3A_17 = arith.addi %add3A_16, %mul3A_15 : i32
      %mul3A_18 = arith.constant 10368 : i32
      %mul3A_19 = arith.muli %add3A, %mul3A_18 : i32
      %mul3A_20 = arith.constant 128 : i32
      %mul3A_21 = arith.muli %add3A_17, %mul3A_20 : i32
      %add3A_22 = arith.addi %mul3A_19, %mul3A_21 : i32
      "tpu.region"() ({
        %run_scoped3A = tpu.sem_alloc : memref<!tpu.dma_semaphore, #tpu.memory_space<semaphore_mem>>
        %dma_start3A = tpu.memref_slice %arg2[%add3A_22] : memref<331776xi32, #tpu.memory_space<hbm>> -> memref<128xi32, #tpu.memory_space<hbm>>
        %dma_start3A_28 = tpu.memref_slice %arg2[%add3A_22] : memref<331776xi32, #tpu.memory_space<hbm>> -> memref<128xi32, #tpu.memory_space<hbm>>
        tpu.enqueue_dma source(%dma_start3A_28 : memref<128xi32, #tpu.memory_space<hbm>>) target(%arg10 : memref<128xi32, #tpu.memory_space<vmem>>) target_semaphore(%run_scoped3A : memref<!tpu.dma_semaphore, #tpu.memory_space<semaphore_mem>>)
        %dma_wait3A = tpu.memref_slice %arg2[%add3A_22] : memref<331776xi32, #tpu.memory_space<hbm>> -> memref<128xi32, #tpu.memory_space<hbm>>
        %dma_wait3A_29 = tpu.memref_slice %arg2[%add3A_22] : memref<331776xi32, #tpu.memory_space<hbm>> -> memref<128xi32, #tpu.memory_space<hbm>>
        tpu.wait_dma2 semaphore(%run_scoped3A : memref<!tpu.dma_semaphore, #tpu.memory_space<semaphore_mem>>) src(%dma_wait3A_29 : memref<128xi32, #tpu.memory_space<hbm>>) dst(%arg10 : memref<128xi32, #tpu.memory_space<vmem>>)
        tpu.yield
      }) : () -> ()
      "tpu.region"() ({
        %run_scoped3A = tpu.sem_alloc : memref<!tpu.dma_semaphore, #tpu.memory_space<semaphore_mem>>
        %dma_start3A = tpu.memref_slice %arg3[%add3A_22] : memref<331776xi32, #tpu.memory_space<hbm>> -> memref<128xi32, #tpu.memory_space<hbm>>
        %dma_start3A_28 = tpu.memref_slice %arg3[%add3A_22] : memref<331776xi32, #tpu.memory_space<hbm>> -> memref<128xi32, #tpu.memory_space<hbm>>
        tpu.enqueue_dma source(%dma_start3A_28 : memref<128xi32, #tpu.memory_space<hbm>>) target(%arg11 : memref<128xi32, #tpu.memory_space<vmem>>) target_semaphore(%run_scoped3A : memref<!tpu.dma_semaphore, #tpu.memory_space<semaphore_mem>>)
        %dma_wait3A = tpu.memref_slice %arg3[%add3A_22] : memref<331776xi32, #tpu.memory_space<hbm>> -> memref<128xi32, #tpu.memory_space<hbm>>
        %dma_wait3A_29 = tpu.memref_slice %arg3[%add3A_22] : memref<331776xi32, #tpu.memory_space<hbm>> -> memref<128xi32, #tpu.memory_space<hbm>>
        tpu.wait_dma2 semaphore(%run_scoped3A : memref<!tpu.dma_semaphore, #tpu.memory_space<semaphore_mem>>) src(%dma_wait3A_29 : memref<128xi32, #tpu.memory_space<hbm>>) dst(%arg11 : memref<128xi32, #tpu.memory_space<vmem>>)
        tpu.yield
      }) : () -> ()
      "tpu.region"() ({
        %run_scoped3A = tpu.sem_alloc : memref<!tpu.dma_semaphore, #tpu.memory_space<semaphore_mem>>
        %dma_start3A = arith.constant 0 : i32
        %dma_start3A_28 = arith.constant 0 : i32
        %dma_start3A_29 = tpu.memref_slice %arg4[%dma_start3A, %dma_start3A_28] : memref<10240x16xf32, #tpu.memory_space<hbm>> -> memref<10240x16xf32, #tpu.memory_space<hbm>>
        tpu.enqueue_indirect_dma source(%dma_start3A_29 : memref<10240x16xf32, #tpu.memory_space<hbm>>) target(%arg12 : memref<128x16xf32, #tpu.memory_space<vmem>>) offsets(%arg10 : memref<128xi32, #tpu.memory_space<vmem>>) semaphore(%run_scoped3A : memref<!tpu.dma_semaphore, #tpu.memory_space<semaphore_mem>>)
        %dma_wait3A = arith.constant 0 : i32
        %dma_wait3A_30 = arith.constant 0 : i32
        %dma_wait3A_31 = tpu.memref_slice %arg4[%dma_wait3A, %dma_wait3A_30] : memref<10240x16xf32, #tpu.memory_space<hbm>> -> memref<10240x16xf32, #tpu.memory_space<hbm>>
        tpu.wait_indirect_dma semaphore(%run_scoped3A : memref<!tpu.dma_semaphore, #tpu.memory_space<semaphore_mem>>) src(%dma_wait3A_31 : memref<10240x16xf32, #tpu.memory_space<hbm>>) dst(%arg12 : memref<128x16xf32, #tpu.memory_space<vmem>>)
        tpu.yield
      }) : () -> ()
      "tpu.region"() ({
        %run_scoped3A = tpu.sem_alloc : memref<!tpu.dma_semaphore, #tpu.memory_space<semaphore_mem>>
        %dma_start3A = arith.constant 0 : i32
        %dma_start3A_28 = arith.constant 0 : i32
        %dma_start3A_29 = tpu.memref_slice %arg5[%dma_start3A, %dma_start3A_28] : memref<10240x16xf32, #tpu.memory_space<hbm>> -> memref<10240x16xf32, #tpu.memory_space<hbm>>
        tpu.enqueue_indirect_dma source(%dma_start3A_29 : memref<10240x16xf32, #tpu.memory_space<hbm>>) target(%arg13 : memref<128x16xf32, #tpu.memory_space<vmem>>) offsets(%arg11 : memref<128xi32, #tpu.memory_space<vmem>>) semaphore(%run_scoped3A : memref<!tpu.dma_semaphore, #tpu.memory_space<semaphore_mem>>)
        %dma_wait3A = arith.constant 0 : i32
        %dma_wait3A_30 = arith.constant 0 : i32
        %dma_wait3A_31 = tpu.memref_slice %arg5[%dma_wait3A, %dma_wait3A_30] : memref<10240x16xf32, #tpu.memory_space<hbm>> -> memref<10240x16xf32, #tpu.memory_space<hbm>>
        tpu.wait_indirect_dma semaphore(%run_scoped3A : memref<!tpu.dma_semaphore, #tpu.memory_space<semaphore_mem>>) src(%dma_wait3A_31 : memref<10240x16xf32, #tpu.memory_space<hbm>>) dst(%arg13 : memref<128x16xf32, #tpu.memory_space<vmem>>)
        tpu.yield
      }) : () -> ()
      %scan3A_23 = arith.constant 0 : i32
      %scan3A_24 = arith.constant 128 : i32
      %scan3A_25 = arith.addi %scan3A_23, %scan3A_24 : i32
      %scan3A_26 = arith.constant 1 : i32
      scf.for %scan3A_28 = %scan3A_23 to %scan3A_25 step %scan3A_26  : i32 {
        %mul3A_29 = arith.constant 1 : i32
        %mul3A_30 = arith.muli %scan3A_28, %mul3A_29 : i32
        %add3A_31 = arith.constant 0 : i32
        %add3A_32 = arith.addi %add3A_31, %mul3A_30 : i32
        %get3A_33 = arith.index_cast %add3A_32 : i32 to index
        %get3A_34 = arith.constant 0 : index
        %get3A_35 = tpu.vector_load %arg12[%get3A_33, %get3A_34] {strides = array<i32>} : memref<128x16xf32, #tpu.memory_space<vmem>>, vector<1x16xf32>,
        %get3A_36 = vector.shape_cast %get3A_35 : vector<1x16xf32> to vector<16xf32>
        %get3A_37 = arith.index_cast %add3A_32 : i32 to index
        %get3A_38 = arith.constant 0 : index
        %get3A_39 = tpu.vector_load %arg13[%get3A_37, %get3A_38] {strides = array<i32>} : memref<128x16xf32, #tpu.memory_space<vmem>>, vector<1x16xf32>,
        %get3A_40 = vector.shape_cast %get3A_39 : vector<1x16xf32> to vector<16xf32>
        %add3A_41 = arith.addf %get3A_36, %get3A_40 : vector<16xf32>
        %ge3A = arith.constant 0.000000e+00 : f32
        %ge3A_42 = vector.broadcast %ge3A : f32 to vector<16xf32>
        %ge3A_43 = arith.cmpf oge, %add3A_41, %ge3A_42 : vector<16xf32>
        %mul3A_44 = arith.constant 2.000000e-01 : f32
        %mul3A_45 = vector.broadcast %mul3A_44 : f32 to vector<16xf32>
        %mul3A_46 = arith.mulf %mul3A_45, %add3A_41 : vector<16xf32>
        %select_n3A = arith.select %ge3A_43, %add3A_41, %mul3A_46 : vector<16xi1>, vector<16xf32>
        %add3A_47 = arith.addf %get3A_4, %get3A_40 : vector<16xf32>
        %ge3A_48 = arith.constant 0.000000e+00 : f32
        %ge3A_49 = vector.broadcast %ge3A_48 : f32 to vector<16xf32>
        %ge3A_50 = arith.cmpf oge, %add3A_47, %ge3A_49 : vector<16xf32>
        %mul3A_51 = arith.constant 2.000000e-01 : f32
        %mul3A_52 = vector.broadcast %mul3A_51 : f32 to vector<16xf32>
        %mul3A_53 = arith.mulf %mul3A_52, %add3A_47 : vector<16xf32>
        %select_n3A_54 = arith.select %ge3A_50, %add3A_47, %mul3A_53 : vector<16xi1>, vector<16xf32>
        %sub3A = arith.subf %select_n3A, %select_n3A_54 : vector<16xf32>
        %exp3A = math.exp %sub3A : vector<16xf32>
        %swap3A = arith.index_cast %add3A_32 : i32 to index
        %swap3A_55 = arith.constant 0 : index
        %swap3A_56 = tpu.vector_load %arg14[%swap3A, %swap3A_55] {strides = array<i32>} : memref<128x16xf32, #tpu.memory_space<vmem>>, vector<1x16xf32>,
        %swap3A_57 = vector.shape_cast %swap3A_56 : vector<1x16xf32> to vector<16xf32>
        %swap3A_58 = vector.shape_cast %exp3A : vector<16xf32> to vector<1x16xf32>
        tpu.vector_store %arg14[%swap3A, %swap3A_55], %swap3A_58 {strides = array<i32>} : memref<128x16xf32, #tpu.memory_space<vmem>>, vector<1x16xf32>,
      }
      %scan3A_27 = arith.constant 128 : i32
      "tpu.region"() ({
        %run_scoped3A = tpu.sem_alloc : memref<!tpu.dma_semaphore, #tpu.memory_space<semaphore_mem>>
        %dma_start3A = arith.constant 0 : i32
        %dma_start3A_28 = tpu.memref_slice %arg8[%add3A_22, %dma_start3A] : memref<331776x16xf32, #tpu.memory_space<hbm>> -> memref<128x16xf32, #tpu.memory_space<hbm>>
        %dma_start3A_29 = arith.constant 0 : i32
        %dma_start3A_30 = tpu.memref_slice %arg8[%add3A_22, %dma_start3A_29] : memref<331776x16xf32, #tpu.memory_space<hbm>> -> memref<128x16xf32, #tpu.memory_space<hbm>>
        tpu.enqueue_dma source(%arg14 : memref<128x16xf32, #tpu.memory_space<vmem>>) target(%dma_start3A_30 : memref<128x16xf32, #tpu.memory_space<hbm>>) target_semaphore(%run_scoped3A : memref<!tpu.dma_semaphore, #tpu.memory_space<semaphore_mem>>)
        %dma_wait3A = arith.constant 0 : i32
        %dma_wait3A_31 = tpu.memref_slice %arg8[%add3A_22, %dma_wait3A] : memref<331776x16xf32, #tpu.memory_space<hbm>> -> memref<128x16xf32, #tpu.memory_space<hbm>>
        %dma_wait3A_32 = arith.constant 0 : i32
        %dma_wait3A_33 = tpu.memref_slice %arg8[%add3A_22, %dma_wait3A_32] : memref<331776x16xf32, #tpu.memory_space<hbm>> -> memref<128x16xf32, #tpu.memory_space<hbm>>
        tpu.wait_dma2 semaphore(%run_scoped3A : memref<!tpu.dma_semaphore, #tpu.memory_space<semaphore_mem>>) src(%arg14 : memref<128x16xf32, #tpu.memory_space<vmem>>) dst(%dma_wait3A_33 : memref<128x16xf32, #tpu.memory_space<hbm>>)
        tpu.yield
      }) : () -> ()
      "tpu.region"() ({
        %run_scoped3A = tpu.sem_alloc : memref<!tpu.dma_semaphore, #tpu.memory_space<semaphore_mem>>
        %dma_start3A = arith.constant 0 : i32
        %dma_start3A_28 = arith.constant 0 : i32
        %dma_start3A_29 = tpu.memref_slice %arg16[%dma_start3A, %dma_start3A_28] : memref<10240x16xf32, #tpu.memory_space<vmem_shared>> -> memref<10240x16xf32, #tpu.memory_space<vmem_shared>>
        tpu.enqueue_indirect_dma source(%arg14 : memref<128x16xf32, #tpu.memory_space<vmem>>) target(%dma_start3A_29 : memref<10240x16xf32, #tpu.memory_space<vmem_shared>>) offsets(%arg11 : memref<128xi32, #tpu.memory_space<vmem>>) semaphore(%run_scoped3A : memref<!tpu.dma_semaphore, #tpu.memory_space<semaphore_mem>>) {add = true}
        %dma_wait3A = arith.constant 0 : i32
        %dma_wait3A_30 = arith.constant 0 : i32
        %dma_wait3A_31 = tpu.memref_slice %arg16[%dma_wait3A, %dma_wait3A_30] : memref<10240x16xf32, #tpu.memory_space<vmem_shared>> -> memref<10240x16xf32, #tpu.memory_space<vmem_shared>>
        tpu.wait_indirect_dma semaphore(%run_scoped3A : memref<!tpu.dma_semaphore, #tpu.memory_space<semaphore_mem>>) src(%arg14 : memref<128x16xf32, #tpu.memory_space<vmem>>) dst(%dma_wait3A_31 : memref<10240x16xf32, #tpu.memory_space<vmem_shared>>)
        tpu.yield
      }) : () -> ()
    }
    %scan3A_8 = arith.constant 81 : i32
    %barrier3A_9 = arith.constant 0 : index
    tpu.barrier barrier_id(%barrier3A_9)
    %mul3A_10 = arith.constant 10240 : i32
    %mul3A_11 = arith.muli %arg0, %mul3A_10 : i32
    %add3A_12 = arith.addi %mul3A_11, %mul3A_2 : i32
    "tpu.region"() ({
      %run_scoped3A = tpu.sem_alloc : memref<!tpu.dma_semaphore, #tpu.memory_space<semaphore_mem>>
      %dma_start3A = arith.constant 0 : i32
      %dma_start3A_13 = tpu.memref_slice %arg9[%add3A_12, %dma_start3A] : memref<20480x16xf32, #tpu.memory_space<hbm>> -> memref<640x16xf32, #tpu.memory_space<hbm>>
      %dma_start3A_14 = arith.constant 0 : i32
      %dma_start3A_15 = tpu.memref_slice %arg16[%mul3A_2, %dma_start3A_14] : memref<10240x16xf32, #tpu.memory_space<vmem_shared>> -> memref<640x16xf32, #tpu.memory_space<vmem_shared>>
      tpu.enqueue_dma source(%dma_start3A_15 : memref<640x16xf32, #tpu.memory_space<vmem_shared>>) target(%dma_start3A_13 : memref<640x16xf32, #tpu.memory_space<hbm>>) target_semaphore(%run_scoped3A : memref<!tpu.dma_semaphore, #tpu.memory_space<semaphore_mem>>)
      %dma_wait3A = arith.constant 0 : i32
      %dma_wait3A_16 = tpu.memref_slice %arg9[%add3A_12, %dma_wait3A] : memref<20480x16xf32, #tpu.memory_space<hbm>> -> memref<640x16xf32, #tpu.memory_space<hbm>>
      %dma_wait3A_17 = arith.constant 0 : i32
      %dma_wait3A_18 = tpu.memref_slice %arg16[%mul3A_2, %dma_wait3A_17] : memref<10240x16xf32, #tpu.memory_space<vmem_shared>> -> memref<640x16xf32, #tpu.memory_space<vmem_shared>>
      tpu.wait_dma2 semaphore(%run_scoped3A : memref<!tpu.dma_semaphore, #tpu.memory_space<semaphore_mem>>) src(%dma_wait3A_18 : memref<640x16xf32, #tpu.memory_space<vmem_shared>>) dst(%dma_wait3A_16 : memref<640x16xf32, #tpu.memory_space<hbm>>)
      tpu.yield
    }) : () -> ()
    return
  }
}

#map = affine_map<(d0, d1) -> (0)>
#map1 = affine_map<(d0, d1) -> (0, 0)>
module attributes {stable_mosaic.version = 14 : i64} {
  func.func @_sc_gat_pass1_body(%arg0: i32, %arg1: i32, %arg2: memref<331776xi32, #tpu.memory_space<hbm>>, %arg3: memref<331776xi32, #tpu.memory_space<hbm>>, %arg4: memref<10240x16xf32, #tpu.memory_space<hbm>>, %arg5: memref<10240x16xf32, #tpu.memory_space<hbm>>, %arg6: memref<16xf32, #tpu.memory_space<hbm>>, %arg7: memref<10240x16xf32, #tpu.memory_space<hbm>>, %arg8: memref<331776x16xf32, #tpu.memory_space<hbm>>, %arg9: memref<20480x16xf32, #tpu.memory_space<hbm>>, %arg10: memref<128xi32, #tpu.memory_space<vmem>>, %arg11: memref<128xi32, #tpu.memory_space<vmem>>, %arg12: memref<128x16xf32, #tpu.memory_space<vmem>>, %arg13: memref<128x16xf32, #tpu.memory_space<vmem>>, %arg14: memref<128x16xf32, #tpu.memory_space<vmem>>, %arg15: memref<16xf32, #tpu.memory_space<vmem>>, %arg16: memref<10240x16xf32, #tpu.memory_space<vmem_shared>>) attributes {dimension_semantics = [#tpu.dimension_semantics<core_parallel>, #tpu.dimension_semantics<subcore_parallel>], iteration_bounds = array<i64: 2, 16>, scalar_prefetch = 0 : i64, scratch_operands = 7 : i64, tpu.core_type = #tpu.core_type<sc_vector_subcore>, window_params = [{transform_indices = #map}, {transform_indices = #map}, {transform_indices = #map1}, {transform_indices = #map1}, {transform_indices = #map}, {transform_indices = #map1}, {transform_indices = #map1}, {transform_indices = #map1}]} {
    %mul3A = arith.constant 16 : i32
    %mul3A_0 = arith.muli %arg0, %mul3A : i32
    %add3A = arith.addi %mul3A_0, %arg1 : i32
    %mul3A_1 = arith.constant 640 : i32
    %mul3A_2 = arith.muli %arg1, %mul3A_1 : i32
    "tpu.region"() ({
      %run_scoped3A = tpu.sem_alloc : memref<!tpu.dma_semaphore, #tpu.memory_space<semaphore_mem>>
      %dma_start3A = arith.constant 0 : i32
      %dma_start3A_13 = tpu.memref_slice %arg16[%mul3A_2, %dma_start3A] : memref<10240x16xf32, #tpu.memory_space<vmem_shared>> -> memref<640x16xf32, #tpu.memory_space<vmem_shared>>
      %dma_start3A_14 = arith.constant 0 : i32
      %dma_start3A_15 = tpu.memref_slice %arg7[%mul3A_2, %dma_start3A_14] : memref<10240x16xf32, #tpu.memory_space<hbm>> -> memref<640x16xf32, #tpu.memory_space<hbm>>
      tpu.enqueue_dma source(%dma_start3A_15 : memref<640x16xf32, #tpu.memory_space<hbm>>) target(%dma_start3A_13 : memref<640x16xf32, #tpu.memory_space<vmem_shared>>) target_semaphore(%run_scoped3A : memref<!tpu.dma_semaphore, #tpu.memory_space<semaphore_mem>>)
      %dma_wait3A = arith.constant 0 : i32
      %dma_wait3A_16 = tpu.memref_slice %arg16[%mul3A_2, %dma_wait3A] : memref<10240x16xf32, #tpu.memory_space<vmem_shared>> -> memref<640x16xf32, #tpu.memory_space<vmem_shared>>
      %dma_wait3A_17 = arith.constant 0 : i32
      %dma_wait3A_18 = tpu.memref_slice %arg7[%mul3A_2, %dma_wait3A_17] : memref<10240x16xf32, #tpu.memory_space<hbm>> -> memref<640x16xf32, #tpu.memory_space<hbm>>
      tpu.wait_dma2 semaphore(%run_scoped3A : memref<!tpu.dma_semaphore, #tpu.memory_space<semaphore_mem>>) src(%dma_wait3A_18 : memref<640x16xf32, #tpu.memory_space<hbm>>) dst(%dma_wait3A_16 : memref<640x16xf32, #tpu.memory_space<vmem_shared>>)
      tpu.yield
    }) : () -> ()
    "tpu.region"() ({
      %run_scoped3A = tpu.sem_alloc : memref<!tpu.dma_semaphore, #tpu.memory_space<semaphore_mem>>
      tpu.enqueue_dma source(%arg6 : memref<16xf32, #tpu.memory_space<hbm>>) target(%arg15 : memref<16xf32, #tpu.memory_space<vmem>>) target_semaphore(%run_scoped3A : memref<!tpu.dma_semaphore, #tpu.memory_space<semaphore_mem>>)
      tpu.wait_dma2 semaphore(%run_scoped3A : memref<!tpu.dma_semaphore, #tpu.memory_space<semaphore_mem>>) src(%arg6 : memref<16xf32, #tpu.memory_space<hbm>>) dst(%arg15 : memref<16xf32, #tpu.memory_space<vmem>>)
      tpu.yield
    }) : () -> ()
    %barrier3A = arith.constant 0 : index
    tpu.barrier barrier_id(%barrier3A)
    %get3A = arith.constant 0 : index
    %get3A_3 = tpu.vector_load %arg15[%get3A] {strides = array<i32>} : memref<16xf32, #tpu.memory_space<vmem>>, vector<16xf32>,
    %get3A_4 = vector.shape_cast %get3A_3 : vector<16xf32> to vector<16xf32>
    %scan3A = arith.constant 0 : i32
    %scan3A_5 = arith.constant 81 : i32
    %scan3A_6 = arith.addi %scan3A, %scan3A_5 : i32
    %scan3A_7 = arith.constant 1 : i32
    scf.for %scan3A_13 = %scan3A to %scan3A_6 step %scan3A_7  : i32 {
      %mul3A_14 = arith.constant 1 : i32
      %mul3A_15 = arith.muli %scan3A_13, %mul3A_14 : i32
      %add3A_16 = arith.constant 0 : i32
      %add3A_17 = arith.addi %add3A_16, %mul3A_15 : i32
      %mul3A_18 = arith.constant 10368 : i32
      %mul3A_19 = arith.muli %add3A, %mul3A_18 : i32
      %mul3A_20 = arith.constant 128 : i32
      %mul3A_21 = arith.muli %add3A_17, %mul3A_20 : i32
      %add3A_22 = arith.addi %mul3A_19, %mul3A_21 : i32
      "tpu.region"() ({
        %run_scoped3A = tpu.sem_alloc : memref<!tpu.dma_semaphore, #tpu.memory_space<semaphore_mem>>
        %dma_start3A = tpu.memref_slice %arg2[%add3A_22] : memref<331776xi32, #tpu.memory_space<hbm>> -> memref<128xi32, #tpu.memory_space<hbm>>
        %dma_start3A_28 = tpu.memref_slice %arg2[%add3A_22] : memref<331776xi32, #tpu.memory_space<hbm>> -> memref<128xi32, #tpu.memory_space<hbm>>
        tpu.enqueue_dma source(%dma_start3A_28 : memref<128xi32, #tpu.memory_space<hbm>>) target(%arg10 : memref<128xi32, #tpu.memory_space<vmem>>) target_semaphore(%run_scoped3A : memref<!tpu.dma_semaphore, #tpu.memory_space<semaphore_mem>>)
        %dma_wait3A = tpu.memref_slice %arg2[%add3A_22] : memref<331776xi32, #tpu.memory_space<hbm>> -> memref<128xi32, #tpu.memory_space<hbm>>
        %dma_wait3A_29 = tpu.memref_slice %arg2[%add3A_22] : memref<331776xi32, #tpu.memory_space<hbm>> -> memref<128xi32, #tpu.memory_space<hbm>>
        tpu.wait_dma2 semaphore(%run_scoped3A : memref<!tpu.dma_semaphore, #tpu.memory_space<semaphore_mem>>) src(%dma_wait3A_29 : memref<128xi32, #tpu.memory_space<hbm>>) dst(%arg10 : memref<128xi32, #tpu.memory_space<vmem>>)
        tpu.yield
      }) : () -> ()
      "tpu.region"() ({
        %run_scoped3A = tpu.sem_alloc : memref<!tpu.dma_semaphore, #tpu.memory_space<semaphore_mem>>
        %dma_start3A = tpu.memref_slice %arg3[%add3A_22] : memref<331776xi32, #tpu.memory_space<hbm>> -> memref<128xi32, #tpu.memory_space<hbm>>
        %dma_start3A_28 = tpu.memref_slice %arg3[%add3A_22] : memref<331776xi32, #tpu.memory_space<hbm>> -> memref<128xi32, #tpu.memory_space<hbm>>
        tpu.enqueue_dma source(%dma_start3A_28 : memref<128xi32, #tpu.memory_space<hbm>>) target(%arg11 : memref<128xi32, #tpu.memory_space<vmem>>) target_semaphore(%run_scoped3A : memref<!tpu.dma_semaphore, #tpu.memory_space<semaphore_mem>>)
        %dma_wait3A = tpu.memref_slice %arg3[%add3A_22] : memref<331776xi32, #tpu.memory_space<hbm>> -> memref<128xi32, #tpu.memory_space<hbm>>
        %dma_wait3A_29 = tpu.memref_slice %arg3[%add3A_22] : memref<331776xi32, #tpu.memory_space<hbm>> -> memref<128xi32, #tpu.memory_space<hbm>>
        tpu.wait_dma2 semaphore(%run_scoped3A : memref<!tpu.dma_semaphore, #tpu.memory_space<semaphore_mem>>) src(%dma_wait3A_29 : memref<128xi32, #tpu.memory_space<hbm>>) dst(%arg11 : memref<128xi32, #tpu.memory_space<vmem>>)
        tpu.yield
      }) : () -> ()
      "tpu.region"() ({
        %run_scoped3A = tpu.sem_alloc : memref<!tpu.dma_semaphore, #tpu.memory_space<semaphore_mem>>
        %dma_start3A = arith.constant 0 : i32
        %dma_start3A_28 = arith.constant 0 : i32
        %dma_start3A_29 = tpu.memref_slice %arg4[%dma_start3A, %dma_start3A_28] : memref<10240x16xf32, #tpu.memory_space<hbm>> -> memref<10240x16xf32, #tpu.memory_space<hbm>>
        tpu.enqueue_indirect_dma source(%dma_start3A_29 : memref<10240x16xf32, #tpu.memory_space<hbm>>) target(%arg12 : memref<128x16xf32, #tpu.memory_space<vmem>>) offsets(%arg10 : memref<128xi32, #tpu.memory_space<vmem>>) semaphore(%run_scoped3A : memref<!tpu.dma_semaphore, #tpu.memory_space<semaphore_mem>>)
        %dma_wait3A = arith.constant 0 : i32
        %dma_wait3A_30 = arith.constant 0 : i32
        %dma_wait3A_31 = tpu.memref_slice %arg4[%dma_wait3A, %dma_wait3A_30] : memref<10240x16xf32, #tpu.memory_space<hbm>> -> memref<10240x16xf32, #tpu.memory_space<hbm>>
        tpu.wait_indirect_dma semaphore(%run_scoped3A : memref<!tpu.dma_semaphore, #tpu.memory_space<semaphore_mem>>) src(%dma_wait3A_31 : memref<10240x16xf32, #tpu.memory_space<hbm>>) dst(%arg12 : memref<128x16xf32, #tpu.memory_space<vmem>>)
        tpu.yield
      }) : () -> ()
      "tpu.region"() ({
        %run_scoped3A = tpu.sem_alloc : memref<!tpu.dma_semaphore, #tpu.memory_space<semaphore_mem>>
        %dma_start3A = arith.constant 0 : i32
        %dma_start3A_28 = arith.constant 0 : i32
        %dma_start3A_29 = tpu.memref_slice %arg5[%dma_start3A, %dma_start3A_28] : memref<10240x16xf32, #tpu.memory_space<hbm>> -> memref<10240x16xf32, #tpu.memory_space<hbm>>
        tpu.enqueue_indirect_dma source(%dma_start3A_29 : memref<10240x16xf32, #tpu.memory_space<hbm>>) target(%arg13 : memref<128x16xf32, #tpu.memory_space<vmem>>) offsets(%arg11 : memref<128xi32, #tpu.memory_space<vmem>>) semaphore(%run_scoped3A : memref<!tpu.dma_semaphore, #tpu.memory_space<semaphore_mem>>)
        %dma_wait3A = arith.constant 0 : i32
        %dma_wait3A_30 = arith.constant 0 : i32
        %dma_wait3A_31 = tpu.memref_slice %arg5[%dma_wait3A, %dma_wait3A_30] : memref<10240x16xf32, #tpu.memory_space<hbm>> -> memref<10240x16xf32, #tpu.memory_space<hbm>>
        tpu.wait_indirect_dma semaphore(%run_scoped3A : memref<!tpu.dma_semaphore, #tpu.memory_space<semaphore_mem>>) src(%dma_wait3A_31 : memref<10240x16xf32, #tpu.memory_space<hbm>>) dst(%arg13 : memref<128x16xf32, #tpu.memory_space<vmem>>)
        tpu.yield
      }) : () -> ()
      %scan3A_23 = arith.constant 0 : i32
      %scan3A_24 = arith.constant 128 : i32
      %scan3A_25 = arith.addi %scan3A_23, %scan3A_24 : i32
      %scan3A_26 = arith.constant 1 : i32
      scf.for %scan3A_28 = %scan3A_23 to %scan3A_25 step %scan3A_26  : i32 {
        %mul3A_29 = arith.constant 1 : i32
        %mul3A_30 = arith.muli %scan3A_28, %mul3A_29 : i32
        %add3A_31 = arith.constant 0 : i32
        %add3A_32 = arith.addi %add3A_31, %mul3A_30 : i32
        %get3A_33 = arith.index_cast %add3A_32 : i32 to index
        %get3A_34 = arith.constant 0 : index
        %get3A_35 = tpu.vector_load %arg12[%get3A_33, %get3A_34] {strides = array<i32>} : memref<128x16xf32, #tpu.memory_space<vmem>>, vector<1x16xf32>,
        %get3A_36 = vector.shape_cast %get3A_35 : vector<1x16xf32> to vector<16xf32>
        %get3A_37 = arith.index_cast %add3A_32 : i32 to index
        %get3A_38 = arith.constant 0 : index
        %get3A_39 = tpu.vector_load %arg13[%get3A_37, %get3A_38] {strides = array<i32>} : memref<128x16xf32, #tpu.memory_space<vmem>>, vector<1x16xf32>,
        %get3A_40 = vector.shape_cast %get3A_39 : vector<1x16xf32> to vector<16xf32>
        %add3A_41 = arith.addf %get3A_36, %get3A_40 : vector<16xf32>
        %ge3A = arith.constant 0.000000e+00 : f32
        %ge3A_42 = vector.broadcast %ge3A : f32 to vector<16xf32>
        %ge3A_43 = arith.cmpf oge, %add3A_41, %ge3A_42 : vector<16xf32>
        %mul3A_44 = arith.constant 2.000000e-01 : f32
        %mul3A_45 = vector.broadcast %mul3A_44 : f32 to vector<16xf32>
        %mul3A_46 = arith.mulf %mul3A_45, %add3A_41 : vector<16xf32>
        %select_n3A = arith.select %ge3A_43, %add3A_41, %mul3A_46 : vector<16xi1>, vector<16xf32>
        %add3A_47 = arith.addf %get3A_4, %get3A_40 : vector<16xf32>
        %ge3A_48 = arith.constant 0.000000e+00 : f32
        %ge3A_49 = vector.broadcast %ge3A_48 : f32 to vector<16xf32>
        %ge3A_50 = arith.cmpf oge, %add3A_47, %ge3A_49 : vector<16xf32>
        %mul3A_51 = arith.constant 2.000000e-01 : f32
        %mul3A_52 = vector.broadcast %mul3A_51 : f32 to vector<16xf32>
        %mul3A_53 = arith.mulf %mul3A_52, %add3A_47 : vector<16xf32>
        %select_n3A_54 = arith.select %ge3A_50, %add3A_47, %mul3A_53 : vector<16xi1>, vector<16xf32>
        %sub3A = arith.subf %select_n3A, %select_n3A_54 : vector<16xf32>
        %exp3A = math.exp %sub3A : vector<16xf32>
        %swap3A = arith.index_cast %add3A_32 : i32 to index
        %swap3A_55 = arith.constant 0 : index
        %swap3A_56 = tpu.vector_load %arg14[%swap3A, %swap3A_55] {strides = array<i32>} : memref<128x16xf32, #tpu.memory_space<vmem>>, vector<1x16xf32>,
        %swap3A_57 = vector.shape_cast %swap3A_56 : vector<1x16xf32> to vector<16xf32>
        %swap3A_58 = vector.shape_cast %exp3A : vector<16xf32> to vector<1x16xf32>
        tpu.vector_store %arg14[%swap3A, %swap3A_55], %swap3A_58 {strides = array<i32>} : memref<128x16xf32, #tpu.memory_space<vmem>>, vector<1x16xf32>,
      }
      %scan3A_27 = arith.constant 128 : i32
      "tpu.region"() ({
        %run_scoped3A = tpu.sem_alloc : memref<!tpu.dma_semaphore, #tpu.memory_space<semaphore_mem>>
        %dma_start3A = arith.constant 0 : i32
        %dma_start3A_28 = tpu.memref_slice %arg8[%add3A_22, %dma_start3A] : memref<331776x16xf32, #tpu.memory_space<hbm>> -> memref<128x16xf32, #tpu.memory_space<hbm>>
        %dma_start3A_29 = arith.constant 0 : i32
        %dma_start3A_30 = tpu.memref_slice %arg8[%add3A_22, %dma_start3A_29] : memref<331776x16xf32, #tpu.memory_space<hbm>> -> memref<128x16xf32, #tpu.memory_space<hbm>>
        tpu.enqueue_dma source(%arg14 : memref<128x16xf32, #tpu.memory_space<vmem>>) target(%dma_start3A_30 : memref<128x16xf32, #tpu.memory_space<hbm>>) target_semaphore(%run_scoped3A : memref<!tpu.dma_semaphore, #tpu.memory_space<semaphore_mem>>)
        %dma_wait3A = arith.constant 0 : i32
        %dma_wait3A_31 = tpu.memref_slice %arg8[%add3A_22, %dma_wait3A] : memref<331776x16xf32, #tpu.memory_space<hbm>> -> memref<128x16xf32, #tpu.memory_space<hbm>>
        %dma_wait3A_32 = arith.constant 0 : i32
        %dma_wait3A_33 = tpu.memref_slice %arg8[%add3A_22, %dma_wait3A_32] : memref<331776x16xf32, #tpu.memory_space<hbm>> -> memref<128x16xf32, #tpu.memory_space<hbm>>
        tpu.wait_dma2 semaphore(%run_scoped3A : memref<!tpu.dma_semaphore, #tpu.memory_space<semaphore_mem>>) src(%arg14 : memref<128x16xf32, #tpu.memory_space<vmem>>) dst(%dma_wait3A_33 : memref<128x16xf32, #tpu.memory_space<hbm>>)
        tpu.yield
      }) : () -> ()
      "tpu.region"() ({
        %run_scoped3A = tpu.sem_alloc : memref<!tpu.dma_semaphore, #tpu.memory_space<semaphore_mem>>
        %dma_start3A = arith.constant 0 : i32
        %dma_start3A_28 = arith.constant 0 : i32
        %dma_start3A_29 = tpu.memref_slice %arg16[%dma_start3A, %dma_start3A_28] : memref<10240x16xf32, #tpu.memory_space<vmem_shared>> -> memref<10240x16xf32, #tpu.memory_space<vmem_shared>>
        tpu.enqueue_indirect_dma source(%arg14 : memref<128x16xf32, #tpu.memory_space<vmem>>) target(%dma_start3A_29 : memref<10240x16xf32, #tpu.memory_space<vmem_shared>>) offsets(%arg11 : memref<128xi32, #tpu.memory_space<vmem>>) semaphore(%run_scoped3A : memref<!tpu.dma_semaphore, #tpu.memory_space<semaphore_mem>>) {add = true}
        %dma_wait3A = arith.constant 0 : i32
        %dma_wait3A_30 = arith.constant 0 : i32
        %dma_wait3A_31 = tpu.memref_slice %arg16[%dma_wait3A, %dma_wait3A_30] : memref<10240x16xf32, #tpu.memory_space<vmem_shared>> -> memref<10240x16xf32, #tpu.memory_space<vmem_shared>>
        tpu.wait_indirect_dma semaphore(%run_scoped3A : memref<!tpu.dma_semaphore, #tpu.memory_space<semaphore_mem>>) src(%arg14 : memref<128x16xf32, #tpu.memory_space<vmem>>) dst(%dma_wait3A_31 : memref<10240x16xf32, #tpu.memory_space<vmem_shared>>)
        tpu.yield
      }) : () -> ()
    }
    %scan3A_8 = arith.constant 81 : i32
    %barrier3A_9 = arith.constant 0 : index
    tpu.barrier barrier_id(%barrier3A_9)
    %mul3A_10 = arith.constant 10240 : i32
    %mul3A_11 = arith.muli %arg0, %mul3A_10 : i32
    %add3A_12 = arith.addi %mul3A_11, %mul3A_2 : i32
    "tpu.region"() ({
      %run_scoped3A = tpu.sem_alloc : memref<!tpu.dma_semaphore, #tpu.memory_space<semaphore_mem>>
      %dma_start3A = arith.constant 0 : i32
      %dma_start3A_13 = tpu.memref_slice %arg9[%add3A_12, %dma_start3A] : memref<20480x16xf32, #tpu.memory_space<hbm>> -> memref<640x16xf32, #tpu.memory_space<hbm>>
      %dma_start3A_14 = arith.constant 0 : i32
      %dma_start3A_15 = tpu.memref_slice %arg16[%mul3A_2, %dma_start3A_14] : memref<10240x16xf32, #tpu.memory_space<vmem_shared>> -> memref<640x16xf32, #tpu.memory_space<vmem_shared>>
      tpu.enqueue_dma source(%dma_start3A_15 : memref<640x16xf32, #tpu.memory_space<vmem_shared>>) target(%dma_start3A_13 : memref<640x16xf32, #tpu.memory_space<hbm>>) target_semaphore(%run_scoped3A : memref<!tpu.dma_semaphore, #tpu.memory_space<semaphore_mem>>)
      %dma_wait3A = arith.constant 0 : i32
      %dma_wait3A_16 = tpu.memref_slice %arg9[%add3A_12, %dma_wait3A] : memref<20480x16xf32, #tpu.memory_space<hbm>> -> memref<640x16xf32, #tpu.memory_space<hbm>>
      %dma_wait3A_17 = arith.constant 0 : i32
      %dma_wait3A_18 = tpu.memref_slice %arg16[%mul3A_2, %dma_wait3A_17] : memref<10240x16xf32, #tpu.memory_space<vmem_shared>> -> memref<640x16xf32, #tpu.memory_space<vmem_shared>>
      tpu.wait_dma2 semaphore(%run_scoped3A : memref<!tpu.dma_semaphore, #tpu.memory_space<semaphore_mem>>) src(%dma_wait3A_18 : memref<640x16xf32, #tpu.memory_space<vmem_shared>>) dst(%dma_wait3A_16 : memref<640x16xf32, #tpu.memory_space<hbm>>)
      tpu.yield
    }) : () -> ()
    return
  }
}

#map = affine_map<(d0, d1) -> (0)>
#map1 = affine_map<(d0, d1) -> (0, 0)>
module attributes {stable_mosaic.version = 14 : i64} {
  func.func @_sc_gat_pass2_body(%arg0: i32, %arg1: i32, %arg2: memref<331776xi32, #tpu.memory_space<hbm>>, %arg3: memref<331776xi32, #tpu.memory_space<hbm>>, %arg4: memref<331776x16xf32, #tpu.memory_space<hbm>>, %arg5: memref<10240x16xf32, #tpu.memory_space<hbm>>, %arg6: memref<10240x16xf32, #tpu.memory_space<hbm>>, %arg7: memref<10240x128xf32, #tpu.memory_space<hbm>>, %arg8: memref<10240x128xf32, #tpu.memory_space<hbm>>, %arg9: memref<20480x128xf32, #tpu.memory_space<hbm>>, %arg10: memref<128xi32, #tpu.memory_space<vmem>>, %arg11: memref<128xi32, #tpu.memory_space<vmem>>, %arg12: memref<128x16xf32, #tpu.memory_space<vmem>>, %arg13: memref<128x16xf32, #tpu.memory_space<vmem>>, %arg14: memref<128x16xf32, #tpu.memory_space<vmem>>, %arg15: memref<128x128xf32, #tpu.memory_space<vmem>>, %arg16: memref<128x128xf32, #tpu.memory_space<vmem>>, %arg17: memref<10240x128xf32, #tpu.memory_space<vmem_shared>>) attributes {dimension_semantics = [#tpu.dimension_semantics<core_parallel>, #tpu.dimension_semantics<subcore_parallel>], iteration_bounds = array<i64: 2, 16>, scalar_prefetch = 0 : i64, scratch_operands = 8 : i64, tpu.core_type = #tpu.core_type<sc_vector_subcore>, window_params = [{transform_indices = #map}, {transform_indices = #map}, {transform_indices = #map1}, {transform_indices = #map1}, {transform_indices = #map1}, {transform_indices = #map1}, {transform_indices = #map1}, {transform_indices = #map1}]} {
    %mul3A = arith.constant 16 : i32
    %mul3A_0 = arith.muli %arg0, %mul3A : i32
    %add3A = arith.addi %mul3A_0, %arg1 : i32
    %mul3A_1 = arith.constant 640 : i32
    %mul3A_2 = arith.muli %arg1, %mul3A_1 : i32
    "tpu.region"() ({
      %run_scoped3A = tpu.sem_alloc : memref<!tpu.dma_semaphore, #tpu.memory_space<semaphore_mem>>
      %dma_start3A = arith.constant 0 : i32
      %dma_start3A_11 = tpu.memref_slice %arg17[%mul3A_2, %dma_start3A] : memref<10240x128xf32, #tpu.memory_space<vmem_shared>> -> memref<640x128xf32, #tpu.memory_space<vmem_shared>>
      %dma_start3A_12 = arith.constant 0 : i32
      %dma_start3A_13 = tpu.memref_slice %arg8[%mul3A_2, %dma_start3A_12] : memref<10240x128xf32, #tpu.memory_space<hbm>> -> memref<640x128xf32, #tpu.memory_space<hbm>>
      tpu.enqueue_dma source(%dma_start3A_13 : memref<640x128xf32, #tpu.memory_space<hbm>>) target(%dma_start3A_11 : memref<640x128xf32, #tpu.memory_space<vmem_shared>>) target_semaphore(%run_scoped3A : memref<!tpu.dma_semaphore, #tpu.memory_space<semaphore_mem>>)
      %dma_wait3A = arith.constant 0 : i32
      %dma_wait3A_14 = tpu.memref_slice %arg17[%mul3A_2, %dma_wait3A] : memref<10240x128xf32, #tpu.memory_space<vmem_shared>> -> memref<640x128xf32, #tpu.memory_space<vmem_shared>>
      %dma_wait3A_15 = arith.constant 0 : i32
      %dma_wait3A_16 = tpu.memref_slice %arg8[%mul3A_2, %dma_wait3A_15] : memref<10240x128xf32, #tpu.memory_space<hbm>> -> memref<640x128xf32, #tpu.memory_space<hbm>>
      tpu.wait_dma2 semaphore(%run_scoped3A : memref<!tpu.dma_semaphore, #tpu.memory_space<semaphore_mem>>) src(%dma_wait3A_16 : memref<640x128xf32, #tpu.memory_space<hbm>>) dst(%dma_wait3A_14 : memref<640x128xf32, #tpu.memory_space<vmem_shared>>)
      tpu.yield
    }) : () -> ()
    %barrier3A = arith.constant 0 : index
    tpu.barrier barrier_id(%barrier3A)
    %scan3A = arith.constant 0 : i32
    %scan3A_3 = arith.constant 81 : i32
    %scan3A_4 = arith.addi %scan3A, %scan3A_3 : i32
    %scan3A_5 = arith.constant 1 : i32
    scf.for %scan3A_11 = %scan3A to %scan3A_4 step %scan3A_5  : i32 {
      %mul3A_12 = arith.constant 1 : i32
      %mul3A_13 = arith.muli %scan3A_11, %mul3A_12 : i32
      %add3A_14 = arith.constant 0 : i32
      %add3A_15 = arith.addi %add3A_14, %mul3A_13 : i32
      %mul3A_16 = arith.constant 10368 : i32
      %mul3A_17 = arith.muli %add3A, %mul3A_16 : i32
      %mul3A_18 = arith.constant 128 : i32
      %mul3A_19 = arith.muli %add3A_15, %mul3A_18 : i32
      %add3A_20 = arith.addi %mul3A_17, %mul3A_19 : i32
      "tpu.region"() ({
        %run_scoped3A = tpu.sem_alloc : memref<!tpu.dma_semaphore, #tpu.memory_space<semaphore_mem>>
        %dma_start3A = tpu.memref_slice %arg2[%add3A_20] : memref<331776xi32, #tpu.memory_space<hbm>> -> memref<128xi32, #tpu.memory_space<hbm>>
        %dma_start3A_26 = tpu.memref_slice %arg2[%add3A_20] : memref<331776xi32, #tpu.memory_space<hbm>> -> memref<128xi32, #tpu.memory_space<hbm>>
        tpu.enqueue_dma source(%dma_start3A_26 : memref<128xi32, #tpu.memory_space<hbm>>) target(%arg10 : memref<128xi32, #tpu.memory_space<vmem>>) target_semaphore(%run_scoped3A : memref<!tpu.dma_semaphore, #tpu.memory_space<semaphore_mem>>)
        %dma_wait3A = tpu.memref_slice %arg2[%add3A_20] : memref<331776xi32, #tpu.memory_space<hbm>> -> memref<128xi32, #tpu.memory_space<hbm>>
        %dma_wait3A_27 = tpu.memref_slice %arg2[%add3A_20] : memref<331776xi32, #tpu.memory_space<hbm>> -> memref<128xi32, #tpu.memory_space<hbm>>
        tpu.wait_dma2 semaphore(%run_scoped3A : memref<!tpu.dma_semaphore, #tpu.memory_space<semaphore_mem>>) src(%dma_wait3A_27 : memref<128xi32, #tpu.memory_space<hbm>>) dst(%arg10 : memref<128xi32, #tpu.memory_space<vmem>>)
        tpu.yield
      }) : () -> ()
      "tpu.region"() ({
        %run_scoped3A = tpu.sem_alloc : memref<!tpu.dma_semaphore, #tpu.memory_space<semaphore_mem>>
        %dma_start3A = tpu.memref_slice %arg3[%add3A_20] : memref<331776xi32, #tpu.memory_space<hbm>> -> memref<128xi32, #tpu.memory_space<hbm>>
        %dma_start3A_26 = tpu.memref_slice %arg3[%add3A_20] : memref<331776xi32, #tpu.memory_space<hbm>> -> memref<128xi32, #tpu.memory_space<hbm>>
        tpu.enqueue_dma source(%dma_start3A_26 : memref<128xi32, #tpu.memory_space<hbm>>) target(%arg11 : memref<128xi32, #tpu.memory_space<vmem>>) target_semaphore(%run_scoped3A : memref<!tpu.dma_semaphore, #tpu.memory_space<semaphore_mem>>)
        %dma_wait3A = tpu.memref_slice %arg3[%add3A_20] : memref<331776xi32, #tpu.memory_space<hbm>> -> memref<128xi32, #tpu.memory_space<hbm>>
        %dma_wait3A_27 = tpu.memref_slice %arg3[%add3A_20] : memref<331776xi32, #tpu.memory_space<hbm>> -> memref<128xi32, #tpu.memory_space<hbm>>
        tpu.wait_dma2 semaphore(%run_scoped3A : memref<!tpu.dma_semaphore, #tpu.memory_space<semaphore_mem>>) src(%dma_wait3A_27 : memref<128xi32, #tpu.memory_space<hbm>>) dst(%arg11 : memref<128xi32, #tpu.memory_space<vmem>>)
        tpu.yield
      }) : () -> ()
      "tpu.region"() ({
        %run_scoped3A = tpu.sem_alloc : memref<!tpu.dma_semaphore, #tpu.memory_space<semaphore_mem>>
        %dma_start3A = arith.constant 0 : i32
        %dma_start3A_26 = tpu.memref_slice %arg4[%add3A_20, %dma_start3A] : memref<331776x16xf32, #tpu.memory_space<hbm>> -> memref<128x16xf32, #tpu.memory_space<hbm>>
        %dma_start3A_27 = arith.constant 0 : i32
        %dma_start3A_28 = tpu.memref_slice %arg4[%add3A_20, %dma_start3A_27] : memref<331776x16xf32, #tpu.memory_space<hbm>> -> memref<128x16xf32, #tpu.memory_space<hbm>>
        tpu.enqueue_dma source(%dma_start3A_28 : memref<128x16xf32, #tpu.memory_space<hbm>>) target(%arg12 : memref<128x16xf32, #tpu.memory_space<vmem>>) target_semaphore(%run_scoped3A : memref<!tpu.dma_semaphore, #tpu.memory_space<semaphore_mem>>)
        %dma_wait3A = arith.constant 0 : i32
        %dma_wait3A_29 = tpu.memref_slice %arg4[%add3A_20, %dma_wait3A] : memref<331776x16xf32, #tpu.memory_space<hbm>> -> memref<128x16xf32, #tpu.memory_space<hbm>>
        %dma_wait3A_30 = arith.constant 0 : i32
        %dma_wait3A_31 = tpu.memref_slice %arg4[%add3A_20, %dma_wait3A_30] : memref<331776x16xf32, #tpu.memory_space<hbm>> -> memref<128x16xf32, #tpu.memory_space<hbm>>
        tpu.wait_dma2 semaphore(%run_scoped3A : memref<!tpu.dma_semaphore, #tpu.memory_space<semaphore_mem>>) src(%dma_wait3A_31 : memref<128x16xf32, #tpu.memory_space<hbm>>) dst(%arg12 : memref<128x16xf32, #tpu.memory_space<vmem>>)
        tpu.yield
      }) : () -> ()
      "tpu.region"() ({
        %run_scoped3A = tpu.sem_alloc : memref<!tpu.dma_semaphore, #tpu.memory_space<semaphore_mem>>
        %dma_start3A = arith.constant 0 : i32
        %dma_start3A_26 = arith.constant 0 : i32
        %dma_start3A_27 = tpu.memref_slice %arg5[%dma_start3A, %dma_start3A_26] : memref<10240x16xf32, #tpu.memory_space<hbm>> -> memref<10240x16xf32, #tpu.memory_space<hbm>>
        tpu.enqueue_indirect_dma source(%dma_start3A_27 : memref<10240x16xf32, #tpu.memory_space<hbm>>) target(%arg13 : memref<128x16xf32, #tpu.memory_space<vmem>>) offsets(%arg11 : memref<128xi32, #tpu.memory_space<vmem>>) semaphore(%run_scoped3A : memref<!tpu.dma_semaphore, #tpu.memory_space<semaphore_mem>>)
        %dma_wait3A = arith.constant 0 : i32
        %dma_wait3A_28 = arith.constant 0 : i32
        %dma_wait3A_29 = tpu.memref_slice %arg5[%dma_wait3A, %dma_wait3A_28] : memref<10240x16xf32, #tpu.memory_space<hbm>> -> memref<10240x16xf32, #tpu.memory_space<hbm>>
        tpu.wait_indirect_dma semaphore(%run_scoped3A : memref<!tpu.dma_semaphore, #tpu.memory_space<semaphore_mem>>) src(%dma_wait3A_29 : memref<10240x16xf32, #tpu.memory_space<hbm>>) dst(%arg13 : memref<128x16xf32, #tpu.memory_space<vmem>>)
        tpu.yield
      }) : () -> ()
      "tpu.region"() ({
        %run_scoped3A = tpu.sem_alloc : memref<!tpu.dma_semaphore, #tpu.memory_space<semaphore_mem>>
        %dma_start3A = arith.constant 0 : i32
        %dma_start3A_26 = arith.constant 0 : i32
        %dma_start3A_27 = tpu.memref_slice %arg6[%dma_start3A, %dma_start3A_26] : memref<10240x16xf32, #tpu.memory_space<hbm>> -> memref<10240x16xf32, #tpu.memory_space<hbm>>
        tpu.enqueue_indirect_dma source(%dma_start3A_27 : memref<10240x16xf32, #tpu.memory_space<hbm>>) target(%arg14 : memref<128x16xf32, #tpu.memory_space<vmem>>) offsets(%arg11 : memref<128xi32, #tpu.memory_space<vmem>>) semaphore(%run_scoped3A : memref<!tpu.dma_semaphore, #tpu.memory_space<semaphore_mem>>)
        %dma_wait3A = arith.constant 0 : i32
        %dma_wait3A_28 = arith.constant 0 : i32
        %dma_wait3A_29 = tpu.memref_slice %arg6[%dma_wait3A, %dma_wait3A_28] : memref<10240x16xf32, #tpu.memory_space<hbm>> -> memref<10240x16xf32, #tpu.memory_space<hbm>>
        tpu.wait_indirect_dma semaphore(%run_scoped3A : memref<!tpu.dma_semaphore, #tpu.memory_space<semaphore_mem>>) src(%dma_wait3A_29 : memref<10240x16xf32, #tpu.memory_space<hbm>>) dst(%arg14 : memref<128x16xf32, #tpu.memory_space<vmem>>)
        tpu.yield
      }) : () -> ()
      "tpu.region"() ({
        %run_scoped3A = tpu.sem_alloc : memref<!tpu.dma_semaphore, #tpu.memory_space<semaphore_mem>>
        %dma_start3A = arith.constant 0 : i32
        %dma_start3A_26 = arith.constant 0 : i32
        %dma_start3A_27 = tpu.memref_slice %arg7[%dma_start3A, %dma_start3A_26] : memref<10240x128xf32, #tpu.memory_space<hbm>> -> memref<10240x128xf32, #tpu.memory_space<hbm>>
        tpu.enqueue_indirect_dma source(%dma_start3A_27 : memref<10240x128xf32, #tpu.memory_space<hbm>>) target(%arg15 : memref<128x128xf32, #tpu.memory_space<vmem>>) offsets(%arg10 : memref<128xi32, #tpu.memory_space<vmem>>) semaphore(%run_scoped3A : memref<!tpu.dma_semaphore, #tpu.memory_space<semaphore_mem>>)
        %dma_wait3A = arith.constant 0 : i32
        %dma_wait3A_28 = arith.constant 0 : i32
        %dma_wait3A_29 = tpu.memref_slice %arg7[%dma_wait3A, %dma_wait3A_28] : memref<10240x128xf32, #tpu.memory_space<hbm>> -> memref<10240x128xf32, #tpu.memory_space<hbm>>
        tpu.wait_indirect_dma semaphore(%run_scoped3A : memref<!tpu.dma_semaphore, #tpu.memory_space<semaphore_mem>>) src(%dma_wait3A_29 : memref<10240x128xf32, #tpu.memory_space<hbm>>) dst(%arg15 : memref<128x128xf32, #tpu.memory_space<vmem>>)
        tpu.yield
      }) : () -> ()
      %scan3A_21 = arith.constant 0 : i32
      %scan3A_22 = arith.constant 128 : i32
      %scan3A_23 = arith.addi %scan3A_21, %scan3A_22 : i32
      %scan3A_24 = arith.constant 1 : i32
      scf.for %scan3A_26 = %scan3A_21 to %scan3A_23 step %scan3A_24  : i32 {
        %mul3A_27 = arith.constant 1 : i32
        %mul3A_28 = arith.muli %scan3A_26, %mul3A_27 : i32
        %add3A_29 = arith.constant 0 : i32
        %add3A_30 = arith.addi %add3A_29, %mul3A_28 : i32
        %get3A = arith.index_cast %add3A_30 : i32 to index
        %get3A_31 = arith.constant 0 : index
        %get3A_32 = tpu.vector_load %arg13[%get3A, %get3A_31] {strides = array<i32>} : memref<128x16xf32, #tpu.memory_space<vmem>>, vector<1x16xf32>,
        %get3A_33 = vector.shape_cast %get3A_32 : vector<1x16xf32> to vector<16xf32>
        %get3A_34 = arith.index_cast %add3A_30 : i32 to index
        %get3A_35 = arith.constant 0 : index
        %get3A_36 = tpu.vector_load %arg14[%get3A_34, %get3A_35] {strides = array<i32>} : memref<128x16xf32, #tpu.memory_space<vmem>>, vector<1x16xf32>,
        %get3A_37 = vector.shape_cast %get3A_36 : vector<1x16xf32> to vector<16xf32>
        %add3A_38 = arith.addf %get3A_33, %get3A_37 : vector<16xf32>
        %get3A_39 = arith.index_cast %add3A_30 : i32 to index
        %get3A_40 = arith.constant 0 : index
        %get3A_41 = tpu.vector_load %arg12[%get3A_39, %get3A_40] {strides = array<i32>} : memref<128x16xf32, #tpu.memory_space<vmem>>, vector<1x16xf32>,
        %get3A_42 = vector.shape_cast %get3A_41 : vector<1x16xf32> to vector<16xf32>
        %add3A_43 = arith.constant 1.000000e-16 : f32
        %add3A_44 = vector.broadcast %add3A_43 : f32 to vector<16xf32>
        %add3A_45 = arith.addf %add3A_38, %add3A_44 : vector<16xf32>
        %div3A = arith.divf %get3A_42, %add3A_45 : vector<16xf32>
        %get3A_46 = arith.index_cast %add3A_30 : i32 to index
        %get3A_47 = arith.constant 0 : index
        %get3A_48 = tpu.vector_load %arg15[%get3A_46, %get3A_47] {strides = array<i32>} : memref<128x128xf32, #tpu.memory_space<vmem>>, vector<1x16xf32>,
        %get3A_49 = vector.shape_cast %get3A_48 : vector<1x16xf32> to vector<16xf32>
        %mul3A_50 = arith.mulf %get3A_49, %div3A : vector<16xf32>
        %swap3A = arith.index_cast %add3A_30 : i32 to index
        %swap3A_51 = arith.constant 0 : index
        %swap3A_52 = tpu.vector_load %arg16[%swap3A, %swap3A_51] {strides = array<i32>} : memref<128x128xf32, #tpu.memory_space<vmem>>, vector<1x16xf32>,
        %swap3A_53 = vector.shape_cast %swap3A_52 : vector<1x16xf32> to vector<16xf32>
        %swap3A_54 = vector.shape_cast %mul3A_50 : vector<16xf32> to vector<1x16xf32>
        tpu.vector_store %arg16[%swap3A, %swap3A_51], %swap3A_54 {strides = array<i32>} : memref<128x128xf32, #tpu.memory_space<vmem>>, vector<1x16xf32>,
        %get3A_55 = arith.index_cast %add3A_30 : i32 to index
        %get3A_56 = arith.constant 16 : index
        %get3A_57 = tpu.vector_load %arg15[%get3A_55, %get3A_56] {strides = array<i32>} : memref<128x128xf32, #tpu.memory_space<vmem>>, vector<1x16xf32>,
        %get3A_58 = vector.shape_cast %get3A_57 : vector<1x16xf32> to vector<16xf32>
        %mul3A_59 = arith.mulf %get3A_58, %div3A : vector<16xf32>
        %swap3A_60 = arith.index_cast %add3A_30 : i32 to index
        %swap3A_61 = arith.constant 16 : index
        %swap3A_62 = tpu.vector_load %arg16[%swap3A_60, %swap3A_61] {strides = array<i32>} : memref<128x128xf32, #tpu.memory_space<vmem>>, vector<1x16xf32>,
        %swap3A_63 = vector.shape_cast %swap3A_62 : vector<1x16xf32> to vector<16xf32>
        %swap3A_64 = vector.shape_cast %mul3A_59 : vector<16xf32> to vector<1x16xf32>
        tpu.vector_store %arg16[%swap3A_60, %swap3A_61], %swap3A_64 {strides = array<i32>} : memref<128x128xf32, #tpu.memory_space<vmem>>, vector<1x16xf32>,
        %get3A_65 = arith.index_cast %add3A_30 : i32 to index
        %get3A_66 = arith.constant 32 : index
        %get3A_67 = tpu.vector_load %arg15[%get3A_65, %get3A_66] {strides = array<i32>} : memref<128x128xf32, #tpu.memory_space<vmem>>, vector<1x16xf32>,
        %get3A_68 = vector.shape_cast %get3A_67 : vector<1x16xf32> to vector<16xf32>
        %mul3A_69 = arith.mulf %get3A_68, %div3A : vector<16xf32>
        %swap3A_70 = arith.index_cast %add3A_30 : i32 to index
        %swap3A_71 = arith.constant 32 : index
        %swap3A_72 = tpu.vector_load %arg16[%swap3A_70, %swap3A_71] {strides = array<i32>} : memref<128x128xf32, #tpu.memory_space<vmem>>, vector<1x16xf32>,
        %swap3A_73 = vector.shape_cast %swap3A_72 : vector<1x16xf32> to vector<16xf32>
        %swap3A_74 = vector.shape_cast %mul3A_69 : vector<16xf32> to vector<1x16xf32>
        tpu.vector_store %arg16[%swap3A_70, %swap3A_71], %swap3A_74 {strides = array<i32>} : memref<128x128xf32, #tpu.memory_space<vmem>>, vector<1x16xf32>,
        %get3A_75 = arith.index_cast %add3A_30 : i32 to index
        %get3A_76 = arith.constant 48 : index
        %get3A_77 = tpu.vector_load %arg15[%get3A_75, %get3A_76] {strides = array<i32>} : memref<128x128xf32, #tpu.memory_space<vmem>>, vector<1x16xf32>,
        %get3A_78 = vector.shape_cast %get3A_77 : vector<1x16xf32> to vector<16xf32>
        %mul3A_79 = arith.mulf %get3A_78, %div3A : vector<16xf32>
        %swap3A_80 = arith.index_cast %add3A_30 : i32 to index
        %swap3A_81 = arith.constant 48 : index
        %swap3A_82 = tpu.vector_load %arg16[%swap3A_80, %swap3A_81] {strides = array<i32>} : memref<128x128xf32, #tpu.memory_space<vmem>>, vector<1x16xf32>,
        %swap3A_83 = vector.shape_cast %swap3A_82 : vector<1x16xf32> to vector<16xf32>
        %swap3A_84 = vector.shape_cast %mul3A_79 : vector<16xf32> to vector<1x16xf32>
        tpu.vector_store %arg16[%swap3A_80, %swap3A_81], %swap3A_84 {strides = array<i32>} : memref<128x128xf32, #tpu.memory_space<vmem>>, vector<1x16xf32>,
        %get3A_85 = arith.index_cast %add3A_30 : i32 to index
        %get3A_86 = arith.constant 64 : index
        %get3A_87 = tpu.vector_load %arg15[%get3A_85, %get3A_86] {strides = array<i32>} : memref<128x128xf32, #tpu.memory_space<vmem>>, vector<1x16xf32>,
        %get3A_88 = vector.shape_cast %get3A_87 : vector<1x16xf32> to vector<16xf32>
        %mul3A_89 = arith.mulf %get3A_88, %div3A : vector<16xf32>
        %swap3A_90 = arith.index_cast %add3A_30 : i32 to index
        %swap3A_91 = arith.constant 64 : index
        %swap3A_92 = tpu.vector_load %arg16[%swap3A_90, %swap3A_91] {strides = array<i32>} : memref<128x128xf32, #tpu.memory_space<vmem>>, vector<1x16xf32>,
        %swap3A_93 = vector.shape_cast %swap3A_92 : vector<1x16xf32> to vector<16xf32>
        %swap3A_94 = vector.shape_cast %mul3A_89 : vector<16xf32> to vector<1x16xf32>
        tpu.vector_store %arg16[%swap3A_90, %swap3A_91], %swap3A_94 {strides = array<i32>} : memref<128x128xf32, #tpu.memory_space<vmem>>, vector<1x16xf32>,
        %get3A_95 = arith.index_cast %add3A_30 : i32 to index
        %get3A_96 = arith.constant 80 : index
        %get3A_97 = tpu.vector_load %arg15[%get3A_95, %get3A_96] {strides = array<i32>} : memref<128x128xf32, #tpu.memory_space<vmem>>, vector<1x16xf32>,
        %get3A_98 = vector.shape_cast %get3A_97 : vector<1x16xf32> to vector<16xf32>
        %mul3A_99 = arith.mulf %get3A_98, %div3A : vector<16xf32>
        %swap3A_100 = arith.index_cast %add3A_30 : i32 to index
        %swap3A_101 = arith.constant 80 : index
        %swap3A_102 = tpu.vector_load %arg16[%swap3A_100, %swap3A_101] {strides = array<i32>} : memref<128x128xf32, #tpu.memory_space<vmem>>, vector<1x16xf32>,
        %swap3A_103 = vector.shape_cast %swap3A_102 : vector<1x16xf32> to vector<16xf32>
        %swap3A_104 = vector.shape_cast %mul3A_99 : vector<16xf32> to vector<1x16xf32>
        tpu.vector_store %arg16[%swap3A_100, %swap3A_101], %swap3A_104 {strides = array<i32>} : memref<128x128xf32, #tpu.memory_space<vmem>>, vector<1x16xf32>,
        %get3A_105 = arith.index_cast %add3A_30 : i32 to index
        %get3A_106 = arith.constant 96 : index
        %get3A_107 = tpu.vector_load %arg15[%get3A_105, %get3A_106] {strides = array<i32>} : memref<128x128xf32, #tpu.memory_space<vmem>>, vector<1x16xf32>,
        %get3A_108 = vector.shape_cast %get3A_107 : vector<1x16xf32> to vector<16xf32>
        %mul3A_109 = arith.mulf %get3A_108, %div3A : vector<16xf32>
        %swap3A_110 = arith.index_cast %add3A_30 : i32 to index
        %swap3A_111 = arith.constant 96 : index
        %swap3A_112 = tpu.vector_load %arg16[%swap3A_110, %swap3A_111] {strides = array<i32>} : memref<128x128xf32, #tpu.memory_space<vmem>>, vector<1x16xf32>,
        %swap3A_113 = vector.shape_cast %swap3A_112 : vector<1x16xf32> to vector<16xf32>
        %swap3A_114 = vector.shape_cast %mul3A_109 : vector<16xf32> to vector<1x16xf32>
        tpu.vector_store %arg16[%swap3A_110, %swap3A_111], %swap3A_114 {strides = array<i32>} : memref<128x128xf32, #tpu.memory_space<vmem>>, vector<1x16xf32>,
        %get3A_115 = arith.index_cast %add3A_30 : i32 to index
        %get3A_116 = arith.constant 112 : index
        %get3A_117 = tpu.vector_load %arg15[%get3A_115, %get3A_116] {strides = array<i32>} : memref<128x128xf32, #tpu.memory_space<vmem>>, vector<1x16xf32>,
        %get3A_118 = vector.shape_cast %get3A_117 : vector<1x16xf32> to vector<16xf32>
        %mul3A_119 = arith.mulf %get3A_118, %div3A : vector<16xf32>
        %swap3A_120 = arith.index_cast %add3A_30 : i32 to index
        %swap3A_121 = arith.constant 112 : index
        %swap3A_122 = tpu.vector_load %arg16[%swap3A_120, %swap3A_121] {strides = array<i32>} : memref<128x128xf32, #tpu.memory_space<vmem>>, vector<1x16xf32>,
        %swap3A_123 = vector.shape_cast %swap3A_122 : vector<1x16xf32> to vector<16xf32>
        %swap3A_124 = vector.shape_cast %mul3A_119 : vector<16xf32> to vector<1x16xf32>
        tpu.vector_store %arg16[%swap3A_120, %swap3A_121], %swap3A_124 {strides = array<i32>} : memref<128x128xf32, #tpu.memory_space<vmem>>, vector<1x16xf32>,
      }
      %scan3A_25 = arith.constant 128 : i32
      "tpu.region"() ({
        %run_scoped3A = tpu.sem_alloc : memref<!tpu.dma_semaphore, #tpu.memory_space<semaphore_mem>>
        %dma_start3A = arith.constant 0 : i32
        %dma_start3A_26 = arith.constant 0 : i32
        %dma_start3A_27 = tpu.memref_slice %arg17[%dma_start3A, %dma_start3A_26] : memref<10240x128xf32, #tpu.memory_space<vmem_shared>> -> memref<10240x128xf32, #tpu.memory_space<vmem_shared>>
        tpu.enqueue_indirect_dma source(%arg16 : memref<128x128xf32, #tpu.memory_space<vmem>>) target(%dma_start3A_27 : memref<10240x128xf32, #tpu.memory_space<vmem_shared>>) offsets(%arg11 : memref<128xi32, #tpu.memory_space<vmem>>) semaphore(%run_scoped3A : memref<!tpu.dma_semaphore, #tpu.memory_space<semaphore_mem>>) {add = true}
        %dma_wait3A = arith.constant 0 : i32
        %dma_wait3A_28 = arith.constant 0 : i32
        %dma_wait3A_29 = tpu.memref_slice %arg17[%dma_wait3A, %dma_wait3A_28] : memref<10240x128xf32, #tpu.memory_space<vmem_shared>> -> memref<10240x128xf32, #tpu.memory_space<vmem_shared>>
        tpu.wait_indirect_dma semaphore(%run_scoped3A : memref<!tpu.dma_semaphore, #tpu.memory_space<semaphore_mem>>) src(%arg16 : memref<128x128xf32, #tpu.memory_space<vmem>>) dst(%dma_wait3A_29 : memref<10240x128xf32, #tpu.memory_space<vmem_shared>>)
        tpu.yield
      }) : () -> ()
    }
    %scan3A_6 = arith.constant 81 : i32
    %barrier3A_7 = arith.constant 0 : index
    tpu.barrier barrier_id(%barrier3A_7)
    %mul3A_8 = arith.constant 10240 : i32
    %mul3A_9 = arith.muli %arg0, %mul3A_8 : i32
    %add3A_10 = arith.addi %mul3A_9, %mul3A_2 : i32
    "tpu.region"() ({
      %run_scoped3A = tpu.sem_alloc : memref<!tpu.dma_semaphore, #tpu.memory_space<semaphore_mem>>
      %dma_start3A = arith.constant 0 : i32
      %dma_start3A_11 = tpu.memref_slice %arg9[%add3A_10, %dma_start3A] : memref<20480x128xf32, #tpu.memory_space<hbm>> -> memref<640x128xf32, #tpu.memory_space<hbm>>
      %dma_start3A_12 = arith.constant 0 : i32
      %dma_start3A_13 = tpu.memref_slice %arg17[%mul3A_2, %dma_start3A_12] : memref<10240x128xf32, #tpu.memory_space<vmem_shared>> -> memref<640x128xf32, #tpu.memory_space<vmem_shared>>
      tpu.enqueue_dma source(%dma_start3A_13 : memref<640x128xf32, #tpu.memory_space<vmem_shared>>) target(%dma_start3A_11 : memref<640x128xf32, #tpu.memory_space<hbm>>) target_semaphore(%run_scoped3A : memref<!tpu.dma_semaphore, #tpu.memory_space<semaphore_mem>>)
      %dma_wait3A = arith.constant 0 : i32
      %dma_wait3A_14 = tpu.memref_slice %arg9[%add3A_10, %dma_wait3A] : memref<20480x128xf32, #tpu.memory_space<hbm>> -> memref<640x128xf32, #tpu.memory_space<hbm>>
      %dma_wait3A_15 = arith.constant 0 : i32
      %dma_wait3A_16 = tpu.memref_slice %arg17[%mul3A_2, %dma_wait3A_15] : memref<10240x128xf32, #tpu.memory_space<vmem_shared>> -> memref<640x128xf32, #tpu.memory_space<vmem_shared>>
      tpu.wait_dma2 semaphore(%run_scoped3A : memref<!tpu.dma_semaphore, #tpu.memory_space<semaphore_mem>>) src(%dma_wait3A_16 : memref<640x128xf32, #tpu.memory_space<vmem_shared>>) dst(%dma_wait3A_14 : memref<640x128xf32, #tpu.memory_space<hbm>>)
      tpu.yield
    }) : () -> ()
    return
  }
}

#map = affine_map<(d0, d1) -> (0)>
#map1 = affine_map<(d0, d1) -> (0, 0)>
module attributes {stable_mosaic.version = 14 : i64} {
  func.func @_sc_gat_pass2_body(%arg0: i32, %arg1: i32, %arg2: memref<331776xi32, #tpu.memory_space<hbm>>, %arg3: memref<331776xi32, #tpu.memory_space<hbm>>, %arg4: memref<331776x16xf32, #tpu.memory_space<hbm>>, %arg5: memref<10240x16xf32, #tpu.memory_space<hbm>>, %arg6: memref<10240x16xf32, #tpu.memory_space<hbm>>, %arg7: memref<10240x128xf32, #tpu.memory_space<hbm>>, %arg8: memref<10240x128xf32, #tpu.memory_space<hbm>>, %arg9: memref<20480x128xf32, #tpu.memory_space<hbm>>, %arg10: memref<128xi32, #tpu.memory_space<vmem>>, %arg11: memref<128xi32, #tpu.memory_space<vmem>>, %arg12: memref<128x16xf32, #tpu.memory_space<vmem>>, %arg13: memref<128x16xf32, #tpu.memory_space<vmem>>, %arg14: memref<128x16xf32, #tpu.memory_space<vmem>>, %arg15: memref<128x128xf32, #tpu.memory_space<vmem>>, %arg16: memref<128x128xf32, #tpu.memory_space<vmem>>, %arg17: memref<10240x128xf32, #tpu.memory_space<vmem_shared>>) attributes {dimension_semantics = [#tpu.dimension_semantics<core_parallel>, #tpu.dimension_semantics<subcore_parallel>], iteration_bounds = array<i64: 2, 16>, scalar_prefetch = 0 : i64, scratch_operands = 8 : i64, tpu.core_type = #tpu.core_type<sc_vector_subcore>, window_params = [{transform_indices = #map}, {transform_indices = #map}, {transform_indices = #map1}, {transform_indices = #map1}, {transform_indices = #map1}, {transform_indices = #map1}, {transform_indices = #map1}, {transform_indices = #map1}]} {
    %mul3A = arith.constant 16 : i32
    %mul3A_0 = arith.muli %arg0, %mul3A : i32
    %add3A = arith.addi %mul3A_0, %arg1 : i32
    %mul3A_1 = arith.constant 640 : i32
    %mul3A_2 = arith.muli %arg1, %mul3A_1 : i32
    "tpu.region"() ({
      %run_scoped3A = tpu.sem_alloc : memref<!tpu.dma_semaphore, #tpu.memory_space<semaphore_mem>>
      %dma_start3A = arith.constant 0 : i32
      %dma_start3A_11 = tpu.memref_slice %arg17[%mul3A_2, %dma_start3A] : memref<10240x128xf32, #tpu.memory_space<vmem_shared>> -> memref<640x128xf32, #tpu.memory_space<vmem_shared>>
      %dma_start3A_12 = arith.constant 0 : i32
      %dma_start3A_13 = tpu.memref_slice %arg8[%mul3A_2, %dma_start3A_12] : memref<10240x128xf32, #tpu.memory_space<hbm>> -> memref<640x128xf32, #tpu.memory_space<hbm>>
      tpu.enqueue_dma source(%dma_start3A_13 : memref<640x128xf32, #tpu.memory_space<hbm>>) target(%dma_start3A_11 : memref<640x128xf32, #tpu.memory_space<vmem_shared>>) target_semaphore(%run_scoped3A : memref<!tpu.dma_semaphore, #tpu.memory_space<semaphore_mem>>)
      %dma_wait3A = arith.constant 0 : i32
      %dma_wait3A_14 = tpu.memref_slice %arg17[%mul3A_2, %dma_wait3A] : memref<10240x128xf32, #tpu.memory_space<vmem_shared>> -> memref<640x128xf32, #tpu.memory_space<vmem_shared>>
      %dma_wait3A_15 = arith.constant 0 : i32
      %dma_wait3A_16 = tpu.memref_slice %arg8[%mul3A_2, %dma_wait3A_15] : memref<10240x128xf32, #tpu.memory_space<hbm>> -> memref<640x128xf32, #tpu.memory_space<hbm>>
      tpu.wait_dma2 semaphore(%run_scoped3A : memref<!tpu.dma_semaphore, #tpu.memory_space<semaphore_mem>>) src(%dma_wait3A_16 : memref<640x128xf32, #tpu.memory_space<hbm>>) dst(%dma_wait3A_14 : memref<640x128xf32, #tpu.memory_space<vmem_shared>>)
      tpu.yield
    }) : () -> ()
    %barrier3A = arith.constant 0 : index
    tpu.barrier barrier_id(%barrier3A)
    %scan3A = arith.constant 0 : i32
    %scan3A_3 = arith.constant 81 : i32
    %scan3A_4 = arith.addi %scan3A, %scan3A_3 : i32
    %scan3A_5 = arith.constant 1 : i32
    scf.for %scan3A_11 = %scan3A to %scan3A_4 step %scan3A_5  : i32 {
      %mul3A_12 = arith.constant 1 : i32
      %mul3A_13 = arith.muli %scan3A_11, %mul3A_12 : i32
      %add3A_14 = arith.constant 0 : i32
      %add3A_15 = arith.addi %add3A_14, %mul3A_13 : i32
      %mul3A_16 = arith.constant 10368 : i32
      %mul3A_17 = arith.muli %add3A, %mul3A_16 : i32
      %mul3A_18 = arith.constant 128 : i32
      %mul3A_19 = arith.muli %add3A_15, %mul3A_18 : i32
      %add3A_20 = arith.addi %mul3A_17, %mul3A_19 : i32
      "tpu.region"() ({
        %run_scoped3A = tpu.sem_alloc : memref<!tpu.dma_semaphore, #tpu.memory_space<semaphore_mem>>
        %dma_start3A = tpu.memref_slice %arg2[%add3A_20] : memref<331776xi32, #tpu.memory_space<hbm>> -> memref<128xi32, #tpu.memory_space<hbm>>
        %dma_start3A_26 = tpu.memref_slice %arg2[%add3A_20] : memref<331776xi32, #tpu.memory_space<hbm>> -> memref<128xi32, #tpu.memory_space<hbm>>
        tpu.enqueue_dma source(%dma_start3A_26 : memref<128xi32, #tpu.memory_space<hbm>>) target(%arg10 : memref<128xi32, #tpu.memory_space<vmem>>) target_semaphore(%run_scoped3A : memref<!tpu.dma_semaphore, #tpu.memory_space<semaphore_mem>>)
        %dma_wait3A = tpu.memref_slice %arg2[%add3A_20] : memref<331776xi32, #tpu.memory_space<hbm>> -> memref<128xi32, #tpu.memory_space<hbm>>
        %dma_wait3A_27 = tpu.memref_slice %arg2[%add3A_20] : memref<331776xi32, #tpu.memory_space<hbm>> -> memref<128xi32, #tpu.memory_space<hbm>>
        tpu.wait_dma2 semaphore(%run_scoped3A : memref<!tpu.dma_semaphore, #tpu.memory_space<semaphore_mem>>) src(%dma_wait3A_27 : memref<128xi32, #tpu.memory_space<hbm>>) dst(%arg10 : memref<128xi32, #tpu.memory_space<vmem>>)
        tpu.yield
      }) : () -> ()
      "tpu.region"() ({
        %run_scoped3A = tpu.sem_alloc : memref<!tpu.dma_semaphore, #tpu.memory_space<semaphore_mem>>
        %dma_start3A = tpu.memref_slice %arg3[%add3A_20] : memref<331776xi32, #tpu.memory_space<hbm>> -> memref<128xi32, #tpu.memory_space<hbm>>
        %dma_start3A_26 = tpu.memref_slice %arg3[%add3A_20] : memref<331776xi32, #tpu.memory_space<hbm>> -> memref<128xi32, #tpu.memory_space<hbm>>
        tpu.enqueue_dma source(%dma_start3A_26 : memref<128xi32, #tpu.memory_space<hbm>>) target(%arg11 : memref<128xi32, #tpu.memory_space<vmem>>) target_semaphore(%run_scoped3A : memref<!tpu.dma_semaphore, #tpu.memory_space<semaphore_mem>>)
        %dma_wait3A = tpu.memref_slice %arg3[%add3A_20] : memref<331776xi32, #tpu.memory_space<hbm>> -> memref<128xi32, #tpu.memory_space<hbm>>
        %dma_wait3A_27 = tpu.memref_slice %arg3[%add3A_20] : memref<331776xi32, #tpu.memory_space<hbm>> -> memref<128xi32, #tpu.memory_space<hbm>>
        tpu.wait_dma2 semaphore(%run_scoped3A : memref<!tpu.dma_semaphore, #tpu.memory_space<semaphore_mem>>) src(%dma_wait3A_27 : memref<128xi32, #tpu.memory_space<hbm>>) dst(%arg11 : memref<128xi32, #tpu.memory_space<vmem>>)
        tpu.yield
      }) : () -> ()
      "tpu.region"() ({
        %run_scoped3A = tpu.sem_alloc : memref<!tpu.dma_semaphore, #tpu.memory_space<semaphore_mem>>
        %dma_start3A = arith.constant 0 : i32
        %dma_start3A_26 = tpu.memref_slice %arg4[%add3A_20, %dma_start3A] : memref<331776x16xf32, #tpu.memory_space<hbm>> -> memref<128x16xf32, #tpu.memory_space<hbm>>
        %dma_start3A_27 = arith.constant 0 : i32
        %dma_start3A_28 = tpu.memref_slice %arg4[%add3A_20, %dma_start3A_27] : memref<331776x16xf32, #tpu.memory_space<hbm>> -> memref<128x16xf32, #tpu.memory_space<hbm>>
        tpu.enqueue_dma source(%dma_start3A_28 : memref<128x16xf32, #tpu.memory_space<hbm>>) target(%arg12 : memref<128x16xf32, #tpu.memory_space<vmem>>) target_semaphore(%run_scoped3A : memref<!tpu.dma_semaphore, #tpu.memory_space<semaphore_mem>>)
        %dma_wait3A = arith.constant 0 : i32
        %dma_wait3A_29 = tpu.memref_slice %arg4[%add3A_20, %dma_wait3A] : memref<331776x16xf32, #tpu.memory_space<hbm>> -> memref<128x16xf32, #tpu.memory_space<hbm>>
        %dma_wait3A_30 = arith.constant 0 : i32
        %dma_wait3A_31 = tpu.memref_slice %arg4[%add3A_20, %dma_wait3A_30] : memref<331776x16xf32, #tpu.memory_space<hbm>> -> memref<128x16xf32, #tpu.memory_space<hbm>>
        tpu.wait_dma2 semaphore(%run_scoped3A : memref<!tpu.dma_semaphore, #tpu.memory_space<semaphore_mem>>) src(%dma_wait3A_31 : memref<128x16xf32, #tpu.memory_space<hbm>>) dst(%arg12 : memref<128x16xf32, #tpu.memory_space<vmem>>)
        tpu.yield
      }) : () -> ()
      "tpu.region"() ({
        %run_scoped3A = tpu.sem_alloc : memref<!tpu.dma_semaphore, #tpu.memory_space<semaphore_mem>>
        %dma_start3A = arith.constant 0 : i32
        %dma_start3A_26 = arith.constant 0 : i32
        %dma_start3A_27 = tpu.memref_slice %arg5[%dma_start3A, %dma_start3A_26] : memref<10240x16xf32, #tpu.memory_space<hbm>> -> memref<10240x16xf32, #tpu.memory_space<hbm>>
        tpu.enqueue_indirect_dma source(%dma_start3A_27 : memref<10240x16xf32, #tpu.memory_space<hbm>>) target(%arg13 : memref<128x16xf32, #tpu.memory_space<vmem>>) offsets(%arg11 : memref<128xi32, #tpu.memory_space<vmem>>) semaphore(%run_scoped3A : memref<!tpu.dma_semaphore, #tpu.memory_space<semaphore_mem>>)
        %dma_wait3A = arith.constant 0 : i32
        %dma_wait3A_28 = arith.constant 0 : i32
        %dma_wait3A_29 = tpu.memref_slice %arg5[%dma_wait3A, %dma_wait3A_28] : memref<10240x16xf32, #tpu.memory_space<hbm>> -> memref<10240x16xf32, #tpu.memory_space<hbm>>
        tpu.wait_indirect_dma semaphore(%run_scoped3A : memref<!tpu.dma_semaphore, #tpu.memory_space<semaphore_mem>>) src(%dma_wait3A_29 : memref<10240x16xf32, #tpu.memory_space<hbm>>) dst(%arg13 : memref<128x16xf32, #tpu.memory_space<vmem>>)
        tpu.yield
      }) : () -> ()
      "tpu.region"() ({
        %run_scoped3A = tpu.sem_alloc : memref<!tpu.dma_semaphore, #tpu.memory_space<semaphore_mem>>
        %dma_start3A = arith.constant 0 : i32
        %dma_start3A_26 = arith.constant 0 : i32
        %dma_start3A_27 = tpu.memref_slice %arg6[%dma_start3A, %dma_start3A_26] : memref<10240x16xf32, #tpu.memory_space<hbm>> -> memref<10240x16xf32, #tpu.memory_space<hbm>>
        tpu.enqueue_indirect_dma source(%dma_start3A_27 : memref<10240x16xf32, #tpu.memory_space<hbm>>) target(%arg14 : memref<128x16xf32, #tpu.memory_space<vmem>>) offsets(%arg11 : memref<128xi32, #tpu.memory_space<vmem>>) semaphore(%run_scoped3A : memref<!tpu.dma_semaphore, #tpu.memory_space<semaphore_mem>>)
        %dma_wait3A = arith.constant 0 : i32
        %dma_wait3A_28 = arith.constant 0 : i32
        %dma_wait3A_29 = tpu.memref_slice %arg6[%dma_wait3A, %dma_wait3A_28] : memref<10240x16xf32, #tpu.memory_space<hbm>> -> memref<10240x16xf32, #tpu.memory_space<hbm>>
        tpu.wait_indirect_dma semaphore(%run_scoped3A : memref<!tpu.dma_semaphore, #tpu.memory_space<semaphore_mem>>) src(%dma_wait3A_29 : memref<10240x16xf32, #tpu.memory_space<hbm>>) dst(%arg14 : memref<128x16xf32, #tpu.memory_space<vmem>>)
        tpu.yield
      }) : () -> ()
      "tpu.region"() ({
        %run_scoped3A = tpu.sem_alloc : memref<!tpu.dma_semaphore, #tpu.memory_space<semaphore_mem>>
        %dma_start3A = arith.constant 0 : i32
        %dma_start3A_26 = arith.constant 0 : i32
        %dma_start3A_27 = tpu.memref_slice %arg7[%dma_start3A, %dma_start3A_26] : memref<10240x128xf32, #tpu.memory_space<hbm>> -> memref<10240x128xf32, #tpu.memory_space<hbm>>
        tpu.enqueue_indirect_dma source(%dma_start3A_27 : memref<10240x128xf32, #tpu.memory_space<hbm>>) target(%arg15 : memref<128x128xf32, #tpu.memory_space<vmem>>) offsets(%arg10 : memref<128xi32, #tpu.memory_space<vmem>>) semaphore(%run_scoped3A : memref<!tpu.dma_semaphore, #tpu.memory_space<semaphore_mem>>)
        %dma_wait3A = arith.constant 0 : i32
        %dma_wait3A_28 = arith.constant 0 : i32
        %dma_wait3A_29 = tpu.memref_slice %arg7[%dma_wait3A, %dma_wait3A_28] : memref<10240x128xf32, #tpu.memory_space<hbm>> -> memref<10240x128xf32, #tpu.memory_space<hbm>>
        tpu.wait_indirect_dma semaphore(%run_scoped3A : memref<!tpu.dma_semaphore, #tpu.memory_space<semaphore_mem>>) src(%dma_wait3A_29 : memref<10240x128xf32, #tpu.memory_space<hbm>>) dst(%arg15 : memref<128x128xf32, #tpu.memory_space<vmem>>)
        tpu.yield
      }) : () -> ()
      %scan3A_21 = arith.constant 0 : i32
      %scan3A_22 = arith.constant 128 : i32
      %scan3A_23 = arith.addi %scan3A_21, %scan3A_22 : i32
      %scan3A_24 = arith.constant 1 : i32
      scf.for %scan3A_26 = %scan3A_21 to %scan3A_23 step %scan3A_24  : i32 {
        %mul3A_27 = arith.constant 1 : i32
        %mul3A_28 = arith.muli %scan3A_26, %mul3A_27 : i32
        %add3A_29 = arith.constant 0 : i32
        %add3A_30 = arith.addi %add3A_29, %mul3A_28 : i32
        %get3A = arith.index_cast %add3A_30 : i32 to index
        %get3A_31 = arith.constant 0 : index
        %get3A_32 = tpu.vector_load %arg13[%get3A, %get3A_31] {strides = array<i32>} : memref<128x16xf32, #tpu.memory_space<vmem>>, vector<1x16xf32>,
        %get3A_33 = vector.shape_cast %get3A_32 : vector<1x16xf32> to vector<16xf32>
        %get3A_34 = arith.index_cast %add3A_30 : i32 to index
        %get3A_35 = arith.constant 0 : index
        %get3A_36 = tpu.vector_load %arg14[%get3A_34, %get3A_35] {strides = array<i32>} : memref<128x16xf32, #tpu.memory_space<vmem>>, vector<1x16xf32>,
        %get3A_37 = vector.shape_cast %get3A_36 : vector<1x16xf32> to vector<16xf32>
        %add3A_38 = arith.addf %get3A_33, %get3A_37 : vector<16xf32>
        %get3A_39 = arith.index_cast %add3A_30 : i32 to index
        %get3A_40 = arith.constant 0 : index
        %get3A_41 = tpu.vector_load %arg12[%get3A_39, %get3A_40] {strides = array<i32>} : memref<128x16xf32, #tpu.memory_space<vmem>>, vector<1x16xf32>,
        %get3A_42 = vector.shape_cast %get3A_41 : vector<1x16xf32> to vector<16xf32>
        %add3A_43 = arith.constant 1.000000e-16 : f32
        %add3A_44 = vector.broadcast %add3A_43 : f32 to vector<16xf32>
        %add3A_45 = arith.addf %add3A_38, %add3A_44 : vector<16xf32>
        %div3A = arith.divf %get3A_42, %add3A_45 : vector<16xf32>
        %get3A_46 = arith.index_cast %add3A_30 : i32 to index
        %get3A_47 = arith.constant 0 : index
        %get3A_48 = tpu.vector_load %arg15[%get3A_46, %get3A_47] {strides = array<i32>} : memref<128x128xf32, #tpu.memory_space<vmem>>, vector<1x16xf32>,
        %get3A_49 = vector.shape_cast %get3A_48 : vector<1x16xf32> to vector<16xf32>
        %mul3A_50 = arith.mulf %get3A_49, %div3A : vector<16xf32>
        %swap3A = arith.index_cast %add3A_30 : i32 to index
        %swap3A_51 = arith.constant 0 : index
        %swap3A_52 = tpu.vector_load %arg16[%swap3A, %swap3A_51] {strides = array<i32>} : memref<128x128xf32, #tpu.memory_space<vmem>>, vector<1x16xf32>,
        %swap3A_53 = vector.shape_cast %swap3A_52 : vector<1x16xf32> to vector<16xf32>
        %swap3A_54 = vector.shape_cast %mul3A_50 : vector<16xf32> to vector<1x16xf32>
        tpu.vector_store %arg16[%swap3A, %swap3A_51], %swap3A_54 {strides = array<i32>} : memref<128x128xf32, #tpu.memory_space<vmem>>, vector<1x16xf32>,
        %get3A_55 = arith.index_cast %add3A_30 : i32 to index
        %get3A_56 = arith.constant 16 : index
        %get3A_57 = tpu.vector_load %arg15[%get3A_55, %get3A_56] {strides = array<i32>} : memref<128x128xf32, #tpu.memory_space<vmem>>, vector<1x16xf32>,
        %get3A_58 = vector.shape_cast %get3A_57 : vector<1x16xf32> to vector<16xf32>
        %mul3A_59 = arith.mulf %get3A_58, %div3A : vector<16xf32>
        %swap3A_60 = arith.index_cast %add3A_30 : i32 to index
        %swap3A_61 = arith.constant 16 : index
        %swap3A_62 = tpu.vector_load %arg16[%swap3A_60, %swap3A_61] {strides = array<i32>} : memref<128x128xf32, #tpu.memory_space<vmem>>, vector<1x16xf32>,
        %swap3A_63 = vector.shape_cast %swap3A_62 : vector<1x16xf32> to vector<16xf32>
        %swap3A_64 = vector.shape_cast %mul3A_59 : vector<16xf32> to vector<1x16xf32>
        tpu.vector_store %arg16[%swap3A_60, %swap3A_61], %swap3A_64 {strides = array<i32>} : memref<128x128xf32, #tpu.memory_space<vmem>>, vector<1x16xf32>,
        %get3A_65 = arith.index_cast %add3A_30 : i32 to index
        %get3A_66 = arith.constant 32 : index
        %get3A_67 = tpu.vector_load %arg15[%get3A_65, %get3A_66] {strides = array<i32>} : memref<128x128xf32, #tpu.memory_space<vmem>>, vector<1x16xf32>,
        %get3A_68 = vector.shape_cast %get3A_67 : vector<1x16xf32> to vector<16xf32>
        %mul3A_69 = arith.mulf %get3A_68, %div3A : vector<16xf32>
        %swap3A_70 = arith.index_cast %add3A_30 : i32 to index
        %swap3A_71 = arith.constant 32 : index
        %swap3A_72 = tpu.vector_load %arg16[%swap3A_70, %swap3A_71] {strides = array<i32>} : memref<128x128xf32, #tpu.memory_space<vmem>>, vector<1x16xf32>,
        %swap3A_73 = vector.shape_cast %swap3A_72 : vector<1x16xf32> to vector<16xf32>
        %swap3A_74 = vector.shape_cast %mul3A_69 : vector<16xf32> to vector<1x16xf32>
        tpu.vector_store %arg16[%swap3A_70, %swap3A_71], %swap3A_74 {strides = array<i32>} : memref<128x128xf32, #tpu.memory_space<vmem>>, vector<1x16xf32>,
        %get3A_75 = arith.index_cast %add3A_30 : i32 to index
        %get3A_76 = arith.constant 48 : index
        %get3A_77 = tpu.vector_load %arg15[%get3A_75, %get3A_76] {strides = array<i32>} : memref<128x128xf32, #tpu.memory_space<vmem>>, vector<1x16xf32>,
        %get3A_78 = vector.shape_cast %get3A_77 : vector<1x16xf32> to vector<16xf32>
        %mul3A_79 = arith.mulf %get3A_78, %div3A : vector<16xf32>
        %swap3A_80 = arith.index_cast %add3A_30 : i32 to index
        %swap3A_81 = arith.constant 48 : index
        %swap3A_82 = tpu.vector_load %arg16[%swap3A_80, %swap3A_81] {strides = array<i32>} : memref<128x128xf32, #tpu.memory_space<vmem>>, vector<1x16xf32>,
        %swap3A_83 = vector.shape_cast %swap3A_82 : vector<1x16xf32> to vector<16xf32>
        %swap3A_84 = vector.shape_cast %mul3A_79 : vector<16xf32> to vector<1x16xf32>
        tpu.vector_store %arg16[%swap3A_80, %swap3A_81], %swap3A_84 {strides = array<i32>} : memref<128x128xf32, #tpu.memory_space<vmem>>, vector<1x16xf32>,
        %get3A_85 = arith.index_cast %add3A_30 : i32 to index
        %get3A_86 = arith.constant 64 : index
        %get3A_87 = tpu.vector_load %arg15[%get3A_85, %get3A_86] {strides = array<i32>} : memref<128x128xf32, #tpu.memory_space<vmem>>, vector<1x16xf32>,
        %get3A_88 = vector.shape_cast %get3A_87 : vector<1x16xf32> to vector<16xf32>
        %mul3A_89 = arith.mulf %get3A_88, %div3A : vector<16xf32>
        %swap3A_90 = arith.index_cast %add3A_30 : i32 to index
        %swap3A_91 = arith.constant 64 : index
        %swap3A_92 = tpu.vector_load %arg16[%swap3A_90, %swap3A_91] {strides = array<i32>} : memref<128x128xf32, #tpu.memory_space<vmem>>, vector<1x16xf32>,
        %swap3A_93 = vector.shape_cast %swap3A_92 : vector<1x16xf32> to vector<16xf32>
        %swap3A_94 = vector.shape_cast %mul3A_89 : vector<16xf32> to vector<1x16xf32>
        tpu.vector_store %arg16[%swap3A_90, %swap3A_91], %swap3A_94 {strides = array<i32>} : memref<128x128xf32, #tpu.memory_space<vmem>>, vector<1x16xf32>,
        %get3A_95 = arith.index_cast %add3A_30 : i32 to index
        %get3A_96 = arith.constant 80 : index
        %get3A_97 = tpu.vector_load %arg15[%get3A_95, %get3A_96] {strides = array<i32>} : memref<128x128xf32, #tpu.memory_space<vmem>>, vector<1x16xf32>,
        %get3A_98 = vector.shape_cast %get3A_97 : vector<1x16xf32> to vector<16xf32>
        %mul3A_99 = arith.mulf %get3A_98, %div3A : vector<16xf32>
        %swap3A_100 = arith.index_cast %add3A_30 : i32 to index
        %swap3A_101 = arith.constant 80 : index
        %swap3A_102 = tpu.vector_load %arg16[%swap3A_100, %swap3A_101] {strides = array<i32>} : memref<128x128xf32, #tpu.memory_space<vmem>>, vector<1x16xf32>,
        %swap3A_103 = vector.shape_cast %swap3A_102 : vector<1x16xf32> to vector<16xf32>
        %swap3A_104 = vector.shape_cast %mul3A_99 : vector<16xf32> to vector<1x16xf32>
        tpu.vector_store %arg16[%swap3A_100, %swap3A_101], %swap3A_104 {strides = array<i32>} : memref<128x128xf32, #tpu.memory_space<vmem>>, vector<1x16xf32>,
        %get3A_105 = arith.index_cast %add3A_30 : i32 to index
        %get3A_106 = arith.constant 96 : index
        %get3A_107 = tpu.vector_load %arg15[%get3A_105, %get3A_106] {strides = array<i32>} : memref<128x128xf32, #tpu.memory_space<vmem>>, vector<1x16xf32>,
        %get3A_108 = vector.shape_cast %get3A_107 : vector<1x16xf32> to vector<16xf32>
        %mul3A_109 = arith.mulf %get3A_108, %div3A : vector<16xf32>
        %swap3A_110 = arith.index_cast %add3A_30 : i32 to index
        %swap3A_111 = arith.constant 96 : index
        %swap3A_112 = tpu.vector_load %arg16[%swap3A_110, %swap3A_111] {strides = array<i32>} : memref<128x128xf32, #tpu.memory_space<vmem>>, vector<1x16xf32>,
        %swap3A_113 = vector.shape_cast %swap3A_112 : vector<1x16xf32> to vector<16xf32>
        %swap3A_114 = vector.shape_cast %mul3A_109 : vector<16xf32> to vector<1x16xf32>
        tpu.vector_store %arg16[%swap3A_110, %swap3A_111], %swap3A_114 {strides = array<i32>} : memref<128x128xf32, #tpu.memory_space<vmem>>, vector<1x16xf32>,
        %get3A_115 = arith.index_cast %add3A_30 : i32 to index
        %get3A_116 = arith.constant 112 : index
        %get3A_117 = tpu.vector_load %arg15[%get3A_115, %get3A_116] {strides = array<i32>} : memref<128x128xf32, #tpu.memory_space<vmem>>, vector<1x16xf32>,
        %get3A_118 = vector.shape_cast %get3A_117 : vector<1x16xf32> to vector<16xf32>
        %mul3A_119 = arith.mulf %get3A_118, %div3A : vector<16xf32>
        %swap3A_120 = arith.index_cast %add3A_30 : i32 to index
        %swap3A_121 = arith.constant 112 : index
        %swap3A_122 = tpu.vector_load %arg16[%swap3A_120, %swap3A_121] {strides = array<i32>} : memref<128x128xf32, #tpu.memory_space<vmem>>, vector<1x16xf32>,
        %swap3A_123 = vector.shape_cast %swap3A_122 : vector<1x16xf32> to vector<16xf32>
        %swap3A_124 = vector.shape_cast %mul3A_119 : vector<16xf32> to vector<1x16xf32>
        tpu.vector_store %arg16[%swap3A_120, %swap3A_121], %swap3A_124 {strides = array<i32>} : memref<128x128xf32, #tpu.memory_space<vmem>>, vector<1x16xf32>,
      }
      %scan3A_25 = arith.constant 128 : i32
      "tpu.region"() ({
        %run_scoped3A = tpu.sem_alloc : memref<!tpu.dma_semaphore, #tpu.memory_space<semaphore_mem>>
        %dma_start3A = arith.constant 0 : i32
        %dma_start3A_26 = arith.constant 0 : i32
        %dma_start3A_27 = tpu.memref_slice %arg17[%dma_start3A, %dma_start3A_26] : memref<10240x128xf32, #tpu.memory_space<vmem_shared>> -> memref<10240x128xf32, #tpu.memory_space<vmem_shared>>
        tpu.enqueue_indirect_dma source(%arg16 : memref<128x128xf32, #tpu.memory_space<vmem>>) target(%dma_start3A_27 : memref<10240x128xf32, #tpu.memory_space<vmem_shared>>) offsets(%arg11 : memref<128xi32, #tpu.memory_space<vmem>>) semaphore(%run_scoped3A : memref<!tpu.dma_semaphore, #tpu.memory_space<semaphore_mem>>) {add = true}
        %dma_wait3A = arith.constant 0 : i32
        %dma_wait3A_28 = arith.constant 0 : i32
        %dma_wait3A_29 = tpu.memref_slice %arg17[%dma_wait3A, %dma_wait3A_28] : memref<10240x128xf32, #tpu.memory_space<vmem_shared>> -> memref<10240x128xf32, #tpu.memory_space<vmem_shared>>
        tpu.wait_indirect_dma semaphore(%run_scoped3A : memref<!tpu.dma_semaphore, #tpu.memory_space<semaphore_mem>>) src(%arg16 : memref<128x128xf32, #tpu.memory_space<vmem>>) dst(%dma_wait3A_29 : memref<10240x128xf32, #tpu.memory_space<vmem_shared>>)
        tpu.yield
      }) : () -> ()
    }
    %scan3A_6 = arith.constant 81 : i32
    %barrier3A_7 = arith.constant 0 : index
    tpu.barrier barrier_id(%barrier3A_7)
    %mul3A_8 = arith.constant 10240 : i32
    %mul3A_9 = arith.muli %arg0, %mul3A_8 : i32
    %add3A_10 = arith.addi %mul3A_9, %mul3A_2 : i32
    "tpu.region"() ({
      %run_scoped3A = tpu.sem_alloc : memref<!tpu.dma_semaphore, #tpu.memory_space<semaphore_mem>>
      %dma_start3A = arith.constant 0 : i32
      %dma_start3A_11 = tpu.memref_slice %arg9[%add3A_10, %dma_start3A] : memref<20480x128xf32, #tpu.memory_space<hbm>> -> memref<640x128xf32, #tpu.memory_space<hbm>>
      %dma_start3A_12 = arith.constant 0 : i32
      %dma_start3A_13 = tpu.memref_slice %arg17[%mul3A_2, %dma_start3A_12] : memref<10240x128xf32, #tpu.memory_space<vmem_shared>> -> memref<640x128xf32, #tpu.memory_space<vmem_shared>>
      tpu.enqueue_dma source(%dma_start3A_13 : memref<640x128xf32, #tpu.memory_space<vmem_shared>>) target(%dma_start3A_11 : memref<640x128xf32, #tpu.memory_space<hbm>>) target_semaphore(%run_scoped3A : memref<!tpu.dma_semaphore, #tpu.memory_space<semaphore_mem>>)
      %dma_wait3A = arith.constant 0 : i32
      %dma_wait3A_14 = tpu.memref_slice %arg9[%add3A_10, %dma_wait3A] : memref<20480x128xf32, #tpu.memory_space<hbm>> -> memref<640x128xf32, #tpu.memory_space<hbm>>
      %dma_wait3A_15 = arith.constant 0 : i32
      %dma_wait3A_16 = tpu.memref_slice %arg17[%mul3A_2, %dma_wait3A_15] : memref<10240x128xf32, #tpu.memory_space<vmem_shared>> -> memref<640x128xf32, #tpu.memory_space<vmem_shared>>
      tpu.wait_dma2 semaphore(%run_scoped3A : memref<!tpu.dma_semaphore, #tpu.memory_space<semaphore_mem>>) src(%dma_wait3A_16 : memref<640x128xf32, #tpu.memory_space<vmem_shared>>) dst(%dma_wait3A_14 : memref<640x128xf32, #tpu.memory_space<hbm>>)
      tpu.yield
    }) : () -> ()
    return
  }
}

#map = affine_map<(d0, d1) -> (0)>
#map1 = affine_map<(d0, d1) -> (0, 0)>
module attributes {stable_mosaic.version = 14 : i64} {
  func.func @k(%arg0: i32, %arg1: i32, %arg2: memref<323584xi32, #tpu.memory_space<hbm>>, %arg3: memref<323584xi32, #tpu.memory_space<hbm>>, %arg4: memref<10240x16xf32, #tpu.memory_space<hbm>>, %arg5: memref<10240x16xf32, #tpu.memory_space<hbm>>, %arg6: memref<20480x16xf32, #tpu.memory_space<hbm>>, %arg7: memref<20480x16xf32, #tpu.memory_space<hbm>>, %arg8: memref<128xi32, #tpu.memory_space<vmem>>, %arg9: memref<128xi32, #tpu.memory_space<vmem>>, %arg10: memref<128x16xf32, #tpu.memory_space<vmem>>, %arg11: memref<128x16xf32, #tpu.memory_space<vmem>>, %arg12: memref<10240x16xf32, #tpu.memory_space<vmem_shared>>, %arg13: memref<10240x16xf32, #tpu.memory_space<vmem_shared>>) attributes {dimension_semantics = [#tpu.dimension_semantics<core_parallel>, #tpu.dimension_semantics<subcore_parallel>], iteration_bounds = array<i64: 2, 16>, scalar_prefetch = 0 : i64, scratch_operands = 6 : i64, tpu.core_type = #tpu.core_type<sc_vector_subcore>, window_params = [{transform_indices = #map}, {transform_indices = #map}, {transform_indices = #map1}, {transform_indices = #map1}, {transform_indices = #map1}, {transform_indices = #map1}]} {
    %mul3A = arith.constant 16 : i32
    %mul3A_0 = arith.muli %arg0, %mul3A : i32
    %add3A = arith.addi %mul3A_0, %arg1 : i32
    %mul3A_1 = arith.constant 640 : i32
    %mul3A_2 = arith.muli %arg1, %mul3A_1 : i32
    "tpu.region"() ({
      %run_scoped3A = tpu.sem_alloc : memref<!tpu.dma_semaphore, #tpu.memory_space<semaphore_mem>>
      %dma_start3A = arith.constant 0 : i32
      %dma_start3A_19 = tpu.memref_slice %arg12[%mul3A_2, %dma_start3A] : memref<10240x16xf32, #tpu.memory_space<vmem_shared>> -> memref<640x16xf32, #tpu.memory_space<vmem_shared>>
      %dma_start3A_20 = arith.constant 0 : i32
      %dma_start3A_21 = tpu.memref_slice %arg5[%mul3A_2, %dma_start3A_20] : memref<10240x16xf32, #tpu.memory_space<hbm>> -> memref<640x16xf32, #tpu.memory_space<hbm>>
      tpu.enqueue_dma source(%dma_start3A_21 : memref<640x16xf32, #tpu.memory_space<hbm>>) target(%dma_start3A_19 : memref<640x16xf32, #tpu.memory_space<vmem_shared>>) target_semaphore(%run_scoped3A : memref<!tpu.dma_semaphore, #tpu.memory_space<semaphore_mem>>)
      %dma_wait3A = arith.constant 0 : i32
      %dma_wait3A_22 = tpu.memref_slice %arg12[%mul3A_2, %dma_wait3A] : memref<10240x16xf32, #tpu.memory_space<vmem_shared>> -> memref<640x16xf32, #tpu.memory_space<vmem_shared>>
      %dma_wait3A_23 = arith.constant 0 : i32
      %dma_wait3A_24 = tpu.memref_slice %arg5[%mul3A_2, %dma_wait3A_23] : memref<10240x16xf32, #tpu.memory_space<hbm>> -> memref<640x16xf32, #tpu.memory_space<hbm>>
      tpu.wait_dma2 semaphore(%run_scoped3A : memref<!tpu.dma_semaphore, #tpu.memory_space<semaphore_mem>>) src(%dma_wait3A_24 : memref<640x16xf32, #tpu.memory_space<hbm>>) dst(%dma_wait3A_22 : memref<640x16xf32, #tpu.memory_space<vmem_shared>>)
      tpu.yield
    }) : () -> ()
    "tpu.region"() ({
      %run_scoped3A = tpu.sem_alloc : memref<!tpu.dma_semaphore, #tpu.memory_space<semaphore_mem>>
      %dma_start3A = arith.constant 0 : i32
      %dma_start3A_19 = tpu.memref_slice %arg13[%mul3A_2, %dma_start3A] : memref<10240x16xf32, #tpu.memory_space<vmem_shared>> -> memref<640x16xf32, #tpu.memory_space<vmem_shared>>
      %dma_start3A_20 = arith.constant 0 : i32
      %dma_start3A_21 = tpu.memref_slice %arg5[%mul3A_2, %dma_start3A_20] : memref<10240x16xf32, #tpu.memory_space<hbm>> -> memref<640x16xf32, #tpu.memory_space<hbm>>
      tpu.enqueue_dma source(%dma_start3A_21 : memref<640x16xf32, #tpu.memory_space<hbm>>) target(%dma_start3A_19 : memref<640x16xf32, #tpu.memory_space<vmem_shared>>) target_semaphore(%run_scoped3A : memref<!tpu.dma_semaphore, #tpu.memory_space<semaphore_mem>>)
      %dma_wait3A = arith.constant 0 : i32
      %dma_wait3A_22 = tpu.memref_slice %arg13[%mul3A_2, %dma_wait3A] : memref<10240x16xf32, #tpu.memory_space<vmem_shared>> -> memref<640x16xf32, #tpu.memory_space<vmem_shared>>
      %dma_wait3A_23 = arith.constant 0 : i32
      %dma_wait3A_24 = tpu.memref_slice %arg5[%mul3A_2, %dma_wait3A_23] : memref<10240x16xf32, #tpu.memory_space<hbm>> -> memref<640x16xf32, #tpu.memory_space<hbm>>
      tpu.wait_dma2 semaphore(%run_scoped3A : memref<!tpu.dma_semaphore, #tpu.memory_space<semaphore_mem>>) src(%dma_wait3A_24 : memref<640x16xf32, #tpu.memory_space<hbm>>) dst(%dma_wait3A_22 : memref<640x16xf32, #tpu.memory_space<vmem_shared>>)
      tpu.yield
    }) : () -> ()
    %scan3A = arith.constant 0 : i32
    %scan3A_3 = arith.constant 128 : i32
    %scan3A_4 = arith.addi %scan3A, %scan3A_3 : i32
    %scan3A_5 = arith.constant 1 : i32
    scf.for %scan3A_19 = %scan3A to %scan3A_4 step %scan3A_5  : i32 {
      %mul3A_20 = arith.constant 1 : i32
      %mul3A_21 = arith.muli %scan3A_19, %mul3A_20 : i32
      %add3A_22 = arith.constant 0 : i32
      %add3A_23 = arith.addi %add3A_22, %mul3A_21 : i32
      %broadcast_in_dim3A = arith.constant 1.000000e+00 : f32
      %broadcast_in_dim3A_24 = vector.broadcast %broadcast_in_dim3A : f32 to vector<16xf32>
      %swap3A = arith.index_cast %add3A_23 : i32 to index
      %swap3A_25 = arith.constant 0 : index
      %swap3A_26 = tpu.vector_load %arg11[%swap3A, %swap3A_25] {strides = array<i32>} : memref<128x16xf32, #tpu.memory_space<vmem>>, vector<1x16xf32>,
      %swap3A_27 = vector.shape_cast %swap3A_26 : vector<1x16xf32> to vector<16xf32>
      %swap3A_28 = vector.shape_cast %broadcast_in_dim3A_24 : vector<16xf32> to vector<1x16xf32>
      tpu.vector_store %arg11[%swap3A, %swap3A_25], %swap3A_28 {strides = array<i32>} : memref<128x16xf32, #tpu.memory_space<vmem>>, vector<1x16xf32>,
    }
    %scan3A_6 = arith.constant 128 : i32
    %barrier3A = arith.constant 0 : index
    tpu.barrier barrier_id(%barrier3A)
    %scan3A_7 = arith.constant 0 : i32
    %scan3A_8 = arith.constant 79 : i32
    %scan3A_9 = arith.addi %scan3A_7, %scan3A_8 : i32
    %scan3A_10 = arith.constant 1 : i32
    scf.for %scan3A_19 = %scan3A_7 to %scan3A_9 step %scan3A_10  : i32 {
      %mul3A_20 = arith.constant 1 : i32
      %mul3A_21 = arith.muli %scan3A_19, %mul3A_20 : i32
      %add3A_22 = arith.constant 0 : i32
      %add3A_23 = arith.addi %add3A_22, %mul3A_21 : i32
      %mul3A_24 = arith.constant 10112 : i32
      %mul3A_25 = arith.muli %add3A, %mul3A_24 : i32
      %mul3A_26 = arith.constant 128 : i32
      %mul3A_27 = arith.muli %add3A_23, %mul3A_26 : i32
      %add3A_28 = arith.addi %mul3A_25, %mul3A_27 : i32
      "tpu.region"() ({
        %run_scoped3A = tpu.sem_alloc : memref<!tpu.dma_semaphore, #tpu.memory_space<semaphore_mem>>
        %dma_start3A = tpu.memref_slice %arg2[%add3A_28] : memref<323584xi32, #tpu.memory_space<hbm>> -> memref<128xi32, #tpu.memory_space<hbm>>
        %dma_start3A_29 = tpu.memref_slice %arg2[%add3A_28] : memref<323584xi32, #tpu.memory_space<hbm>> -> memref<128xi32, #tpu.memory_space<hbm>>
        tpu.enqueue_dma source(%dma_start3A_29 : memref<128xi32, #tpu.memory_space<hbm>>) target(%arg8 : memref<128xi32, #tpu.memory_space<vmem>>) target_semaphore(%run_scoped3A : memref<!tpu.dma_semaphore, #tpu.memory_space<semaphore_mem>>)
        %dma_wait3A = tpu.memref_slice %arg2[%add3A_28] : memref<323584xi32, #tpu.memory_space<hbm>> -> memref<128xi32, #tpu.memory_space<hbm>>
        %dma_wait3A_30 = tpu.memref_slice %arg2[%add3A_28] : memref<323584xi32, #tpu.memory_space<hbm>> -> memref<128xi32, #tpu.memory_space<hbm>>
        tpu.wait_dma2 semaphore(%run_scoped3A : memref<!tpu.dma_semaphore, #tpu.memory_space<semaphore_mem>>) src(%dma_wait3A_30 : memref<128xi32, #tpu.memory_space<hbm>>) dst(%arg8 : memref<128xi32, #tpu.memory_space<vmem>>)
        tpu.yield
      }) : () -> ()
      "tpu.region"() ({
        %run_scoped3A = tpu.sem_alloc : memref<!tpu.dma_semaphore, #tpu.memory_space<semaphore_mem>>
        %dma_start3A = tpu.memref_slice %arg3[%add3A_28] : memref<323584xi32, #tpu.memory_space<hbm>> -> memref<128xi32, #tpu.memory_space<hbm>>
        %dma_start3A_29 = tpu.memref_slice %arg3[%add3A_28] : memref<323584xi32, #tpu.memory_space<hbm>> -> memref<128xi32, #tpu.memory_space<hbm>>
        tpu.enqueue_dma source(%dma_start3A_29 : memref<128xi32, #tpu.memory_space<hbm>>) target(%arg9 : memref<128xi32, #tpu.memory_space<vmem>>) target_semaphore(%run_scoped3A : memref<!tpu.dma_semaphore, #tpu.memory_space<semaphore_mem>>)
        %dma_wait3A = tpu.memref_slice %arg3[%add3A_28] : memref<323584xi32, #tpu.memory_space<hbm>> -> memref<128xi32, #tpu.memory_space<hbm>>
        %dma_wait3A_30 = tpu.memref_slice %arg3[%add3A_28] : memref<323584xi32, #tpu.memory_space<hbm>> -> memref<128xi32, #tpu.memory_space<hbm>>
        tpu.wait_dma2 semaphore(%run_scoped3A : memref<!tpu.dma_semaphore, #tpu.memory_space<semaphore_mem>>) src(%dma_wait3A_30 : memref<128xi32, #tpu.memory_space<hbm>>) dst(%arg9 : memref<128xi32, #tpu.memory_space<vmem>>)
        tpu.yield
      }) : () -> ()
      "tpu.region"() ({
        %run_scoped3A = tpu.sem_alloc : memref<!tpu.dma_semaphore, #tpu.memory_space<semaphore_mem>>
        %dma_start3A = arith.constant 0 : i32
        %dma_start3A_29 = arith.constant 0 : i32
        %dma_start3A_30 = tpu.memref_slice %arg4[%dma_start3A, %dma_start3A_29] : memref<10240x16xf32, #tpu.memory_space<hbm>> -> memref<10240x16xf32, #tpu.memory_space<hbm>>
        tpu.enqueue_indirect_dma source(%dma_start3A_30 : memref<10240x16xf32, #tpu.memory_space<hbm>>) target(%arg10 : memref<128x16xf32, #tpu.memory_space<vmem>>) offsets(%arg8 : memref<128xi32, #tpu.memory_space<vmem>>) semaphore(%run_scoped3A : memref<!tpu.dma_semaphore, #tpu.memory_space<semaphore_mem>>)
        %dma_wait3A = arith.constant 0 : i32
        %dma_wait3A_31 = arith.constant 0 : i32
        %dma_wait3A_32 = tpu.memref_slice %arg4[%dma_wait3A, %dma_wait3A_31] : memref<10240x16xf32, #tpu.memory_space<hbm>> -> memref<10240x16xf32, #tpu.memory_space<hbm>>
        tpu.wait_indirect_dma semaphore(%run_scoped3A : memref<!tpu.dma_semaphore, #tpu.memory_space<semaphore_mem>>) src(%dma_wait3A_32 : memref<10240x16xf32, #tpu.memory_space<hbm>>) dst(%arg10 : memref<128x16xf32, #tpu.memory_space<vmem>>)
        tpu.yield
      }) : () -> ()
      "tpu.region"() ({
        %run_scoped3A = tpu.sem_alloc : memref<!tpu.dma_semaphore, #tpu.memory_space<semaphore_mem>>
        %dma_start3A = arith.constant 0 : i32
        %dma_start3A_29 = arith.constant 0 : i32
        %dma_start3A_30 = tpu.memref_slice %arg12[%dma_start3A, %dma_start3A_29] : memref<10240x16xf32, #tpu.memory_space<vmem_shared>> -> memref<10240x16xf32, #tpu.memory_space<vmem_shared>>
        tpu.enqueue_indirect_dma source(%arg10 : memref<128x16xf32, #tpu.memory_space<vmem>>) target(%dma_start3A_30 : memref<10240x16xf32, #tpu.memory_space<vmem_shared>>) offsets(%arg9 : memref<128xi32, #tpu.memory_space<vmem>>) semaphore(%run_scoped3A : memref<!tpu.dma_semaphore, #tpu.memory_space<semaphore_mem>>) {add = true}
        %dma_wait3A = arith.constant 0 : i32
        %dma_wait3A_31 = arith.constant 0 : i32
        %dma_wait3A_32 = tpu.memref_slice %arg12[%dma_wait3A, %dma_wait3A_31] : memref<10240x16xf32, #tpu.memory_space<vmem_shared>> -> memref<10240x16xf32, #tpu.memory_space<vmem_shared>>
        tpu.wait_indirect_dma semaphore(%run_scoped3A : memref<!tpu.dma_semaphore, #tpu.memory_space<semaphore_mem>>) src(%arg10 : memref<128x16xf32, #tpu.memory_space<vmem>>) dst(%dma_wait3A_32 : memref<10240x16xf32, #tpu.memory_space<vmem_shared>>)
        tpu.yield
      }) : () -> ()
      "tpu.region"() ({
        %run_scoped3A = tpu.sem_alloc : memref<!tpu.dma_semaphore, #tpu.memory_space<semaphore_mem>>
        %dma_start3A = arith.constant 0 : i32
        %dma_start3A_29 = arith.constant 0 : i32
        %dma_start3A_30 = tpu.memref_slice %arg13[%dma_start3A, %dma_start3A_29] : memref<10240x16xf32, #tpu.memory_space<vmem_shared>> -> memref<10240x16xf32, #tpu.memory_space<vmem_shared>>
        tpu.enqueue_indirect_dma source(%arg11 : memref<128x16xf32, #tpu.memory_space<vmem>>) target(%dma_start3A_30 : memref<10240x16xf32, #tpu.memory_space<vmem_shared>>) offsets(%arg9 : memref<128xi32, #tpu.memory_space<vmem>>) semaphore(%run_scoped3A : memref<!tpu.dma_semaphore, #tpu.memory_space<semaphore_mem>>) {add = true}
        %dma_wait3A = arith.constant 0 : i32
        %dma_wait3A_31 = arith.constant 0 : i32
        %dma_wait3A_32 = tpu.memref_slice %arg13[%dma_wait3A, %dma_wait3A_31] : memref<10240x16xf32, #tpu.memory_space<vmem_shared>> -> memref<10240x16xf32, #tpu.memory_space<vmem_shared>>
        tpu.wait_indirect_dma semaphore(%run_scoped3A : memref<!tpu.dma_semaphore, #tpu.memory_space<semaphore_mem>>) src(%arg11 : memref<128x16xf32, #tpu.memory_space<vmem>>) dst(%dma_wait3A_32 : memref<10240x16xf32, #tpu.memory_space<vmem_shared>>)
        tpu.yield
      }) : () -> ()
    }
    %scan3A_11 = arith.constant 79 : i32
    %barrier3A_12 = arith.constant 0 : index
    tpu.barrier barrier_id(%barrier3A_12)
    %mul3A_13 = arith.constant 10240 : i32
    %mul3A_14 = arith.muli %arg0, %mul3A_13 : i32
    %add3A_15 = arith.addi %mul3A_14, %mul3A_2 : i32
    "tpu.region"() ({
      %run_scoped3A = tpu.sem_alloc : memref<!tpu.dma_semaphore, #tpu.memory_space<semaphore_mem>>
      %dma_start3A = arith.constant 0 : i32
      %dma_start3A_19 = tpu.memref_slice %arg6[%add3A_15, %dma_start3A] : memref<20480x16xf32, #tpu.memory_space<hbm>> -> memref<640x16xf32, #tpu.memory_space<hbm>>
      %dma_start3A_20 = arith.constant 0 : i32
      %dma_start3A_21 = tpu.memref_slice %arg12[%mul3A_2, %dma_start3A_20] : memref<10240x16xf32, #tpu.memory_space<vmem_shared>> -> memref<640x16xf32, #tpu.memory_space<vmem_shared>>
      tpu.enqueue_dma source(%dma_start3A_21 : memref<640x16xf32, #tpu.memory_space<vmem_shared>>) target(%dma_start3A_19 : memref<640x16xf32, #tpu.memory_space<hbm>>) target_semaphore(%run_scoped3A : memref<!tpu.dma_semaphore, #tpu.memory_space<semaphore_mem>>)
      %dma_wait3A = arith.constant 0 : i32
      %dma_wait3A_22 = tpu.memref_slice %arg6[%add3A_15, %dma_wait3A] : memref<20480x16xf32, #tpu.memory_space<hbm>> -> memref<640x16xf32, #tpu.memory_space<hbm>>
      %dma_wait3A_23 = arith.constant 0 : i32
      %dma_wait3A_24 = tpu.memref_slice %arg12[%mul3A_2, %dma_wait3A_23] : memref<10240x16xf32, #tpu.memory_space<vmem_shared>> -> memref<640x16xf32, #tpu.memory_space<vmem_shared>>
      tpu.wait_dma2 semaphore(%run_scoped3A : memref<!tpu.dma_semaphore, #tpu.memory_space<semaphore_mem>>) src(%dma_wait3A_24 : memref<640x16xf32, #tpu.memory_space<vmem_shared>>) dst(%dma_wait3A_22 : memref<640x16xf32, #tpu.memory_space<hbm>>)
      tpu.yield
    }) : () -> ()
    %mul3A_16 = arith.constant 10240 : i32
    %mul3A_17 = arith.muli %arg0, %mul3A_16 : i32
    %add3A_18 = arith.addi %mul3A_17, %mul3A_2 : i32
    "tpu.region"() ({
      %run_scoped3A = tpu.sem_alloc : memref<!tpu.dma_semaphore, #tpu.memory_space<semaphore_mem>>
      %dma_start3A = arith.constant 0 : i32
      %dma_start3A_19 = tpu.memref_slice %arg7[%add3A_18, %dma_start3A] : memref<20480x16xf32, #tpu.memory_space<hbm>> -> memref<640x16xf32, #tpu.memory_space<hbm>>
      %dma_start3A_20 = arith.constant 0 : i32
      %dma_start3A_21 = tpu.memref_slice %arg13[%mul3A_2, %dma_start3A_20] : memref<10240x16xf32, #tpu.memory_space<vmem_shared>> -> memref<640x16xf32, #tpu.memory_space<vmem_shared>>
      tpu.enqueue_dma source(%dma_start3A_21 : memref<640x16xf32, #tpu.memory_space<vmem_shared>>) target(%dma_start3A_19 : memref<640x16xf32, #tpu.memory_space<hbm>>) target_semaphore(%run_scoped3A : memref<!tpu.dma_semaphore, #tpu.memory_space<semaphore_mem>>)
      %dma_wait3A = arith.constant 0 : i32
      %dma_wait3A_22 = tpu.memref_slice %arg7[%add3A_18, %dma_wait3A] : memref<20480x16xf32, #tpu.memory_space<hbm>> -> memref<640x16xf32, #tpu.memory_space<hbm>>
      %dma_wait3A_23 = arith.constant 0 : i32
      %dma_wait3A_24 = tpu.memref_slice %arg13[%mul3A_2, %dma_wait3A_23] : memref<10240x16xf32, #tpu.memory_space<vmem_shared>> -> memref<640x16xf32, #tpu.memory_space<vmem_shared>>
      tpu.wait_dma2 semaphore(%run_scoped3A : memref<!tpu.dma_semaphore, #tpu.memory_space<semaphore_mem>>) src(%dma_wait3A_24 : memref<640x16xf32, #tpu.memory_space<vmem_shared>>) dst(%dma_wait3A_22 : memref<640x16xf32, #tpu.memory_space<hbm>>)
      tpu.yield
    }) : () -> ()
    return
  }
}

#map = affine_map<(d0, d1) -> (0)>
#map1 = affine_map<(d0, d1) -> (0, 0)>
module attributes {stable_mosaic.version = 14 : i64} {
  func.func @k(%arg0: i32, %arg1: i32, %arg2: memref<323584xi32, #tpu.memory_space<hbm>>, %arg3: memref<323584xi32, #tpu.memory_space<hbm>>, %arg4: memref<10240x16xf32, #tpu.memory_space<hbm>>, %arg5: memref<10240x16xf32, #tpu.memory_space<hbm>>, %arg6: memref<20480x16xf32, #tpu.memory_space<hbm>>, %arg7: memref<128xi32, #tpu.memory_space<vmem>>, %arg8: memref<128xi32, #tpu.memory_space<vmem>>, %arg9: memref<128x16xf32, #tpu.memory_space<vmem>>, %arg10: memref<10240x16xf32, #tpu.memory_space<vmem_shared>>) attributes {dimension_semantics = [#tpu.dimension_semantics<core_parallel>, #tpu.dimension_semantics<subcore_parallel>], iteration_bounds = array<i64: 2, 16>, scalar_prefetch = 0 : i64, scratch_operands = 4 : i64, tpu.core_type = #tpu.core_type<sc_vector_subcore>, window_params = [{transform_indices = #map}, {transform_indices = #map}, {transform_indices = #map1}, {transform_indices = #map1}, {transform_indices = #map1}]} {
    %mul3A = arith.constant 16 : i32
    %mul3A_0 = arith.muli %arg0, %mul3A : i32
    %add3A = arith.addi %mul3A_0, %arg1 : i32
    %mul3A_1 = arith.constant 640 : i32
    %mul3A_2 = arith.muli %arg1, %mul3A_1 : i32
    "tpu.region"() ({
      %run_scoped3A = tpu.sem_alloc : memref<!tpu.dma_semaphore, #tpu.memory_space<semaphore_mem>>
      %dma_start3A = arith.constant 0 : i32
      %dma_start3A_11 = tpu.memref_slice %arg10[%mul3A_2, %dma_start3A] : memref<10240x16xf32, #tpu.memory_space<vmem_shared>> -> memref<640x16xf32, #tpu.memory_space<vmem_shared>>
      %dma_start3A_12 = arith.constant 0 : i32
      %dma_start3A_13 = tpu.memref_slice %arg5[%mul3A_2, %dma_start3A_12] : memref<10240x16xf32, #tpu.memory_space<hbm>> -> memref<640x16xf32, #tpu.memory_space<hbm>>
      tpu.enqueue_dma source(%dma_start3A_13 : memref<640x16xf32, #tpu.memory_space<hbm>>) target(%dma_start3A_11 : memref<640x16xf32, #tpu.memory_space<vmem_shared>>) target_semaphore(%run_scoped3A : memref<!tpu.dma_semaphore, #tpu.memory_space<semaphore_mem>>)
      %dma_wait3A = arith.constant 0 : i32
      %dma_wait3A_14 = tpu.memref_slice %arg10[%mul3A_2, %dma_wait3A] : memref<10240x16xf32, #tpu.memory_space<vmem_shared>> -> memref<640x16xf32, #tpu.memory_space<vmem_shared>>
      %dma_wait3A_15 = arith.constant 0 : i32
      %dma_wait3A_16 = tpu.memref_slice %arg5[%mul3A_2, %dma_wait3A_15] : memref<10240x16xf32, #tpu.memory_space<hbm>> -> memref<640x16xf32, #tpu.memory_space<hbm>>
      tpu.wait_dma2 semaphore(%run_scoped3A : memref<!tpu.dma_semaphore, #tpu.memory_space<semaphore_mem>>) src(%dma_wait3A_16 : memref<640x16xf32, #tpu.memory_space<hbm>>) dst(%dma_wait3A_14 : memref<640x16xf32, #tpu.memory_space<vmem_shared>>)
      tpu.yield
    }) : () -> ()
    %barrier3A = arith.constant 0 : index
    tpu.barrier barrier_id(%barrier3A)
    %scan3A = arith.constant 0 : i32
    %scan3A_3 = arith.constant 79 : i32
    %scan3A_4 = arith.addi %scan3A, %scan3A_3 : i32
    %scan3A_5 = arith.constant 1 : i32
    scf.for %scan3A_11 = %scan3A to %scan3A_4 step %scan3A_5  : i32 {
      %mul3A_12 = arith.constant 1 : i32
      %mul3A_13 = arith.muli %scan3A_11, %mul3A_12 : i32
      %add3A_14 = arith.constant 0 : i32
      %add3A_15 = arith.addi %add3A_14, %mul3A_13 : i32
      %mul3A_16 = arith.constant 10112 : i32
      %mul3A_17 = arith.muli %add3A, %mul3A_16 : i32
      %mul3A_18 = arith.constant 128 : i32
      %mul3A_19 = arith.muli %add3A_15, %mul3A_18 : i32
      %add3A_20 = arith.addi %mul3A_17, %mul3A_19 : i32
      "tpu.region"() ({
        %run_scoped3A = tpu.sem_alloc : memref<!tpu.dma_semaphore, #tpu.memory_space<semaphore_mem>>
        %dma_start3A = tpu.memref_slice %arg2[%add3A_20] : memref<323584xi32, #tpu.memory_space<hbm>> -> memref<128xi32, #tpu.memory_space<hbm>>
        %dma_start3A_21 = tpu.memref_slice %arg2[%add3A_20] : memref<323584xi32, #tpu.memory_space<hbm>> -> memref<128xi32, #tpu.memory_space<hbm>>
        tpu.enqueue_dma source(%dma_start3A_21 : memref<128xi32, #tpu.memory_space<hbm>>) target(%arg7 : memref<128xi32, #tpu.memory_space<vmem>>) target_semaphore(%run_scoped3A : memref<!tpu.dma_semaphore, #tpu.memory_space<semaphore_mem>>)
        %dma_wait3A = tpu.memref_slice %arg2[%add3A_20] : memref<323584xi32, #tpu.memory_space<hbm>> -> memref<128xi32, #tpu.memory_space<hbm>>
        %dma_wait3A_22 = tpu.memref_slice %arg2[%add3A_20] : memref<323584xi32, #tpu.memory_space<hbm>> -> memref<128xi32, #tpu.memory_space<hbm>>
        tpu.wait_dma2 semaphore(%run_scoped3A : memref<!tpu.dma_semaphore, #tpu.memory_space<semaphore_mem>>) src(%dma_wait3A_22 : memref<128xi32, #tpu.memory_space<hbm>>) dst(%arg7 : memref<128xi32, #tpu.memory_space<vmem>>)
        tpu.yield
      }) : () -> ()
      "tpu.region"() ({
        %run_scoped3A = tpu.sem_alloc : memref<!tpu.dma_semaphore, #tpu.memory_space<semaphore_mem>>
        %dma_start3A = tpu.memref_slice %arg3[%add3A_20] : memref<323584xi32, #tpu.memory_space<hbm>> -> memref<128xi32, #tpu.memory_space<hbm>>
        %dma_start3A_21 = tpu.memref_slice %arg3[%add3A_20] : memref<323584xi32, #tpu.memory_space<hbm>> -> memref<128xi32, #tpu.memory_space<hbm>>
        tpu.enqueue_dma source(%dma_start3A_21 : memref<128xi32, #tpu.memory_space<hbm>>) target(%arg8 : memref<128xi32, #tpu.memory_space<vmem>>) target_semaphore(%run_scoped3A : memref<!tpu.dma_semaphore, #tpu.memory_space<semaphore_mem>>)
        %dma_wait3A = tpu.memref_slice %arg3[%add3A_20] : memref<323584xi32, #tpu.memory_space<hbm>> -> memref<128xi32, #tpu.memory_space<hbm>>
        %dma_wait3A_22 = tpu.memref_slice %arg3[%add3A_20] : memref<323584xi32, #tpu.memory_space<hbm>> -> memref<128xi32, #tpu.memory_space<hbm>>
        tpu.wait_dma2 semaphore(%run_scoped3A : memref<!tpu.dma_semaphore, #tpu.memory_space<semaphore_mem>>) src(%dma_wait3A_22 : memref<128xi32, #tpu.memory_space<hbm>>) dst(%arg8 : memref<128xi32, #tpu.memory_space<vmem>>)
        tpu.yield
      }) : () -> ()
      "tpu.region"() ({
        %run_scoped3A = tpu.sem_alloc : memref<!tpu.dma_semaphore, #tpu.memory_space<semaphore_mem>>
        %dma_start3A = arith.constant 0 : i32
        %dma_start3A_21 = arith.constant 0 : i32
        %dma_start3A_22 = tpu.memref_slice %arg4[%dma_start3A, %dma_start3A_21] : memref<10240x16xf32, #tpu.memory_space<hbm>> -> memref<10240x16xf32, #tpu.memory_space<hbm>>
        tpu.enqueue_indirect_dma source(%dma_start3A_22 : memref<10240x16xf32, #tpu.memory_space<hbm>>) target(%arg9 : memref<128x16xf32, #tpu.memory_space<vmem>>) offsets(%arg7 : memref<128xi32, #tpu.memory_space<vmem>>) semaphore(%run_scoped3A : memref<!tpu.dma_semaphore, #tpu.memory_space<semaphore_mem>>)
        %dma_wait3A = arith.constant 0 : i32
        %dma_wait3A_23 = arith.constant 0 : i32
        %dma_wait3A_24 = tpu.memref_slice %arg4[%dma_wait3A, %dma_wait3A_23] : memref<10240x16xf32, #tpu.memory_space<hbm>> -> memref<10240x16xf32, #tpu.memory_space<hbm>>
        tpu.wait_indirect_dma semaphore(%run_scoped3A : memref<!tpu.dma_semaphore, #tpu.memory_space<semaphore_mem>>) src(%dma_wait3A_24 : memref<10240x16xf32, #tpu.memory_space<hbm>>) dst(%arg9 : memref<128x16xf32, #tpu.memory_space<vmem>>)
        tpu.yield
      }) : () -> ()
      "tpu.region"() ({
        %run_scoped3A = tpu.sem_alloc : memref<!tpu.dma_semaphore, #tpu.memory_space<semaphore_mem>>
        %dma_start3A = arith.constant 0 : i32
        %dma_start3A_21 = arith.constant 0 : i32
        %dma_start3A_22 = tpu.memref_slice %arg10[%dma_start3A, %dma_start3A_21] : memref<10240x16xf32, #tpu.memory_space<vmem_shared>> -> memref<10240x16xf32, #tpu.memory_space<vmem_shared>>
        tpu.enqueue_indirect_dma source(%arg9 : memref<128x16xf32, #tpu.memory_space<vmem>>) target(%dma_start3A_22 : memref<10240x16xf32, #tpu.memory_space<vmem_shared>>) offsets(%arg8 : memref<128xi32, #tpu.memory_space<vmem>>) semaphore(%run_scoped3A : memref<!tpu.dma_semaphore, #tpu.memory_space<semaphore_mem>>) {add = true}
        %dma_wait3A = arith.constant 0 : i32
        %dma_wait3A_23 = arith.constant 0 : i32
        %dma_wait3A_24 = tpu.memref_slice %arg10[%dma_wait3A, %dma_wait3A_23] : memref<10240x16xf32, #tpu.memory_space<vmem_shared>> -> memref<10240x16xf32, #tpu.memory_space<vmem_shared>>
        tpu.wait_indirect_dma semaphore(%run_scoped3A : memref<!tpu.dma_semaphore, #tpu.memory_space<semaphore_mem>>) src(%arg9 : memref<128x16xf32, #tpu.memory_space<vmem>>) dst(%dma_wait3A_24 : memref<10240x16xf32, #tpu.memory_space<vmem_shared>>)
        tpu.yield
      }) : () -> ()
    }
    %scan3A_6 = arith.constant 79 : i32
    %barrier3A_7 = arith.constant 0 : index
    tpu.barrier barrier_id(%barrier3A_7)
    %mul3A_8 = arith.constant 10240 : i32
    %mul3A_9 = arith.muli %arg0, %mul3A_8 : i32
    %add3A_10 = arith.addi %mul3A_9, %mul3A_2 : i32
    "tpu.region"() ({
      %run_scoped3A = tpu.sem_alloc : memref<!tpu.dma_semaphore, #tpu.memory_space<semaphore_mem>>
      %dma_start3A = arith.constant 0 : i32
      %dma_start3A_11 = tpu.memref_slice %arg6[%add3A_10, %dma_start3A] : memref<20480x16xf32, #tpu.memory_space<hbm>> -> memref<640x16xf32, #tpu.memory_space<hbm>>
      %dma_start3A_12 = arith.constant 0 : i32
      %dma_start3A_13 = tpu.memref_slice %arg10[%mul3A_2, %dma_start3A_12] : memref<10240x16xf32, #tpu.memory_space<vmem_shared>> -> memref<640x16xf32, #tpu.memory_space<vmem_shared>>
      tpu.enqueue_dma source(%dma_start3A_13 : memref<640x16xf32, #tpu.memory_space<vmem_shared>>) target(%dma_start3A_11 : memref<640x16xf32, #tpu.memory_space<hbm>>) target_semaphore(%run_scoped3A : memref<!tpu.dma_semaphore, #tpu.memory_space<semaphore_mem>>)
      %dma_wait3A = arith.constant 0 : i32
      %dma_wait3A_14 = tpu.memref_slice %arg6[%add3A_10, %dma_wait3A] : memref<20480x16xf32, #tpu.memory_space<hbm>> -> memref<640x16xf32, #tpu.memory_space<hbm>>
      %dma_wait3A_15 = arith.constant 0 : i32
      %dma_wait3A_16 = tpu.memref_slice %arg10[%mul3A_2, %dma_wait3A_15] : memref<10240x16xf32, #tpu.memory_space<vmem_shared>> -> memref<640x16xf32, #tpu.memory_space<vmem_shared>>
      tpu.wait_dma2 semaphore(%run_scoped3A : memref<!tpu.dma_semaphore, #tpu.memory_space<semaphore_mem>>) src(%dma_wait3A_16 : memref<640x16xf32, #tpu.memory_space<vmem_shared>>) dst(%dma_wait3A_14 : memref<640x16xf32, #tpu.memory_space<hbm>>)
      tpu.yield
    }) : () -> ()
    return
  }
}

module attributes {stable_mosaic.version = 14 : i64} {
  func.func @_tc_prep_body(%arg0: i32, %arg1: memref<1024x128xf32, #tpu.memory_space<vmem>>, %arg2: memref<128x128xf32, #tpu.memory_space<vmem>>, %arg3: memref<128x16xf32, #tpu.memory_space<vmem>>, %arg4: memref<128x16xf32, #tpu.memory_space<vmem>>, %arg5: memref<1024x128xf32, #tpu.memory_space<vmem>>, %arg6: memref<1024x16xf32, #tpu.memory_space<vmem>>, %arg7: memref<1024x16xf32, #tpu.memory_space<vmem>>, %arg8: memref<8x16xf32, #tpu.memory_space<vmem>>) attributes {dimension_semantics = [#tpu.dimension_semantics<arbitrary>], iteration_bounds = array<i64: 10>, scalar_prefetch = 0 : i64, scratch_operands = 0 : i64, tpu.core_type = #tpu.core_type<tc>, window_params = [{transform_indices = @transform_0, window_bounds = array<i64: 1024, 128>}, {pipeline_mode = #tpu.pipeline_mode<synchronous>, transform_indices = @transform_1, window_bounds = array<i64: 128, 128>}, {pipeline_mode = #tpu.pipeline_mode<synchronous>, transform_indices = @transform_2, window_bounds = array<i64: 128, 16>}, {pipeline_mode = #tpu.pipeline_mode<synchronous>, transform_indices = @transform_3, window_bounds = array<i64: 128, 16>}, {transform_indices = @transform_4, window_bounds = array<i64: 1024, 128>}, {transform_indices = @transform_5, window_bounds = array<i64: 1024, 16>}, {transform_indices = @transform_6, window_bounds = array<i64: 1024, 16>}, {pipeline_mode = #tpu.pipeline_mode<synchronous>, transform_indices = @transform_7, window_bounds = array<i64: 8, 16>}]} {
    %get3A = arith.constant 0 : index
    %get3A_0 = arith.constant 0 : index
    %get3A_1 = vector.load %arg1[%get3A, %get3A_0] : memref<1024x128xf32, #tpu.memory_space<vmem>>, vector<1024x128xf32>
    %get3A_2 = arith.constant 0 : index
    %get3A_3 = arith.constant 0 : index
    %get3A_4 = vector.load %arg2[%get3A_2, %get3A_3] : memref<128x128xf32, #tpu.memory_space<vmem>>, vector<128x128xf32>
    %dot_general3A = arith.constant dense<0.000000e+00> : vector<1024x128xf32>
    %dot_general3A_5 = tpu.matmul %get3A_1, %get3A_4, %dot_general3A {dimension_numbers = #tpu.dot_dimension_numbers<[1], [0], [0], [1], [0, 0, 1, 1], [], []>, precision = #tpu.contract_precision<fp32>, transpose_lhs_hint = false} : vector<1024x128xf32>, vector<128x128xf32>, vector<1024x128xf32> -> vector<1024x128xf32>
    %swap3A = arith.constant 0 : index
    %swap3A_6 = arith.constant 0 : index
    %swap3A_7 = vector.load %arg5[%swap3A, %swap3A_6] : memref<1024x128xf32, #tpu.memory_space<vmem>>, vector<1024x128xf32>
    tpu.vector_store %arg5[%swap3A, %swap3A_6], %dot_general3A_5 {strides = array<i32>} : memref<1024x128xf32, #tpu.memory_space<vmem>>, vector<1024x128xf32>,
    %get3A_8 = arith.constant 0 : index
    %get3A_9 = arith.constant 0 : index
    %get3A_10 = vector.load %arg3[%get3A_8, %get3A_9] : memref<128x16xf32, #tpu.memory_space<vmem>>, vector<128x16xf32>
    %dot_general3A_11 = arith.constant dense<0.000000e+00> : vector<1024x16xf32>
    %dot_general3A_12 = tpu.matmul %dot_general3A_5, %get3A_10, %dot_general3A_11 {dimension_numbers = #tpu.dot_dimension_numbers<[1], [0], [0], [1], [0, 0, 1, 1], [], []>, precision = #tpu.contract_precision<fp32>, transpose_lhs_hint = false} : vector<1024x128xf32>, vector<128x16xf32>, vector<1024x16xf32> -> vector<1024x16xf32>
    %get3A_13 = arith.constant 0 : index
    %get3A_14 = arith.constant 0 : index
    %get3A_15 = vector.load %arg4[%get3A_13, %get3A_14] : memref<128x16xf32, #tpu.memory_space<vmem>>, vector<128x16xf32>
    %dot_general3A_16 = arith.constant dense<0.000000e+00> : vector<1024x16xf32>
    %dot_general3A_17 = tpu.matmul %dot_general3A_5, %get3A_15, %dot_general3A_16 {dimension_numbers = #tpu.dot_dimension_numbers<[1], [0], [0], [1], [0, 0, 1, 1], [], []>, precision = #tpu.contract_precision<fp32>, transpose_lhs_hint = false} : vector<1024x128xf32>, vector<128x16xf32>, vector<1024x16xf32> -> vector<1024x16xf32>
    %swap3A_18 = arith.constant 0 : index
    %swap3A_19 = arith.constant 0 : index
    %swap3A_20 = vector.load %arg6[%swap3A_18, %swap3A_19] : memref<1024x16xf32, #tpu.memory_space<vmem>>, vector<1024x16xf32>
    tpu.vector_store %arg6[%swap3A_18, %swap3A_19], %dot_general3A_12 {strides = array<i32>} : memref<1024x16xf32, #tpu.memory_space<vmem>>, vector<1024x16xf32>,
    %swap3A_21 = arith.constant 0 : index
    %swap3A_22 = arith.constant 0 : index
    %swap3A_23 = vector.load %arg7[%swap3A_21, %swap3A_22] : memref<1024x16xf32, #tpu.memory_space<vmem>>, vector<1024x16xf32>
    tpu.vector_store %arg7[%swap3A_21, %swap3A_22], %dot_general3A_17 {strides = array<i32>} : memref<1024x16xf32, #tpu.memory_space<vmem>>, vector<1024x16xf32>,
    %reduce_max3A = arith.constant dense<0xFF800000> : vector<16xf32>
    %reduce_max3A_24 = vector.multi_reduction <maximumf>, %dot_general3A_12, %reduce_max3A [0] : vector<1024x16xf32> to vector<16xf32>
    %broadcast_in_dim3A = vector.shape_cast %reduce_max3A_24 : vector<16xf32> to vector<1x16xf32>
    %broadcast_in_dim3A_25 = vector.shape_cast %broadcast_in_dim3A : vector<1x16xf32> to vector<1x16xf32>
    %broadcast_in_dim3A_26 = vector.broadcast %broadcast_in_dim3A_25 : vector<1x16xf32> to vector<8x16xf32>
    %eq3A = arith.constant 0 : i32
    %eq3A_27 = arith.cmpi eq, %arg0, %eq3A : i32
    %convert_element_type3A = arith.extui %eq3A_27 : i1 to i32
    %cond3A = arith.constant 0 : i32
    %cond3A_28 = arith.cmpi ne, %convert_element_type3A, %cond3A : i32
    scf.if %cond3A_28 {
      %swap3A_33 = arith.constant 0 : index
      %swap3A_34 = arith.constant 0 : index
      %swap3A_35 = vector.load %arg8[%swap3A_33, %swap3A_34] : memref<8x16xf32, #tpu.memory_space<vmem>>, vector<8x16xf32>
      tpu.vector_store %arg8[%swap3A_33, %swap3A_34], %broadcast_in_dim3A_26 {strides = array<i32>} : memref<8x16xf32, #tpu.memory_space<vmem>>, vector<8x16xf32>,
    } else {
    }
    %gt3A = arith.constant 0 : i32
    %gt3A_29 = arith.cmpi sgt, %arg0, %gt3A : i32
    %convert_element_type3A_30 = arith.extui %gt3A_29 : i1 to i32
    %cond3A_31 = arith.constant 0 : i32
    %cond3A_32 = arith.cmpi ne, %convert_element_type3A_30, %cond3A_31 : i32
    scf.if %cond3A_32 {
      %get3A_33 = arith.constant 0 : index
      %get3A_34 = arith.constant 0 : index
      %get3A_35 = vector.load %arg8[%get3A_33, %get3A_34] : memref<8x16xf32, #tpu.memory_space<vmem>>, vector<8x16xf32>
      %max3A = arith.maximumf %get3A_35, %broadcast_in_dim3A_26 : vector<8x16xf32>
      %swap3A_36 = arith.constant 0 : index
      %swap3A_37 = arith.constant 0 : index
      %swap3A_38 = vector.load %arg8[%swap3A_36, %swap3A_37] : memref<8x16xf32, #tpu.memory_space<vmem>>, vector<8x16xf32>
      tpu.vector_store %arg8[%swap3A_36, %swap3A_37], %max3A {strides = array<i32>} : memref<8x16xf32, #tpu.memory_space<vmem>>, vector<8x16xf32>,
    } else {
    }
    return
  }
  func.func @transform_0(%arg0: i32) -> (i32, i32) {
    %c0_i32 = arith.constant 0 : i32
    %c0_i32_0 = arith.constant 0 : i32
    return %arg0, %c0_i32 : i32, i32
  }
  func.func @transform_1(%arg0: i32) -> (i32, i32) {
    %c0_i32 = arith.constant 0 : i32
    %c0_i32_0 = arith.constant 0 : i32
    %c0_i32_1 = arith.constant 0 : i32
    return %c0_i32, %c0_i32_0 : i32, i32
  }
  func.func @transform_2(%arg0: i32) -> (i32, i32) {
    %c0_i32 = arith.constant 0 : i32
    %c0_i32_0 = arith.constant 0 : i32
    %c0_i32_1 = arith.constant 0 : i32
    return %c0_i32, %c0_i32_0 : i32, i32
  }
  func.func @transform_3(%arg0: i32) -> (i32, i32) {
    %c0_i32 = arith.constant 0 : i32
    %c0_i32_0 = arith.constant 0 : i32
    %c0_i32_1 = arith.constant 0 : i32
    return %c0_i32, %c0_i32_0 : i32, i32
  }
  func.func @transform_4(%arg0: i32) -> (i32, i32) {
    %c0_i32 = arith.constant 0 : i32
    %c0_i32_0 = arith.constant 0 : i32
    return %arg0, %c0_i32 : i32, i32
  }
  func.func @transform_5(%arg0: i32) -> (i32, i32) {
    %c0_i32 = arith.constant 0 : i32
    %c0_i32_0 = arith.constant 0 : i32
    return %arg0, %c0_i32 : i32, i32
  }
  func.func @transform_6(%arg0: i32) -> (i32, i32) {
    %c0_i32 = arith.constant 0 : i32
    %c0_i32_0 = arith.constant 0 : i32
    return %arg0, %c0_i32 : i32, i32
  }
  func.func @transform_7(%arg0: i32) -> (i32, i32) {
    %c0_i32 = arith.constant 0 : i32
    %c0_i32_0 = arith.constant 0 : i32
    %c0_i32_1 = arith.constant 0 : i32
    return %c0_i32, %c0_i32_0 : i32, i32
  }
}

module attributes {stable_mosaic.version = 14 : i64} {
  func.func @_tc_mid_body(%arg0: i32, %arg1: memref<1024x128xf32, #tpu.memory_space<vmem>>, %arg2: memref<1024x128xf32, #tpu.memory_space<vmem>>, %arg3: memref<8x128xf32, #tpu.memory_space<vmem>>, %arg4: memref<128x128xf32, #tpu.memory_space<vmem>>, %arg5: memref<128x16xf32, #tpu.memory_space<vmem>>, %arg6: memref<128x16xf32, #tpu.memory_space<vmem>>, %arg7: memref<1024x128xf32, #tpu.memory_space<vmem>>, %arg8: memref<1024x16xf32, #tpu.memory_space<vmem>>, %arg9: memref<1024x16xf32, #tpu.memory_space<vmem>>, %arg10: memref<8x16xf32, #tpu.memory_space<vmem>>) attributes {dimension_semantics = [#tpu.dimension_semantics<arbitrary>], iteration_bounds = array<i64: 10>, scalar_prefetch = 0 : i64, scratch_operands = 0 : i64, tpu.core_type = #tpu.core_type<tc>, window_params = [{transform_indices = @transform_0, window_bounds = array<i64: 1024, 128>}, {transform_indices = @transform_1, window_bounds = array<i64: 1024, 128>}, {pipeline_mode = #tpu.pipeline_mode<synchronous>, transform_indices = @transform_2, window_bounds = array<i64: 8, 128>}, {pipeline_mode = #tpu.pipeline_mode<synchronous>, transform_indices = @transform_3, window_bounds = array<i64: 128, 128>}, {pipeline_mode = #tpu.pipeline_mode<synchronous>, transform_indices = @transform_4, window_bounds = array<i64: 128, 16>}, {pipeline_mode = #tpu.pipeline_mode<synchronous>, transform_indices = @transform_5, window_bounds = array<i64: 128, 16>}, {transform_indices = @transform_6, window_bounds = array<i64: 1024, 128>}, {transform_indices = @transform_7, window_bounds = array<i64: 1024, 16>}, {transform_indices = @transform_8, window_bounds = array<i64: 1024, 16>}, {pipeline_mode = #tpu.pipeline_mode<synchronous>, transform_indices = @transform_9, window_bounds = array<i64: 8, 16>}]} {
    %get3A = arith.constant 0 : index
    %get3A_0 = arith.constant 0 : index
    %get3A_1 = vector.load %arg1[%get3A, %get3A_0] : memref<1024x128xf32, #tpu.memory_space<vmem>>, vector<1024x128xf32>
    %get3A_2 = arith.constant 0 : index
    %get3A_3 = arith.constant 0 : index
    %get3A_4 = vector.load %arg2[%get3A_2, %get3A_3] : memref<1024x128xf32, #tpu.memory_space<vmem>>, vector<1024x128xf32>
    %add3A = arith.addf %get3A_1, %get3A_4 : vector<1024x128xf32>
    %get3A_5 = arith.constant 0 : index
    %get3A_6 = arith.constant 0 : index
    %get3A_7 = vector.load %arg3[%get3A_5, %get3A_6] : memref<8x128xf32, #tpu.memory_space<vmem>>, vector<1x128xf32>
    %add3A_8 = vector.broadcast %get3A_7 : vector<1x128xf32> to vector<1024x128xf32>
    %add3A_9 = arith.addf %add3A, %add3A_8 : vector<1024x128xf32>
    %max3A = arith.constant 0.000000e+00 : f32
    %max3A_10 = vector.broadcast %max3A : f32 to vector<1024x128xf32>
    %max3A_11 = arith.maximumf %add3A_9, %max3A_10 : vector<1024x128xf32>
    %get3A_12 = arith.constant 0 : index
    %get3A_13 = arith.constant 0 : index
    %get3A_14 = vector.load %arg4[%get3A_12, %get3A_13] : memref<128x128xf32, #tpu.memory_space<vmem>>, vector<128x128xf32>
    %dot_general3A = arith.constant dense<0.000000e+00> : vector<1024x128xf32>
    %dot_general3A_15 = tpu.matmul %max3A_11, %get3A_14, %dot_general3A {dimension_numbers = #tpu.dot_dimension_numbers<[1], [0], [0], [1], [0, 0, 1, 1], [], []>, precision = #tpu.contract_precision<fp32>, transpose_lhs_hint = false} : vector<1024x128xf32>, vector<128x128xf32>, vector<1024x128xf32> -> vector<1024x128xf32>
    %swap3A = arith.constant 0 : index
    %swap3A_16 = arith.constant 0 : index
    %swap3A_17 = vector.load %arg7[%swap3A, %swap3A_16] : memref<1024x128xf32, #tpu.memory_space<vmem>>, vector<1024x128xf32>
    tpu.vector_store %arg7[%swap3A, %swap3A_16], %dot_general3A_15 {strides = array<i32>} : memref<1024x128xf32, #tpu.memory_space<vmem>>, vector<1024x128xf32>,
    %get3A_18 = arith.constant 0 : index
    %get3A_19 = arith.constant 0 : index
    %get3A_20 = vector.load %arg5[%get3A_18, %get3A_19] : memref<128x16xf32, #tpu.memory_space<vmem>>, vector<128x16xf32>
    %dot_general3A_21 = arith.constant dense<0.000000e+00> : vector<1024x16xf32>
    %dot_general3A_22 = tpu.matmul %dot_general3A_15, %get3A_20, %dot_general3A_21 {dimension_numbers = #tpu.dot_dimension_numbers<[1], [0], [0], [1], [0, 0, 1, 1], [], []>, precision = #tpu.contract_precision<fp32>, transpose_lhs_hint = false} : vector<1024x128xf32>, vector<128x16xf32>, vector<1024x16xf32> -> vector<1024x16xf32>
    %get3A_23 = arith.constant 0 : index
    %get3A_24 = arith.constant 0 : index
    %get3A_25 = vector.load %arg6[%get3A_23, %get3A_24] : memref<128x16xf32, #tpu.memory_space<vmem>>, vector<128x16xf32>
    %dot_general3A_26 = arith.constant dense<0.000000e+00> : vector<1024x16xf32>
    %dot_general3A_27 = tpu.matmul %dot_general3A_15, %get3A_25, %dot_general3A_26 {dimension_numbers = #tpu.dot_dimension_numbers<[1], [0], [0], [1], [0, 0, 1, 1], [], []>, precision = #tpu.contract_precision<fp32>, transpose_lhs_hint = false} : vector<1024x128xf32>, vector<128x16xf32>, vector<1024x16xf32> -> vector<1024x16xf32>
    %swap3A_28 = arith.constant 0 : index
    %swap3A_29 = arith.constant 0 : index
    %swap3A_30 = vector.load %arg8[%swap3A_28, %swap3A_29] : memref<1024x16xf32, #tpu.memory_space<vmem>>, vector<1024x16xf32>
    tpu.vector_store %arg8[%swap3A_28, %swap3A_29], %dot_general3A_22 {strides = array<i32>} : memref<1024x16xf32, #tpu.memory_space<vmem>>, vector<1024x16xf32>,
    %swap3A_31 = arith.constant 0 : index
    %swap3A_32 = arith.constant 0 : index
    %swap3A_33 = vector.load %arg9[%swap3A_31, %swap3A_32] : memref<1024x16xf32, #tpu.memory_space<vmem>>, vector<1024x16xf32>
    tpu.vector_store %arg9[%swap3A_31, %swap3A_32], %dot_general3A_27 {strides = array<i32>} : memref<1024x16xf32, #tpu.memory_space<vmem>>, vector<1024x16xf32>,
    %reduce_max3A = arith.constant dense<0xFF800000> : vector<16xf32>
    %reduce_max3A_34 = vector.multi_reduction <maximumf>, %dot_general3A_22, %reduce_max3A [0] : vector<1024x16xf32> to vector<16xf32>
    %broadcast_in_dim3A = vector.shape_cast %reduce_max3A_34 : vector<16xf32> to vector<1x16xf32>
    %broadcast_in_dim3A_35 = vector.shape_cast %broadcast_in_dim3A : vector<1x16xf32> to vector<1x16xf32>
    %broadcast_in_dim3A_36 = vector.broadcast %broadcast_in_dim3A_35 : vector<1x16xf32> to vector<8x16xf32>
    %eq3A = arith.constant 0 : i32
    %eq3A_37 = arith.cmpi eq, %arg0, %eq3A : i32
    %convert_element_type3A = arith.extui %eq3A_37 : i1 to i32
    %cond3A = arith.constant 0 : i32
    %cond3A_38 = arith.cmpi ne, %convert_element_type3A, %cond3A : i32
    scf.if %cond3A_38 {
      %swap3A_43 = arith.constant 0 : index
      %swap3A_44 = arith.constant 0 : index
      %swap3A_45 = vector.load %arg10[%swap3A_43, %swap3A_44] : memref<8x16xf32, #tpu.memory_space<vmem>>, vector<8x16xf32>
      tpu.vector_store %arg10[%swap3A_43, %swap3A_44], %broadcast_in_dim3A_36 {strides = array<i32>} : memref<8x16xf32, #tpu.memory_space<vmem>>, vector<8x16xf32>,
    } else {
    }
    %gt3A = arith.constant 0 : i32
    %gt3A_39 = arith.cmpi sgt, %arg0, %gt3A : i32
    %convert_element_type3A_40 = arith.extui %gt3A_39 : i1 to i32
    %cond3A_41 = arith.constant 0 : i32
    %cond3A_42 = arith.cmpi ne, %convert_element_type3A_40, %cond3A_41 : i32
    scf.if %cond3A_42 {
      %get3A_43 = arith.constant 0 : index
      %get3A_44 = arith.constant 0 : index
      %get3A_45 = vector.load %arg10[%get3A_43, %get3A_44] : memref<8x16xf32, #tpu.memory_space<vmem>>, vector<8x16xf32>
      %max3A_46 = arith.maximumf %get3A_45, %broadcast_in_dim3A_36 : vector<8x16xf32>
      %swap3A_47 = arith.constant 0 : index
      %swap3A_48 = arith.constant 0 : index
      %swap3A_49 = vector.load %arg10[%swap3A_47, %swap3A_48] : memref<8x16xf32, #tpu.memory_space<vmem>>, vector<8x16xf32>
      tpu.vector_store %arg10[%swap3A_47, %swap3A_48], %max3A_46 {strides = array<i32>} : memref<8x16xf32, #tpu.memory_space<vmem>>, vector<8x16xf32>,
    } else {
    }
    return
  }
  func.func @transform_0(%arg0: i32) -> (i32, i32) {
    %c0_i32 = arith.constant 0 : i32
    %c0_i32_0 = arith.constant 0 : i32
    return %arg0, %c0_i32 : i32, i32
  }
  func.func @transform_1(%arg0: i32) -> (i32, i32) {
    %c0_i32 = arith.constant 0 : i32
    %c0_i32_0 = arith.constant 0 : i32
    return %arg0, %c0_i32 : i32, i32
  }
  func.func @transform_2(%arg0: i32) -> (i32, i32) {
    %c0_i32 = arith.constant 0 : i32
    %c0_i32_0 = arith.constant 0 : i32
    %c0_i32_1 = arith.constant 0 : i32
    return %c0_i32, %c0_i32_0 : i32, i32
  }
  func.func @transform_3(%arg0: i32) -> (i32, i32) {
    %c0_i32 = arith.constant 0 : i32
    %c0_i32_0 = arith.constant 0 : i32
    %c0_i32_1 = arith.constant 0 : i32
    return %c0_i32, %c0_i32_0 : i32, i32
  }
  func.func @transform_4(%arg0: i32) -> (i32, i32) {
    %c0_i32 = arith.constant 0 : i32
    %c0_i32_0 = arith.constant 0 : i32
    %c0_i32_1 = arith.constant 0 : i32
    return %c0_i32, %c0_i32_0 : i32, i32
  }
  func.func @transform_5(%arg0: i32) -> (i32, i32) {
    %c0_i32 = arith.constant 0 : i32
    %c0_i32_0 = arith.constant 0 : i32
    %c0_i32_1 = arith.constant 0 : i32
    return %c0_i32, %c0_i32_0 : i32, i32
  }
  func.func @transform_6(%arg0: i32) -> (i32, i32) {
    %c0_i32 = arith.constant 0 : i32
    %c0_i32_0 = arith.constant 0 : i32
    return %arg0, %c0_i32 : i32, i32
  }
  func.func @transform_7(%arg0: i32) -> (i32, i32) {
    %c0_i32 = arith.constant 0 : i32
    %c0_i32_0 = arith.constant 0 : i32
    return %arg0, %c0_i32 : i32, i32
  }
  func.func @transform_8(%arg0: i32) -> (i32, i32) {
    %c0_i32 = arith.constant 0 : i32
    %c0_i32_0 = arith.constant 0 : i32
    return %arg0, %c0_i32 : i32, i32
  }
  func.func @transform_9(%arg0: i32) -> (i32, i32) {
    %c0_i32 = arith.constant 0 : i32
    %c0_i32_0 = arith.constant 0 : i32
    %c0_i32_1 = arith.constant 0 : i32
    return %c0_i32, %c0_i32_0 : i32, i32
  }
}

module attributes {stable_mosaic.version = 14 : i64} {
  func.func @_tc_two_mats_body(%arg0: i32, %arg1: memref<1024x128xf32, #tpu.memory_space<vmem>>, %arg2: memref<1024x128xf32, #tpu.memory_space<vmem>>, %arg3: memref<8x128xf32, #tpu.memory_space<vmem>>, %arg4: memref<128x16xf32, #tpu.memory_space<vmem>>, %arg5: memref<128x16xf32, #tpu.memory_space<vmem>>, %arg6: memref<1024x16xf32, #tpu.memory_space<vmem>>, %arg7: memref<1024x16xf32, #tpu.memory_space<vmem>>) attributes {dimension_semantics = [#tpu.dimension_semantics<arbitrary>], iteration_bounds = array<i64: 10>, scalar_prefetch = 0 : i64, scratch_operands = 0 : i64, tpu.core_type = #tpu.core_type<tc>, window_params = [{transform_indices = @transform_0, window_bounds = array<i64: 1024, 128>}, {transform_indices = @transform_1, window_bounds = array<i64: 1024, 128>}, {pipeline_mode = #tpu.pipeline_mode<synchronous>, transform_indices = @transform_2, window_bounds = array<i64: 8, 128>}, {pipeline_mode = #tpu.pipeline_mode<synchronous>, transform_indices = @transform_3, window_bounds = array<i64: 128, 16>}, {pipeline_mode = #tpu.pipeline_mode<synchronous>, transform_indices = @transform_4, window_bounds = array<i64: 128, 16>}, {transform_indices = @transform_5, window_bounds = array<i64: 1024, 16>}, {transform_indices = @transform_6, window_bounds = array<i64: 1024, 16>}]} {
    %get3A = arith.constant 0 : index
    %get3A_0 = arith.constant 0 : index
    %get3A_1 = vector.load %arg1[%get3A, %get3A_0] : memref<1024x128xf32, #tpu.memory_space<vmem>>, vector<1024x128xf32>
    %get3A_2 = arith.constant 0 : index
    %get3A_3 = arith.constant 0 : index
    %get3A_4 = vector.load %arg2[%get3A_2, %get3A_3] : memref<1024x128xf32, #tpu.memory_space<vmem>>, vector<1024x128xf32>
    %add3A = arith.addf %get3A_1, %get3A_4 : vector<1024x128xf32>
    %get3A_5 = arith.constant 0 : index
    %get3A_6 = arith.constant 0 : index
    %get3A_7 = vector.load %arg3[%get3A_5, %get3A_6] : memref<8x128xf32, #tpu.memory_space<vmem>>, vector<1x128xf32>
    %add3A_8 = vector.broadcast %get3A_7 : vector<1x128xf32> to vector<1024x128xf32>
    %add3A_9 = arith.addf %add3A, %add3A_8 : vector<1024x128xf32>
    %max3A = arith.constant 0.000000e+00 : f32
    %max3A_10 = vector.broadcast %max3A : f32 to vector<1024x128xf32>
    %max3A_11 = arith.maximumf %add3A_9, %max3A_10 : vector<1024x128xf32>
    %get3A_12 = arith.constant 0 : index
    %get3A_13 = arith.constant 0 : index
    %get3A_14 = vector.load %arg4[%get3A_12, %get3A_13] : memref<128x16xf32, #tpu.memory_space<vmem>>, vector<128x16xf32>
    %dot_general3A = arith.constant dense<0.000000e+00> : vector<1024x16xf32>
    %dot_general3A_15 = tpu.matmul %max3A_11, %get3A_14, %dot_general3A {dimension_numbers = #tpu.dot_dimension_numbers<[1], [0], [0], [1], [0, 0, 1, 1], [], []>, precision = #tpu.contract_precision<fp32>, transpose_lhs_hint = false} : vector<1024x128xf32>, vector<128x16xf32>, vector<1024x16xf32> -> vector<1024x16xf32>
    %swap3A = arith.constant 0 : index
    %swap3A_16 = arith.constant 0 : index
    %swap3A_17 = vector.load %arg6[%swap3A, %swap3A_16] : memref<1024x16xf32, #tpu.memory_space<vmem>>, vector<1024x16xf32>
    tpu.vector_store %arg6[%swap3A, %swap3A_16], %dot_general3A_15 {strides = array<i32>} : memref<1024x16xf32, #tpu.memory_space<vmem>>, vector<1024x16xf32>,
    %get3A_18 = arith.constant 0 : index
    %get3A_19 = arith.constant 0 : index
    %get3A_20 = vector.load %arg5[%get3A_18, %get3A_19] : memref<128x16xf32, #tpu.memory_space<vmem>>, vector<128x16xf32>
    %dot_general3A_21 = arith.constant dense<0.000000e+00> : vector<1024x16xf32>
    %dot_general3A_22 = tpu.matmul %max3A_11, %get3A_20, %dot_general3A_21 {dimension_numbers = #tpu.dot_dimension_numbers<[1], [0], [0], [1], [0, 0, 1, 1], [], []>, precision = #tpu.contract_precision<fp32>, transpose_lhs_hint = false} : vector<1024x128xf32>, vector<128x16xf32>, vector<1024x16xf32> -> vector<1024x16xf32>
    %swap3A_23 = arith.constant 0 : index
    %swap3A_24 = arith.constant 0 : index
    %swap3A_25 = vector.load %arg7[%swap3A_23, %swap3A_24] : memref<1024x16xf32, #tpu.memory_space<vmem>>, vector<1024x16xf32>
    tpu.vector_store %arg7[%swap3A_23, %swap3A_24], %dot_general3A_22 {strides = array<i32>} : memref<1024x16xf32, #tpu.memory_space<vmem>>, vector<1024x16xf32>,
    return
  }
  func.func @transform_0(%arg0: i32) -> (i32, i32) {
    %c0_i32 = arith.constant 0 : i32
    %c0_i32_0 = arith.constant 0 : i32
    return %arg0, %c0_i32 : i32, i32
  }
  func.func @transform_1(%arg0: i32) -> (i32, i32) {
    %c0_i32 = arith.constant 0 : i32
    %c0_i32_0 = arith.constant 0 : i32
    return %arg0, %c0_i32 : i32, i32
  }
  func.func @transform_2(%arg0: i32) -> (i32, i32) {
    %c0_i32 = arith.constant 0 : i32
    %c0_i32_0 = arith.constant 0 : i32
    %c0_i32_1 = arith.constant 0 : i32
    return %c0_i32, %c0_i32_0 : i32, i32
  }
  func.func @transform_3(%arg0: i32) -> (i32, i32) {
    %c0_i32 = arith.constant 0 : i32
    %c0_i32_0 = arith.constant 0 : i32
    %c0_i32_1 = arith.constant 0 : i32
    return %c0_i32, %c0_i32_0 : i32, i32
  }
  func.func @transform_4(%arg0: i32) -> (i32, i32) {
    %c0_i32 = arith.constant 0 : i32
    %c0_i32_0 = arith.constant 0 : i32
    %c0_i32_1 = arith.constant 0 : i32
    return %c0_i32, %c0_i32_0 : i32, i32
  }
  func.func @transform_5(%arg0: i32) -> (i32, i32) {
    %c0_i32 = arith.constant 0 : i32
    %c0_i32_0 = arith.constant 0 : i32
    return %arg0, %c0_i32 : i32, i32
  }
  func.func @transform_6(%arg0: i32) -> (i32, i32) {
    %c0_i32 = arith.constant 0 : i32
    %c0_i32_0 = arith.constant 0 : i32
    return %arg0, %c0_i32 : i32, i32
  }
}

module attributes {stable_mosaic.version = 14 : i64} {
  func.func @_tc_l4_body(%arg0: i32, %arg1: memref<1024x16xf32, #tpu.memory_space<vmem>>, %arg2: memref<1024x16xf32, #tpu.memory_space<vmem>>, %arg3: memref<1024x16xf32, #tpu.memory_space<vmem>>, %arg4: memref<8x16xf32, #tpu.memory_space<vmem>>, %arg5: memref<16x16xf32, #tpu.memory_space<vmem>>, %arg6: memref<16x16xf32, #tpu.memory_space<vmem>>, %arg7: memref<1024x16xf32, #tpu.memory_space<vmem>>, %arg8: memref<1024x16xf32, #tpu.memory_space<vmem>>) attributes {dimension_semantics = [#tpu.dimension_semantics<arbitrary>], iteration_bounds = array<i64: 10>, scalar_prefetch = 0 : i64, scratch_operands = 0 : i64, tpu.core_type = #tpu.core_type<tc>, window_params = [{transform_indices = @transform_0, window_bounds = array<i64: 1024, 16>}, {transform_indices = @transform_1, window_bounds = array<i64: 1024, 16>}, {transform_indices = @transform_2, window_bounds = array<i64: 1024, 16>}, {pipeline_mode = #tpu.pipeline_mode<synchronous>, transform_indices = @transform_3, window_bounds = array<i64: 8, 16>}, {pipeline_mode = #tpu.pipeline_mode<synchronous>, transform_indices = @transform_4, window_bounds = array<i64: 16, 16>}, {pipeline_mode = #tpu.pipeline_mode<synchronous>, transform_indices = @transform_5, window_bounds = array<i64: 16, 16>}, {transform_indices = @transform_6, window_bounds = array<i64: 1024, 16>}, {transform_indices = @transform_7, window_bounds = array<i64: 1024, 16>}]} {
    %get3A = arith.constant 0 : index
    %get3A_0 = arith.constant 0 : index
    %get3A_1 = vector.load %arg1[%get3A, %get3A_0] : memref<1024x16xf32, #tpu.memory_space<vmem>>, vector<1024x16xf32>
    %get3A_2 = arith.constant 0 : index
    %get3A_3 = arith.constant 0 : index
    %get3A_4 = vector.load %arg2[%get3A_2, %get3A_3] : memref<1024x16xf32, #tpu.memory_space<vmem>>, vector<1024x16xf32>
    %add3A = arith.addf %get3A_1, %get3A_4 : vector<1024x16xf32>
    %get3A_5 = arith.constant 0 : index
    %get3A_6 = arith.constant 0 : index
    %get3A_7 = vector.load %arg3[%get3A_5, %get3A_6] : memref<1024x16xf32, #tpu.memory_space<vmem>>, vector<1024x16xf32>
    %add3A_8 = arith.addf %add3A, %get3A_7 : vector<1024x16xf32>
    %get3A_9 = arith.constant 0 : index
    %get3A_10 = arith.constant 0 : index
    %get3A_11 = vector.load %arg4[%get3A_9, %get3A_10] : memref<8x16xf32, #tpu.memory_space<vmem>>, vector<1x16xf32>
    %add3A_12 = vector.broadcast %get3A_11 : vector<1x16xf32> to vector<1024x16xf32>
    %add3A_13 = arith.addf %add3A_8, %add3A_12 : vector<1024x16xf32>
    %max3A = arith.constant 0.000000e+00 : f32
    %max3A_14 = vector.broadcast %max3A : f32 to vector<1024x16xf32>
    %max3A_15 = arith.maximumf %add3A_13, %max3A_14 : vector<1024x16xf32>
    %get3A_16 = arith.constant 0 : index
    %get3A_17 = arith.constant 0 : index
    %get3A_18 = vector.load %arg5[%get3A_16, %get3A_17] : memref<16x16xf32, #tpu.memory_space<vmem>>, vector<16x16xf32>
    %dot_general3A = arith.constant dense<0.000000e+00> : vector<1024x16xf32>
    %dot_general3A_19 = tpu.matmul %max3A_15, %get3A_18, %dot_general3A {dimension_numbers = #tpu.dot_dimension_numbers<[1], [0], [0], [1], [0, 0, 1, 1], [], []>, precision = #tpu.contract_precision<fp32>, transpose_lhs_hint = false} : vector<1024x16xf32>, vector<16x16xf32>, vector<1024x16xf32> -> vector<1024x16xf32>
    %swap3A = arith.constant 0 : index
    %swap3A_20 = arith.constant 0 : index
    %swap3A_21 = vector.load %arg7[%swap3A, %swap3A_20] : memref<1024x16xf32, #tpu.memory_space<vmem>>, vector<1024x16xf32>
    tpu.vector_store %arg7[%swap3A, %swap3A_20], %dot_general3A_19 {strides = array<i32>} : memref<1024x16xf32, #tpu.memory_space<vmem>>, vector<1024x16xf32>,
    %get3A_22 = arith.constant 0 : index
    %get3A_23 = arith.constant 0 : index
    %get3A_24 = vector.load %arg6[%get3A_22, %get3A_23] : memref<16x16xf32, #tpu.memory_space<vmem>>, vector<16x16xf32>
    %dot_general3A_25 = arith.constant dense<0.000000e+00> : vector<1024x16xf32>
    %dot_general3A_26 = tpu.matmul %max3A_15, %get3A_24, %dot_general3A_25 {dimension_numbers = #tpu.dot_dimension_numbers<[1], [0], [0], [1], [0, 0, 1, 1], [], []>, precision = #tpu.contract_precision<fp32>, transpose_lhs_hint = false} : vector<1024x16xf32>, vector<16x16xf32>, vector<1024x16xf32> -> vector<1024x16xf32>
    %swap3A_27 = arith.constant 0 : index
    %swap3A_28 = arith.constant 0 : index
    %swap3A_29 = vector.load %arg8[%swap3A_27, %swap3A_28] : memref<1024x16xf32, #tpu.memory_space<vmem>>, vector<1024x16xf32>
    tpu.vector_store %arg8[%swap3A_27, %swap3A_28], %dot_general3A_26 {strides = array<i32>} : memref<1024x16xf32, #tpu.memory_space<vmem>>, vector<1024x16xf32>,
    return
  }
  func.func @transform_0(%arg0: i32) -> (i32, i32) {
    %c0_i32 = arith.constant 0 : i32
    %c0_i32_0 = arith.constant 0 : i32
    return %arg0, %c0_i32 : i32, i32
  }
  func.func @transform_1(%arg0: i32) -> (i32, i32) {
    %c0_i32 = arith.constant 0 : i32
    %c0_i32_0 = arith.constant 0 : i32
    return %arg0, %c0_i32 : i32, i32
  }
  func.func @transform_2(%arg0: i32) -> (i32, i32) {
    %c0_i32 = arith.constant 0 : i32
    %c0_i32_0 = arith.constant 0 : i32
    return %arg0, %c0_i32 : i32, i32
  }
  func.func @transform_3(%arg0: i32) -> (i32, i32) {
    %c0_i32 = arith.constant 0 : i32
    %c0_i32_0 = arith.constant 0 : i32
    %c0_i32_1 = arith.constant 0 : i32
    return %c0_i32, %c0_i32_0 : i32, i32
  }
  func.func @transform_4(%arg0: i32) -> (i32, i32) {
    %c0_i32 = arith.constant 0 : i32
    %c0_i32_0 = arith.constant 0 : i32
    %c0_i32_1 = arith.constant 0 : i32
    return %c0_i32, %c0_i32_0 : i32, i32
  }
  func.func @transform_5(%arg0: i32) -> (i32, i32) {
    %c0_i32 = arith.constant 0 : i32
    %c0_i32_0 = arith.constant 0 : i32
    %c0_i32_1 = arith.constant 0 : i32
    return %c0_i32, %c0_i32_0 : i32, i32
  }
  func.func @transform_6(%arg0: i32) -> (i32, i32) {
    %c0_i32 = arith.constant 0 : i32
    %c0_i32_0 = arith.constant 0 : i32
    return %arg0, %c0_i32 : i32, i32
  }
  func.func @transform_7(%arg0: i32) -> (i32, i32) {
    %c0_i32 = arith.constant 0 : i32
    %c0_i32_0 = arith.constant 0 : i32
    return %arg0, %c0_i32 : i32, i32
  }
}

module attributes {stable_mosaic.version = 14 : i64} {
  func.func @_tc_final_body(%arg0: i32, %arg1: memref<1024x16xf32, #tpu.memory_space<vmem>>, %arg2: memref<1024x16xf32, #tpu.memory_space<vmem>>, %arg3: memref<1024x16xf32, #tpu.memory_space<vmem>>, %arg4: memref<1024x16xf32, #tpu.memory_space<vmem>>, %arg5: memref<1024x16xf32, #tpu.memory_space<vmem>>, %arg6: memref<8x16xf32, #tpu.memory_space<vmem>>, %arg7: memref<1024x16xi32, #tpu.memory_space<vmem>>, %arg8: memref<16x16xf32, #tpu.memory_space<vmem>>, %arg9: memref<8x16xf32, #tpu.memory_space<vmem>>, %arg10: memref<16x10xf32, #tpu.memory_space<vmem>>, %arg11: memref<8x10xf32, #tpu.memory_space<vmem>>, %arg12: memref<64x10xf32, #tpu.memory_space<vmem>>, %arg13: memref<64x16xf32, #tpu.memory_space<vmem>>, %arg14: memref<64x16xf32, #tpu.memory_space<vmem>>) attributes {dimension_semantics = [#tpu.dimension_semantics<arbitrary>], iteration_bounds = array<i64: 10>, scalar_prefetch = 0 : i64, scratch_operands = 2 : i64, tpu.core_type = #tpu.core_type<tc>, window_params = [{transform_indices = @transform_0, window_bounds = array<i64: 1024, 16>}, {transform_indices = @transform_1, window_bounds = array<i64: 1024, 16>}, {transform_indices = @transform_2, window_bounds = array<i64: 1024, 16>}, {transform_indices = @transform_3, window_bounds = array<i64: 1024, 16>}, {transform_indices = @transform_4, window_bounds = array<i64: 1024, 16>}, {pipeline_mode = #tpu.pipeline_mode<synchronous>, transform_indices = @transform_5, window_bounds = array<i64: 8, 16>}, {transform_indices = @transform_6, window_bounds = array<i64: 1024, 16>}, {pipeline_mode = #tpu.pipeline_mode<synchronous>, transform_indices = @transform_7, window_bounds = array<i64: 16, 16>}, {pipeline_mode = #tpu.pipeline_mode<synchronous>, transform_indices = @transform_8, window_bounds = array<i64: 8, 16>}, {pipeline_mode = #tpu.pipeline_mode<synchronous>, transform_indices = @transform_9, window_bounds = array<i64: 16, 10>}, {pipeline_mode = #tpu.pipeline_mode<synchronous>, transform_indices = @transform_10, window_bounds = array<i64: 8, 10>}, {pipeline_mode = #tpu.pipeline_mode<synchronous>, transform_indices = @transform_11, window_bounds = array<i64: 64, 10>}]} {
    %get3A = arith.constant 0 : index
    %get3A_0 = arith.constant 0 : index
    %get3A_1 = vector.load %arg3[%get3A, %get3A_0] : memref<1024x16xf32, #tpu.memory_space<vmem>>, vector<1024x16xf32>
    %get3A_2 = arith.constant 0 : index
    %get3A_3 = arith.constant 0 : index
    %get3A_4 = vector.load %arg4[%get3A_2, %get3A_3] : memref<1024x16xf32, #tpu.memory_space<vmem>>, vector<1024x16xf32>
    %add3A = arith.addf %get3A_1, %get3A_4 : vector<1024x16xf32>
    %max3A = arith.constant 1.000000e+00 : f32
    %max3A_5 = vector.broadcast %max3A : f32 to vector<1024x16xf32>
    %max3A_6 = arith.maximumf %add3A, %max3A_5 : vector<1024x16xf32>
    %get3A_7 = arith.constant 0 : index
    %get3A_8 = arith.constant 0 : index
    %get3A_9 = vector.load %arg1[%get3A_7, %get3A_8] : memref<1024x16xf32, #tpu.memory_space<vmem>>, vector<1024x16xf32>
    %get3A_10 = arith.constant 0 : index
    %get3A_11 = arith.constant 0 : index
    %get3A_12 = vector.load %arg2[%get3A_10, %get3A_11] : memref<1024x16xf32, #tpu.memory_space<vmem>>, vector<1024x16xf32>
    %add3A_13 = arith.addf %get3A_9, %get3A_12 : vector<1024x16xf32>
    %div3A = arith.divf %add3A_13, %max3A_6 : vector<1024x16xf32>
    %get3A_14 = arith.constant 0 : index
    %get3A_15 = arith.constant 0 : index
    %get3A_16 = vector.load %arg5[%get3A_14, %get3A_15] : memref<1024x16xf32, #tpu.memory_space<vmem>>, vector<1024x16xf32>
    %add3A_17 = arith.addf %div3A, %get3A_16 : vector<1024x16xf32>
    %get3A_18 = arith.constant 0 : index
    %get3A_19 = arith.constant 0 : index
    %get3A_20 = vector.load %arg6[%get3A_18, %get3A_19] : memref<8x16xf32, #tpu.memory_space<vmem>>, vector<1x16xf32>
    %add3A_21 = vector.broadcast %get3A_20 : vector<1x16xf32> to vector<1024x16xf32>
    %add3A_22 = arith.addf %add3A_17, %add3A_21 : vector<1024x16xf32>
    %max3A_23 = arith.constant 0.000000e+00 : f32
    %max3A_24 = vector.broadcast %max3A_23 : f32 to vector<1024x16xf32>
    %max3A_25 = arith.maximumf %add3A_22, %max3A_24 : vector<1024x16xf32>
    %get3A_26 = arith.constant 0 : index
    %get3A_27 = arith.constant 0 : index
    %get3A_28 = vector.load %arg7[%get3A_26, %get3A_27] : memref<1024x16xi32, #tpu.memory_space<vmem>>, vector<1024x16xi32>
    %slice3A = vector.extract_strided_slice %get3A_28 {offsets = [0, 0], sizes = [1024, 1], strides = [1, 1]} : vector<1024x16xi32> to vector<1024x1xi32>
    %iota3A = tpu.iota {dimensions = array<i32: 1>} : vector<1x64xi32>
    %eq3A = vector.broadcast %slice3A : vector<1024x1xi32> to vector<1024x64xi32>
    %eq3A_29 = vector.broadcast %iota3A : vector<1x64xi32> to vector<1024x64xi32>
    %eq3A_30 = arith.cmpi eq, %eq3A, %eq3A_29 : vector<1024x64xi32>
    %convert_element_type3A = arith.extui %eq3A_30 : vector<1024x64xi1> to vector<1024x64xi32>
    %convert_element_type3A_31 = arith.sitofp %convert_element_type3A : vector<1024x64xi32> to vector<1024x64xf32>
    %dot_general3A = arith.constant dense<0.000000e+00> : vector<64x16xf32>
    %dot_general3A_32 = tpu.matmul %convert_element_type3A_31, %max3A_25, %dot_general3A {dimension_numbers = #tpu.dot_dimension_numbers<[0], [0], [1], [1], [0, 1, 1, 1], [], []>, precision = #tpu.contract_precision<fp32>, transpose_lhs_hint = false} : vector<1024x64xf32>, vector<1024x16xf32>, vector<64x16xf32> -> vector<64x16xf32>
    %broadcast_in_dim3A = arith.constant 1.000000e+00 : f32
    %broadcast_in_dim3A_33 = vector.broadcast %broadcast_in_dim3A : f32 to vector<1024x16xf32>
    %dot_general3A_34 = arith.constant dense<0.000000e+00> : vector<64x16xf32>
    %dot_general3A_35 = tpu.matmul %convert_element_type3A_31, %broadcast_in_dim3A_33, %dot_general3A_34 {dimension_numbers = #tpu.dot_dimension_numbers<[0], [0], [1], [1], [0, 1, 1, 1], [], []>, precision = #tpu.contract_precision<fp32>, transpose_lhs_hint = false} : vector<1024x64xf32>, vector<1024x16xf32>, vector<64x16xf32> -> vector<64x16xf32>
    %eq3A_36 = arith.constant 0 : i32
    %eq3A_37 = arith.cmpi eq, %arg0, %eq3A_36 : i32
    %convert_element_type3A_38 = arith.extui %eq3A_37 : i1 to i32
    %cond3A = arith.constant 0 : i32
    %cond3A_39 = arith.cmpi ne, %convert_element_type3A_38, %cond3A : i32
    scf.if %cond3A_39 {
      %broadcast_in_dim3A_58 = arith.constant 0.000000e+00 : f32
      %broadcast_in_dim3A_59 = vector.broadcast %broadcast_in_dim3A_58 : f32 to vector<64x16xf32>
      %swap3A_60 = arith.constant 0 : index
      %swap3A_61 = arith.constant 0 : index
      %swap3A_62 = vector.load %arg13[%swap3A_60, %swap3A_61] : memref<64x16xf32, #tpu.memory_space<vmem>>, vector<64x16xf32>
      tpu.vector_store %arg13[%swap3A_60, %swap3A_61], %broadcast_in_dim3A_59 {strides = array<i32>} : memref<64x16xf32, #tpu.memory_space<vmem>>, vector<64x16xf32>,
      %broadcast_in_dim3A_63 = arith.constant 0.000000e+00 : f32
      %broadcast_in_dim3A_64 = vector.broadcast %broadcast_in_dim3A_63 : f32 to vector<64x16xf32>
      %swap3A_65 = arith.constant 0 : index
      %swap3A_66 = arith.constant 0 : index
      %swap3A_67 = vector.load %arg14[%swap3A_65, %swap3A_66] : memref<64x16xf32, #tpu.memory_space<vmem>>, vector<64x16xf32>
      tpu.vector_store %arg14[%swap3A_65, %swap3A_66], %broadcast_in_dim3A_64 {strides = array<i32>} : memref<64x16xf32, #tpu.memory_space<vmem>>, vector<64x16xf32>,
    } else {
    }
    %get3A_40 = arith.constant 0 : index
    %get3A_41 = arith.constant 0 : index
    %get3A_42 = vector.load %arg13[%get3A_40, %get3A_41] : memref<64x16xf32, #tpu.memory_space<vmem>>, vector<64x16xf32>
    %add3A_43 = arith.addf %get3A_42, %dot_general3A_32 : vector<64x16xf32>
    %swap3A = arith.constant 0 : index
    %swap3A_44 = arith.constant 0 : index
    %swap3A_45 = vector.load %arg13[%swap3A, %swap3A_44] : memref<64x16xf32, #tpu.memory_space<vmem>>, vector<64x16xf32>
    tpu.vector_store %arg13[%swap3A, %swap3A_44], %add3A_43 {strides = array<i32>} : memref<64x16xf32, #tpu.memory_space<vmem>>, vector<64x16xf32>,
    %get3A_46 = arith.constant 0 : index
    %get3A_47 = arith.constant 0 : index
    %get3A_48 = vector.load %arg14[%get3A_46, %get3A_47] : memref<64x16xf32, #tpu.memory_space<vmem>>, vector<64x16xf32>
    %add3A_49 = arith.addf %get3A_48, %dot_general3A_35 : vector<64x16xf32>
    %swap3A_50 = arith.constant 0 : index
    %swap3A_51 = arith.constant 0 : index
    %swap3A_52 = vector.load %arg14[%swap3A_50, %swap3A_51] : memref<64x16xf32, #tpu.memory_space<vmem>>, vector<64x16xf32>
    tpu.vector_store %arg14[%swap3A_50, %swap3A_51], %add3A_49 {strides = array<i32>} : memref<64x16xf32, #tpu.memory_space<vmem>>, vector<64x16xf32>,
    %eq3A_53 = arith.constant 9 : i32
    %eq3A_54 = arith.cmpi eq, %arg0, %eq3A_53 : i32
    %convert_element_type3A_55 = arith.extui %eq3A_54 : i1 to i32
    %cond3A_56 = arith.constant 0 : i32
    %cond3A_57 = arith.cmpi ne, %convert_element_type3A_55, %cond3A_56 : i32
    scf.if %cond3A_57 {
      %get3A_58 = arith.constant 0 : index
      %get3A_59 = arith.constant 0 : index
      %get3A_60 = vector.load %arg13[%get3A_58, %get3A_59] : memref<64x16xf32, #tpu.memory_space<vmem>>, vector<64x16xf32>
      %get3A_61 = arith.constant 0 : index
      %get3A_62 = arith.constant 0 : index
      %get3A_63 = vector.load %arg14[%get3A_61, %get3A_62] : memref<64x16xf32, #tpu.memory_space<vmem>>, vector<64x16xf32>
      %max3A_64 = arith.constant 1.000000e+00 : f32
      %max3A_65 = vector.broadcast %max3A_64 : f32 to vector<64x16xf32>
      %max3A_66 = arith.maximumf %get3A_63, %max3A_65 : vector<64x16xf32>
      %div3A_67 = arith.divf %get3A_60, %max3A_66 : vector<64x16xf32>
      %get3A_68 = arith.constant 0 : index
      %get3A_69 = arith.constant 0 : index
      %get3A_70 = vector.load %arg8[%get3A_68, %get3A_69] : memref<16x16xf32, #tpu.memory_space<vmem>>, vector<16x16xf32>
      %dot_general3A_71 = arith.constant dense<0.000000e+00> : vector<64x16xf32>
      %dot_general3A_72 = tpu.matmul %div3A_67, %get3A_70, %dot_general3A_71 {dimension_numbers = #tpu.dot_dimension_numbers<[1], [0], [0], [1], [0, 0, 1, 1], [], []>, precision = #tpu.contract_precision<fp32>, transpose_lhs_hint = false} : vector<64x16xf32>, vector<16x16xf32>, vector<64x16xf32> -> vector<64x16xf32>
      %get3A_73 = arith.constant 0 : index
      %get3A_74 = arith.constant 0 : index
      %get3A_75 = vector.load %arg9[%get3A_73, %get3A_74] : memref<8x16xf32, #tpu.memory_space<vmem>>, vector<1x16xf32>
      %add3A_76 = vector.broadcast %get3A_75 : vector<1x16xf32> to vector<64x16xf32>
      %add3A_77 = arith.addf %dot_general3A_72, %add3A_76 : vector<64x16xf32>
      %max3A_78 = arith.constant 0.000000e+00 : f32
      %max3A_79 = vector.broadcast %max3A_78 : f32 to vector<64x16xf32>
      %max3A_80 = arith.maximumf %add3A_77, %max3A_79 : vector<64x16xf32>
      %get3A_81 = arith.constant 0 : index
      %get3A_82 = arith.constant 0 : index
      %get3A_83 = vector.load %arg10[%get3A_81, %get3A_82] : memref<16x10xf32, #tpu.memory_space<vmem>>, vector<16x10xf32>
      %dot_general3A_84 = arith.constant dense<0.000000e+00> : vector<64x10xf32>
      %dot_general3A_85 = tpu.matmul %max3A_80, %get3A_83, %dot_general3A_84 {dimension_numbers = #tpu.dot_dimension_numbers<[1], [0], [0], [1], [0, 0, 1, 1], [], []>, precision = #tpu.contract_precision<fp32>, transpose_lhs_hint = false} : vector<64x16xf32>, vector<16x10xf32>, vector<64x10xf32> -> vector<64x10xf32>
      %get3A_86 = arith.constant 0 : index
      %get3A_87 = arith.constant 0 : index
      %get3A_88 = vector.load %arg11[%get3A_86, %get3A_87] : memref<8x10xf32, #tpu.memory_space<vmem>>, vector<1x10xf32>
      %add3A_89 = vector.broadcast %get3A_88 : vector<1x10xf32> to vector<64x10xf32>
      %add3A_90 = arith.addf %dot_general3A_85, %add3A_89 : vector<64x10xf32>
      %swap3A_91 = arith.constant 0 : index
      %swap3A_92 = arith.constant 0 : index
      %swap3A_93 = vector.load %arg12[%swap3A_91, %swap3A_92] : memref<64x10xf32, #tpu.memory_space<vmem>>, vector<64x10xf32>
      tpu.vector_store %arg12[%swap3A_91, %swap3A_92], %add3A_90 {strides = array<i32>} : memref<64x10xf32, #tpu.memory_space<vmem>>, vector<64x10xf32>,
    } else {
    }
    return
  }
  func.func @transform_0(%arg0: i32) -> (i32, i32) {
    %c0_i32 = arith.constant 0 : i32
    %c0_i32_0 = arith.constant 0 : i32
    return %arg0, %c0_i32 : i32, i32
  }
  func.func @transform_1(%arg0: i32) -> (i32, i32) {
    %c0_i32 = arith.constant 0 : i32
    %c0_i32_0 = arith.constant 0 : i32
    return %arg0, %c0_i32 : i32, i32
  }
  func.func @transform_2(%arg0: i32) -> (i32, i32) {
    %c0_i32 = arith.constant 0 : i32
    %c0_i32_0 = arith.constant 0 : i32
    return %arg0, %c0_i32 : i32, i32
  }
  func.func @transform_3(%arg0: i32) -> (i32, i32) {
    %c0_i32 = arith.constant 0 : i32
    %c0_i32_0 = arith.constant 0 : i32
    return %arg0, %c0_i32 : i32, i32
  }
  func.func @transform_4(%arg0: i32) -> (i32, i32) {
    %c0_i32 = arith.constant 0 : i32
    %c0_i32_0 = arith.constant 0 : i32
    return %arg0, %c0_i32 : i32, i32
  }
  func.func @transform_5(%arg0: i32) -> (i32, i32) {
    %c0_i32 = arith.constant 0 : i32
    %c0_i32_0 = arith.constant 0 : i32
    %c0_i32_1 = arith.constant 0 : i32
    return %c0_i32, %c0_i32_0 : i32, i32
  }
  func.func @transform_6(%arg0: i32) -> (i32, i32) {
    %c0_i32 = arith.constant 0 : i32
    %c0_i32_0 = arith.constant 0 : i32
    return %arg0, %c0_i32 : i32, i32
  }
  func.func @transform_7(%arg0: i32) -> (i32, i32) {
    %c0_i32 = arith.constant 0 : i32
    %c0_i32_0 = arith.constant 0 : i32
    %c0_i32_1 = arith.constant 0 : i32
    return %c0_i32, %c0_i32_0 : i32, i32
  }
  func.func @transform_8(%arg0: i32) -> (i32, i32) {
    %c0_i32 = arith.constant 0 : i32
    %c0_i32_0 = arith.constant 0 : i32
    %c0_i32_1 = arith.constant 0 : i32
    return %c0_i32, %c0_i32_0 : i32, i32
  }
  func.func @transform_9(%arg0: i32) -> (i32, i32) {
    %c0_i32 = arith.constant 0 : i32
    %c0_i32_0 = arith.constant 0 : i32
    %c0_i32_1 = arith.constant 0 : i32
    return %c0_i32, %c0_i32_0 : i32, i32
  }
  func.func @transform_10(%arg0: i32) -> (i32, i32) {
    %c0_i32 = arith.constant 0 : i32
    %c0_i32_0 = arith.constant 0 : i32
    %c0_i32_1 = arith.constant 0 : i32
    return %c0_i32, %c0_i32_0 : i32, i32
  }
  func.func @transform_11(%arg0: i32) -> (i32, i32) {
    %c0_i32 = arith.constant 0 : i32
    %c0_i32_0 = arith.constant 0 : i32
    %c0_i32_1 = arith.constant 0 : i32
    return %c0_i32, %c0_i32_0 : i32, i32
  }
}

</mosaic_0001>

<sc_bundles>
// kernel: kernel.13.cloned.1.call-start
scs
__scs_entry_jumppad:
0x0: {  	(pc) =	sbr.rel $0x88, $3  }
0x1: {  	(tag) =	ssettag $0x0;
	lr =	simm.s32 $0x1  }
0x2: {  	[smem:$0x3F8C] =	sst lr;
	_ =	strace $0xD0000000  }
0x3: {  	_ = 	snop  }
0x4: {  	_ = 	snop  }
0x5: {  	_ = 	snop  }
0x6: {  	_ = 	snop  }
0x7: {  	_ = 	snop  }
__scs_overlays_trampoline_lowered:
0x8: {  	[smem:$0x3F9B] =	sst s0  }
0x9: {  	[smem:$0x3F9C] =	sst s1  }
0xa: {  	[smem:$0x3F9D] =	sst s2  }
0xb: {  	[smem:$0x3F9E] =	sst s3  }
0xc: {  	[smem:$0x3F9F] =	sst s4  }
0xd: {  	[smem:$0x3FA0] =	sst s5  }
0xe: {  	[smem:$0x3FA1] =	sst s6  }
0xf: {  	[smem:$0x3FA2] =	sst s7  }
0x10: {  	[smem:$0x3FA3] =	sst s8  }
0x11: {  	[smem:$0x3FA4] =	sst s9;
	s0 =	simm.s32 @!p0 $0x0  }
0x12: {  	s1 =	sld [smem:$0x3F8A];
	s0 =	simm.s32 @p0 $0x1  }
0x13: {  	[smem:$0x3FA5] =	sst s0;
	s0 =	simm.s32 @!p1 $0x0  }
0x14: {  	s2 =	sld [smem:$0x3F89];
	s0 =	simm.s32 @p1 $0x1  }
0x15: {  	[smem:$0x3FA6] =	sst s0;
	s0 =	simm.s32 @!p2 $0x0  }
0x16: {  	s3 =	sld [smem:$0x3FDB];
	s0 =	simm.s32 @p2 $0x1  }
0x17: {  	s4 =	simm.s32 $0x1BF5;
	[smem:$0x3FA8] =	sst s0  }
0x18: {  	s0 =	sld [smem:$0x3F8B];
	_ =	swait.ge [sflag:s4], $0x0  }
0x19: {  	s7 =	sld [smem:$0x3F8C]  }
0x1a: {  	s8 =	sadd.s32 $0xFFFFE003, lr  }
0x1b: {  	s9 =	sadd.s32 $0xFFFFFEF7, lr;
	s5 =	simm.s32 $0xFFFFFFFF;
	p2 =	slt.u32 s8, $0xFFFFF086  }
0x1c: {  	p1 =	slt.u32 s9, $0xF7A;
	s5 =	simm.s32 @!p2 $0x0  }
0x1d: {  	s5 =	simm.s32 @p1 $0x1;
	p0 =	seq.s32 s7, s2  }
0x1e: {  	s7 =	smul.u32 @!p0 $0xF7A, s2;
	p2 =	seq.s32 @!p0 s5, $0x0  }
0x1f: {  	s9 =	smul.u32 $0xF7A, s1;
	s8 =	simm.s32 @!p0 $0x1BF5;
	p2 =	por !p2, p0  }
0x20: {  	[sflag:s8] =	ssyncset.s32 @!p0 $0xFFFFF086;
	s6 =	sadd.s32 @!p0 s3, s7;
	s7 =	simm.s32 @!p0 $0x108  }
0x21: {  	s3 =	sadd.s32 s3, s9;
	s6 =	sadd.s32 @!p0 $0x88, s6;
	s7 =	simm.s32 @p2 $0x1082  }
0x22: {  	[simem:s7], [sflag:s8] =	dma.local @!p0 [hbm:s6], $0xF7A  }
0x23: {  	s9 =	sor.u32 $0xD0000000, s2;
	s6 =	simm.s32 $0x108;
	_ =	swait.ge @!p0 [sflag:s8], $0x0  }
0x24: {  	s3 =	sadd.s32 $0x88, s3;
	s6 =	simm.s32 @!p1 $0x1082;
	[sflag:s4] =	ssyncset.s32 $0xFFFFF086  }
0x25: {  	[simem:s6], [sflag:s4] =	dma.local [hbm:s3], $0xF7A  }
0x26: {  	[smem:$0x3F8C] =	sst s1;
	(tag) =	ssettag s2;
	_ =	strace s9  }
0x27: {  	s1 =	sld [smem:$0x3F9C]  }
0x28: {  	s2 =	sld [smem:$0x3F9D]  }
0x29: {  	s4 =	sld [smem:$0x3F9F]  }
0x2a: {  	p0 =	seq.s32 s5, $0x0;
	s5 =	sld [smem:$0x3FA0]  }
0x2b: {  	s6 =	sld [smem:$0x3FA1]  }
0x2c: {  	s7 =	sld [smem:$0x3FA2]  }
0x2d: {  	s3 =	simm.s32 $0x108;
	s8 =	sld [smem:$0x3FA3]  }
0x2e: {  	s3 =	simm.s32 @!p0 $0x1082;
	s9 =	sld [smem:$0x3FA4]  }
0x2f: {  	lr =	sadd.s32 s0, s3;
	s0 =	sld [smem:$0x3F9B]  }
0x30: {  	s3 =	sld [smem:$0x3F9E]  }
0x31: {  	[smem:$0x3FA7] =	sst s10  }
0x32: {  	s10 =	sld [smem:$0x3FA5];
	_ =	sdelay $0x3  }
0x33: {  	p0 =	seq.s32 s10, $0x1;
	s10 =	sld [smem:$0x3FA7];
	_ =	sdelay $0x3  }
0x34: {  	[smem:$0x3FA7] =	sst s10  }
0x35: {  	s10 =	sld [smem:$0x3FA6];
	_ =	sdelay $0x3  }
0x36: {  	p1 =	seq.s32 s10, $0x1;
	s10 =	sld [smem:$0x3FA7];
	_ =	sdelay $0x3  }
0x37: {  	[smem:$0x3FA7] =	sst s10  }
0x38: {  	s10 =	sld [smem:$0x3FA8]  }
0x39: {  	_ = 	snop;
	(pc) =	sbr.ind lr, $3  }
0x3a: {  	_ = 	snop  }
0x3b: {  	_ = 	snop  }
0x3c: {  	p2 =	seq.s32 s10, $0x1;
	s10 =	sld [smem:$0x3FA7]  }
0x3d: {  	_ =	shalt  }
0x3e: {  	_ =	shalt  }
0x3f: {  	_ =	shalt  }
0x40: {  	_ =	shalt  }
0x41: {  	_ =	shalt  }
0x42: {  	_ =	shalt  }
0x43: {  	_ =	shalt  }
0x44: {  	_ =	shalt  }
0x45: {  	_ =	shalt  }
0x46: {  	_ =	shalt  }
0x47: {  	_ =	shalt  }
0x48: {  	_ =	shalt  }
0x49: {  	_ =	shalt  }
0x4a: {  	_ =	shalt  }
0x4b: {  	_ =	shalt  }
0x4c: {  	_ =	shalt  }
0x4d: {  	_ =	shalt  }
0x4e: {  	_ =	shalt  }
0x4f: {  	_ =	shalt  }
0x50: {  	_ =	shalt  }
0x51: {  	_ =	shalt  }
0x52: {  	_ =	shalt  }
0x53: {  	_ =	shalt  }
0x54: {  	_ =	shalt  }
0x55: {  	_ =	shalt  }
0x56: {  	_ =	shalt  }
0x57: {  	_ =	shalt  }
0x58: {  	_ =	shalt  }
0x59: {  	_ =	shalt  }
0x5a: {  	_ =	shalt  }
0x5b: {  	_ =	shalt  }
0x5c: {  	_ =	shalt  }
0x5d: {  	_ =	shalt  }
0x5e: {  	_ =	shalt  }
0x5f: {  	_ =	shalt  }
0x60: {  	_ =	shalt  }
0x61: {  	_ =	shalt  }
0x62: {  	_ =	shalt  }
0x63: {  	_ =	shalt  }
0x64: {  	_ =	shalt  }
0x65: {  	_ =	shalt  }
0x66: {  	_ =	shalt  }
0x67: {  	_ =	shalt  }
0x68: {  	_ =	shalt  }
0x69: {  	_ =	shalt  }
0x6a: {  	_ =	shalt  }
0x6b: {  	_ =	shalt  }
0x6c: {  	_ =	shalt  }
0x6d: {  	_ =	shalt  }
0x6e: {  	_ =	shalt  }
0x6f: {  	_ =	shalt  }
0x70: {  	_ =	shalt  }
0x71: {  	_ =	shalt  }
0x72: {  	_ =	shalt  }
0x73: {  	_ =	shalt  }
0x74: {  	_ =	shalt  }
0x75: {  	_ =	shalt  }
0x76: {  	_ =	shalt  }
0x77: {  	_ =	shalt  }
0x78: {  	_ =	shalt  }
0x79: {  	_ =	shalt  }
0x7a: {  	_ =	shalt  }
0x7b: {  	_ =	shalt  }
0x7c: {  	_ =	shalt  }
0x7d: {  	_ =	shalt  }
0x7e: {  	_ =	shalt  }
0x7f: {  	_ =	shalt  }
0x80: {  	_ =	shalt  }
0x81: {  	_ =	shalt  }
0x82: {  	_ =	shalt  }
0x83: {  	_ =	shalt  }
0x84: {  	_ =	shalt  }
0x85: {  	_ =	shalt  }
0x86: {  	_ =	shalt  }
0x87: {  	_ =	shalt  }
.Lfunc_end0:
.L_simem_size_0:
called_computation_lowered:
.L_overlay_start_0:
0x88: {  	s2 =	sld [smem:$0x3FD9]  }
0x89: {  	s3 =	sld [smem:$0x3FFE];
	_ =	sdelay $0x1  }
0x8a: {  	s1 =	srdreg.scid  }
0x8b: {  	s0 =	sand.u32 $0x1, s1  }
0x8c: {  	s17 =	sshll.u32 s0, $0xA;
	s2 =	sadd.s32 s3, s2  }
0x8d: {  	s2 =	sadd.s32 s2, s17  }
0x8e: {  	[smem:$0x3FB3] =	sst s2  }
0x8f: {  	_ = 	snop  }
0x90: {  	s2 =	sld [smem:$0x3FD0];
	(tm) =	ssettm $0x1  }
0x91: {  	s18 =	sld [smem:$0x3FFB];
	_ =	sdelay $0x3  }
0x92: {  	_ =	strace s18  }
0x93: {  	s3 =	sld [smem:$0x3FFC];
	_ =	sdelay $0x3  }
0x94: {  	_ =	strace s3  }
0x95: {  	s3 =	sld [smem:$0x3FFD];
	_ =	sdelay $0x3  }
0x96: {  	_ =	strace s3  }
0x97: {  	_ =	strace $0x8FFFFFFF  }
0x98: {  	s19 =	sld [smem:$0x3FDB];
	_ =	sdelay $0x1  }
0x99: {  	s4 =	simm.s32 $_scs_section_size  }
0x9a: {  	s5 =	simm.s32 $_size__tile_overlayer_lowered;
	s6 =	simm.s32 $_tile_overlayer_lowered  }
0x9b: {  	s22 =	simm.s32 $0x1BFF;
	s21 =	sshll.u32 s6, $0x1;
	s3 =	sadd.s32 s4, s19  }
0x9c: {  	s7 =	simm.s32 $0x0;
	s20 =	sshll.u32 s5, $0x1;
	s5 =	sadd.s32 s21, s3  }
0x9d: {  	[timem:s7], [sflag:s22] =	dma.local [hbm:s5], s20  }
0x9e: {  	_ =	swait.ge [sflag:s22], s20  }
0x9f: {  	s4 =	ssub.s32 $0x0, s20;
	[sflag:s22] =	ssyncset.done $0x0  }
0xa0: {  	[sflag:s22] =	ssyncadd.s32 s4;
	_ =	sdelay $0x1  }
0xa1: {  	s23 =	simm.s32 $0x1B8B  }
0xa2: {  	_ =	swait.ge [sflag:s23], $0x1  }
0xa3: {  	[sflag:s23] =	ssyncset.done $0x0  }
0xa4: {  	s25 =	simm.s32 $0x1B8E;
	s24 =	sld [smem:$0x3FFE];
	[sflag:s23] =	ssyncadd.s32 $0xFFFFFFFF  }
0xa5: {  	s26 =	simm.s32 $execute0_lowered;
	[smem:$0x3FD2] =	sst s25  }
0xa6: {  	s5 =	sshll.u32 s26, $0x1;
	_ =	strace $0x80000046;
	[dreg:$0x1] =	wrdreg $0xFFFFFFFF  }
0xa7: {  	s28 =	simm.s32 $_size_execute0_lowered;
	s3 =	sadd.s32 s3, s5;
	[dreg:$0x0] =	wrdreg $0x0  }
0xa8: {  	s5 =	sshll.u32 s28, $0x1;
	[dreg:$0x2] =	wrdreg s3  }
0xa9: {  	[dreg:$0x3] =	wrdreg s5  }
0xaa: {  	[dreg:$0x4] =	wrdreg $0xC0  }
0xab: {  	_ =	task [dreg:s7], $0x5FFFF  }
0xac: {  	[dreg:$0x1] =	wrdreg $0xFFFFFFFF  }
0xad: {  	[dreg:$0x0] =	wrdreg $0x60  }
0xae: {  	[dreg:$0x2] =	wrdreg s24  }
0xaf: {  	[dreg:$0x3] =	wrdreg s2  }
0xb0: {  	[dreg:$0x4] =	wrdreg $0x19100  }
0xb1: {  	[dreg:$0x5] =	wrdreg $0x9  }
0xb2: {  	_ =	task.clear_ibuf [dreg:s7], $0x6FFFF;
	_ =	strace $0x90000046  }
0xb3: {  	s29 =	simm.s32 $0x9;
	_ =	strace $0x80000048  }
0xb4: {  	_ =	swait.ge [sflag:s29], $0x1  }
0xb5: {  	[sflag:s29] =	ssyncadd.s32 $0xFFFFFFFF  }
0xb6: {  	_ =	strace $0x90000048  }
0xb7: {  	_ =	sfence  }
0xb8: {  	s30 =	sld [smem:$0x0];
	_ =	sdelay $0x2  }
0xb9: {  	s31 =	sshll.u32 s1, $0xD;
	s1 =	sshrl.u32 s1, $0x2  }
0xba: {  	s3 =	sand.u32 $0x4000, s31;
	s1 =	sadd.s32 s1, s30  }
0xbb: {  	s0 =	sor.u32 s3, s0;
	s1 =	sshll.u32 s1, $0x11  }
0xbc: {  	s0 =	sor.u32 s1, s0  }
0xbd: {  	s0 =	sadd.s32 $0x8F2B, s0  }
0xbe: {  	[sflag:s0] =	ssyncadd.remote.s32 $0x1  }
0xbf: {  	_ =	sfence.sel $0xFFFF  }
0xc0: {  	[dreg:$0x0] =	wrdreg $0xFFFFFFFF;
	(pc) =	sbr.abs _section_cstart, $3  }
0xc1: {  	[dreg:$0x1] =	wrdreg $0xFFFFFFFF  }
0xc2: {  	_ =	task.clear_ibuf [dreg:s7], $0x2FFFF;
	_ =	strace $0x9FFFFFFF  }
0xc3: {  	(tm) =	ssettm $0x7FFFFFFF  }
tec
execute0_lowered:
.L_overlay_start_1:
0x0: {  	(tag) =	ssettag $0x1  }
0x1: {  	s10 =	rddreg [dreg:$0x0]  }
0x2: {  	s1 =	rddreg [dreg:$0x1]  }
0x3: {  	s2 =	rddreg [dreg:$0x2]  }
0x4: {  	s0 =	rddreg [dreg:$0x3];
	s4 =	simm.s32 $0x0;
	s3 =	stileid.u32  }
0x5: {  	s8 =	srdreg.scid;
	s17 =	simm.s32 $0x1900;
	s18 =	simm.s32 $0x80  }
0x6: {  	s19 =	simm.s32 $0x100;
	s20 =	simm.s32 $0x900;
	s21 =	simm.s32 $0x1100  }
0x7: {  	s22 =	simm.s32 $0x0;
	[smem:$0x7FF] =	sst s4;
	s5 =	sadd.s32 $0x41C00, s10  }
0x8: {  	s6 =	sadd.s32 $0x37A00, s10;
	s11 =	smul.u32 $0x2800, s3;
	s7 =	sadd.s32 $0x32A00, s10  }
0x9: {  	s12 =	sand.u32 $0x1, s8;
	s13 =	smul.u32 $0x500, s3;
	s8 =	sadd.s32 $0x2DA00, s10  }
0xa: {  	s31 =	sshll.u32 s3, $0x6;
	_ =	strace $0x80000047;
	s14 =	smul.u32 $0x5000, s12  }
0xb: {  	s16 =	ssub.s32 $0x2, s12;
	s12 =	sshll.u32 s12, $0x4;
	s9 =	sshrl.u32 s11, $0x3  }
0xc: {  	s29 =	sshrl.u32 s16, $0x1;
	s12 =	sor.u32 s3, s12;
	s30 =	sadd.s32 s11, s2  }
0xd: {  	s11 =	sor.u32 $0x1C01, s31;
	s15 =	sadd.s32 s9, s10;
	s9 =	sadd.s32 $0x5AE00, s10  }
0xe: {  	s13 =	sadd.s32 s13, s14;
	s14 =	ssub.s32 s16, s29;
	s12 =	smul.u32 $0x2880, s12  }
0xf: {  	s16 =	simm.s32 $0x1;
	s13 =	sadd.s32 s13, s10;
	s10 =	sadd.s32 $0x4BE00, s15  }
0x10: {  	s14 =	smax.u32 s14, $0x1;
	s15 =	sshrl.u32 s30, $0x3;
	s13 =	sadd.s32 $0x50E00, s13  }
.LBB2_1:
0x11: {  	[spmem:s15], [sflag:s11] =	dma.local [hbm:s10], $0x500  }
0x12: {  	_ =	swait.ge [sflag:s16], $0x500  }
0x13: {  	[sflag:s16] =	ssyncset.done $0x0  }
0x14: {  	[sflag:s16] =	ssyncadd.s32 $0xFFFFFB00  }
0x15: {  	[tilespmem:s17], [sflag:$0x1] =	stream.linear.gather [hbm4b:s1+s4], $0x10, $0x38;
	[tilespmem:$0x4110] =	vst v63  }
0x16: {  	_ =	swait.ge [sflag:s16], $0x10  }
0x17: {  	[sflag:s16] =	ssyncset.done $0x0  }
0x18: {  	[sflag:s16] =	ssyncadd.s32 $0xFFFFFFF0  }
0x19: {  	[bflag:$0x0] =	sbarrier.arrive $0xFFFF  }
0x1a: {  	v0 =	vld [tilespmem:$0x1900];
	_ =	sdelay $0x2  }
0x1b: {  	s23 =	simm.s32 $0x0  }
.LBB2_2:
0x1c: {  	s24 =	sshll.u32 s23, $0x7  }
0x1d: {  	s24 =	sadd.s32 s12, s24  }
0x1e: {  	s25 =	sshrl.u32 s24, $0x3  }
0x1f: {  	s28 =	simm.s32 $0x0;
	s26 =	sadd.s32 s5, s25  }
0x20: {  	[tilespmem:s28], [sflag:$0x1] =	stream.linear.gather [hbm4b:s26+s28], $0x80, $0x38;
	[tilespmem:$0x4110] =	vst v63  }
0x21: {  	_ =	swait.ge [sflag:s16], $0x80  }
0x22: {  	[sflag:s16] =	ssyncset.done $0x0  }
0x23: {  	s25 =	sadd.s32 s6, s25;
	[sflag:s16] =	ssyncadd.s32 $0xFFFFFF80  }
0x24: {  	[tilespmem:s18], [sflag:$0x1] =	stream.linear.gather [hbm4b:s25+s28], $0x80, $0x38;
	[tilespmem:$0x4110] =	vst v63  }
0x25: {  	_ =	swait.ge [sflag:s16], $0x80  }
0x26: {  	[sflag:s16] =	ssyncset.done $0x0  }
0x27: {  	[sflag:s16] =	ssyncadd.s32 $0xFFFFFF80  }
0x28: {  	[tilespmem:s19], [sflag:$0x1] =	stream.indirect.gather [hbm4b:s7+s18], $0x10, s28, s18, $0xb8;
	[tilespmem:$0x4110] =	vst v63  }
0x29: {  	_ =	swait.ge [sflag:s16], $0x800  }
0x2a: {  	[sflag:s16] =	ssyncset.done $0x0  }
0x2b: {  	[sflag:s16] =	ssyncadd.s32 $0xFFFFF800  }
0x2c: {  	[tilespmem:s20], [sflag:$0x1] =	stream.indirect.gather [hbm4b:s8+s18], $0x10, s18, s18, $0xb8;
	[tilespmem:$0x4110] =	vst v63  }
0x2d: {  	_ =	swait.ge [sflag:s16], $0x800  }
0x2e: {  	[sflag:s16] =	ssyncset.done $0x0  }
0x2f: {  	s25 =	simm.s32 $0x0;
	[sflag:s16] =	ssyncadd.s32 $0xFFFFF800  }
0x30: {  	v1 =	vld [tilespmem:s25+$0x100]  }
0x31: {  	v2 =	vld [tilespmem:s25+$0x900]  }
0x32: {  	s26 =	simm.s32 $0x10  }
0x33: {  	v3 =	vld [tilespmem:s26+$0x100]  }
0x34: {  	v4 =	vld [tilespmem:s26+$0x900];
	_ =	sdelay $0x1  }
0x35: {  	v1 =	vadd.f32 v2, v1;
	v2 =	vadd.f32 v2, v0;
	_ =	sdelay $0x1  }
0x36: {  	v5 =	vmul.f32 $2.000000030e-01, v1;
	v7 =	vmul.f32 $2.000000030e-01, v2  }
0x37: {  	v3 =	vadd.f32 v4, v3;
	vm0 =	vge.f32 v1, $0.0e+00;
	vm13 =	vge.f32 v2, $0.0e+00  }
0x38: {  	v4 =	vadd.f32 v4, v0;
	v1 =	vsel vm0, v1, v5;
	v2 =	vsel vm13, v2, v7  }
0x39: {  	s28 =	simm.s32 $0x20;
	v1 =	vsub.f32 v1, v2  }
0x3a: {  	v6 =	vld [tilespmem:s28+$0x100];
	v9 =	vmul.f32 $2.000000030e-01, v4;
	v5 =	vmul.f32 $2.000000030e-01, v3  }
0x3b: {  	v8 =	vld [tilespmem:s28+$0x900];
	vm1 =	vge.f32 v3, $0.0e+00;
	vm2 =	vge.f32 v4, $0.0e+00;
	v1 =	vmul.f32 $1.442695020e+00, v1  }
0x3c: {  	v4 =	vsel vm2, v4, v9;
	v3 =	vsel vm1, v3, v5  }
0x3d: {  	v2 =	vsub.f32 v3, v4;
	(erf) = vpow2.f32 v1;
	_ =	sdelay $0x1  }
0x3e: {  	s29 =	simm.s32 $0x30;
	v5 =	vmul.f32 $1.442695020e+00, v2  }
0x3f: {  	v3 =	vadd.f32 v8, v6;
	v4 =	vadd.f32 v8, v0;
	v1 =	vld [tilespmem:s29+$0x100]  }
0x40: {  	v2 =	vld [tilespmem:s29+$0x900];
	(erf) = vpow2.f32 v5  }
0x41: {  	v6 =	vmul.f32 $2.000000030e-01, v3;
	v7 =	vmul.f32 $2.000000030e-01, v4  }
0x42: {  	vm14 =	vge.f32 v3, $0.0e+00;
	vm15 =	vge.f32 v4, $0.0e+00  }
0x43: {  	s30 =	simm.s32 $0x100;
	v3 =	vsel vm14, v3, v6;
	v4 =	vsel vm15, v4, v7  }
.LBB2_3:
0x44: {  	s31 =	sshra.s32 s30, $0x2;
	v3 =	vsub.f32 v3, v4;
	p0 =	sne.s32 s30, $0x1FC0  }
.Ltmp0:
0x45: {  	s30 =	sadd.s32 $0x40, s30;
	v4 =	vadd.f32 v2, v1;
	v1 =	vld [tilespmem:s31+$0x100];
	v5 =	vadd.f32 v2, v0;
	v6 =	vpop (erf);
	(pc) =	sbr.rel @p0 .LBB2_3-.Ltmp0, $4  }
0x46: {  	v2 =	vld [tilespmem:s31+$0x900];
	v3 =	vmul.f32 $1.442695020e+00, v3;
	[tilespmem:s25+$0x1100] =	vst v6;
	s25 =	smov.u32 s26;
	s26 =	smov.u32 s28;
	s28 =	smov.u32 s29  }
0x47: {  	s29 =	smov.u32 s31;
	v6 =	vmul.f32 $2.000000030e-01, v4;
	v7 =	vmul.f32 $2.000000030e-01, v5  }
0x48: {  	vm0 =	vge.f32 v4, $0.0e+00;
	vm1 =	vge.f32 v5, $0.0e+00;
	(erf) = vpow2.f32 v3  }
0x49: {  	v3 =	vsel vm0, v4, v6;
	v4 =	vsel vm1, v5, v7  }
0x4a: {  	_ = 	snop  }
0x4b: {  	v1 =	vadd.f32 v2, v1;
	v2 =	vadd.f32 v2, v0;
	_ =	sdelay $0x1  }
0x4c: {  	v5 =	vmul.f32 $2.000000030e-01, v1;
	v6 =	vmul.f32 $2.000000030e-01, v2  }
0x4d: {  	vm0 =	vge.f32 v1, $0.0e+00;
	vm1 =	vge.f32 v2, $0.0e+00  }
0x4e: {  	v3 =	vsub.f32 v3, v4;
	v1 =	vsel vm0, v1, v5;
	v2 =	vsel vm1, v2, v6  }
0x4f: {  	v1 =	vsub.f32 v1, v2  }
0x50: {  	v2 =	vmul.f32 $1.442695020e+00, v3  }
0x51: {  	v1 =	vmul.f32 $1.442695020e+00, v1  }
0x52: {  	(erf) = vpow2.f32 v2  }
0x53: {  	(erf) = vpow2.f32 v1;
	_ =	sdelay $0x5  }
0x54: {  	v1 =	vpop (erf)  }
0x55: {  	v2 =	vpop (erf);
	[tilespmem:s25+$0x1100] =	vst v1  }
0x56: {  	[tilespmem:s26+$0x1100] =	vst v2;
	v1 =	vpop (erf)  }
0x57: {  	s24 =	sshll.u32 s24, $0x1;
	[tilespmem:s28+$0x1100] =	vst v1;
	v1 =	vpop (erf)  }
0x58: {  	s24 =	sadd.s32 s9, s24;
	[tilespmem:s29+$0x1100] =	vst v1  }
0x59: {  	[hbm4b:s24+s4] =	stream.linear.scatter [tilespmem:s21], [sflag:$0x1], $0x800, $0x38;
	[tilespmem:$0x4110] =	vst v63  }
0x5a: {  	s23 =	sadd.s32 $0x1, s23;
	_ =	swait.ge [sflag:s16], $0x800  }
0x5b: {  	p0 =	sne.s32 s23, $0x51;
	[sflag:s16] =	ssyncset.done $0x0  }
.Ltmp1:
0x5c: {  	[sflag:s16] =	ssyncadd.s32 $0xFFFFF800;
	(pc) =	sbr.rel @p0 .LBB2_2-.Ltmp1, $4  }
0x5d: {  	[spmem:s2] =	stream.indirect.scatter.add.f32 [tilespmem:s21], [sflag:$0x1], $0x10, s18, s18, $0xb8;
	[tilespmem:$0x4110] =	vst v63  }
0x5e: {  	_ =	swait.ge [sflag:s16], $0x800  }
0x5f: {  	[sflag:s16] =	ssyncset.done $0x0  }
0x60: {  	[sflag:s16] =	ssyncadd.s32 $0xFFFFF800  }
0x61: {  	s22 =	sadd.s32 $0x1, s22  }
0x62: {  	p0 =	sne.s32 s22, s14  }
.Ltmp2:
0x63: {  	[bflag:$0x0] =	sbarrier.arrive $0xFFFF;
	(pc) =	sbr.rel @p0 .LBB2_1-.Ltmp2, $4  }
0x64: {  	[hbm:s13], [sflag:s11] =	dma.local [spmem:s15], $0x500  }
0x65: {  	_ =	swait.ge [sflag:s16], $0x500  }
0x66: {  	[sflag:s16] =	ssyncset.done $0x0  }
0x67: {  	[sflag:s16] =	ssyncadd.s32 $0xFFFFFB00  }
0x68: {  	_ =	sfence.sel $0x180000  }
0x69: {  	[bflag:$0x0] =	sbarrier.arrive $0xFFFF  }
0x6a: {  	p0 =	sne.s32 s3, $0x0;
	_ =	strace $0x90000047  }
0x6b: {  	s0 =	sadd.s32 @!p0 $0x100000, s0;
	[bflag:$0x2] =	sbarrier.arrive $0xFFFF  }
0x6c: {  	[sflag:s0] =	ssyncadd.tile.s32 @!p0 $0x1;
	_ =	shalt  }
.Lfunc_end2:
_tile_overlayer_lowered:
.L_overlay_start_2:
0x6d: {  	(tag) =	ssettag $0x2  }
0x6e: {  	s0 =	rddreg [dreg:$0x0];
	s2 =	stileid.u32  }
0x6f: {  	s1 =	rddreg [dreg:$0x1];
	p0 =	sne.s32 s2, $0x0  }
0x70: {  	s3 =	rddreg [dreg:$0x2];
	[bflag:$0x3] =	sbarrier.arrive $0xFFFF;
	s2 =	simm.s32 @!p0 $0x1C01  }
0x71: {  	[timem:s3], [sflag:s2] =	dma.local @!p0 [hbm:s0], s1  }
0x72: {  	s0 =	simm.s32 @!p0 $0x1  }
0x73: {  	_ =	swait.ge @!p0 [sflag:s0], s1  }
0x74: {  	s1 =	ssub.s32 @!p0 $0x0, s1;
	[sflag:s0] =	ssyncset.done @!p0 $0x0  }
0x75: {  	[sflag:s0] =	ssyncadd.s32 @!p0 s1  }
0x76: {  	[bflag:$0x3] =	sbarrier.arrive $0xFFFF  }
0x77: {  	_ =	shalt  }

// kernel: kernel.16.cloned.1.call-start
scs
__scs_entry_jumppad:
0x0: {  	(pc) =	sbr.rel $0x88, $3  }
0x1: {  	(tag) =	ssettag $0x0;
	lr =	simm.s32 $0x1  }
0x2: {  	[smem:$0x3F8C] =	sst lr;
	_ =	strace $0xD0000000  }
0x3: {  	_ = 	snop  }
0x4: {  	_ = 	snop  }
0x5: {  	_ = 	snop  }
0x6: {  	_ = 	snop  }
0x7: {  	_ = 	snop  }
__scs_overlays_trampoline_lowered:
0x8: {  	[smem:$0x3F9B] =	sst s0  }
0x9: {  	[smem:$0x3F9C] =	sst s1  }
0xa: {  	[smem:$0x3F9D] =	sst s2  }
0xb: {  	[smem:$0x3F9E] =	sst s3  }
0xc: {  	[smem:$0x3F9F] =	sst s4  }
0xd: {  	[smem:$0x3FA0] =	sst s5  }
0xe: {  	[smem:$0x3FA1] =	sst s6  }
0xf: {  	[smem:$0x3FA2] =	sst s7  }
0x10: {  	[smem:$0x3FA3] =	sst s8  }
0x11: {  	[smem:$0x3FA4] =	sst s9;
	s0 =	simm.s32 @!p0 $0x0  }
0x12: {  	s1 =	sld [smem:$0x3F8A];
	s0 =	simm.s32 @p0 $0x1  }
0x13: {  	[smem:$0x3FA5] =	sst s0;
	s0 =	simm.s32 @!p1 $0x0  }
0x14: {  	s2 =	sld [smem:$0x3F89];
	s0 =	simm.s32 @p1 $0x1  }
0x15: {  	[smem:$0x3FA6] =	sst s0;
	s0 =	simm.s32 @!p2 $0x0  }
0x16: {  	s3 =	sld [smem:$0x3FDB];
	s0 =	simm.s32 @p2 $0x1  }
0x17: {  	s4 =	simm.s32 $0x1BF5;
	[smem:$0x3FA8] =	sst s0  }
0x18: {  	s0 =	sld [smem:$0x3F8B];
	_ =	swait.ge [sflag:s4], $0x0  }
0x19: {  	s7 =	sld [smem:$0x3F8C]  }
0x1a: {  	s8 =	sadd.s32 $0xFFFFE003, lr  }
0x1b: {  	s9 =	sadd.s32 $0xFFFFFEF7, lr;
	s5 =	simm.s32 $0xFFFFFFFF;
	p2 =	slt.u32 s8, $0xFFFFF086  }
0x1c: {  	p1 =	slt.u32 s9, $0xF7A;
	s5 =	simm.s32 @!p2 $0x0  }
0x1d: {  	s5 =	simm.s32 @p1 $0x1;
	p0 =	seq.s32 s7, s2  }
0x1e: {  	s7 =	smul.u32 @!p0 $0xF7A, s2;
	p2 =	seq.s32 @!p0 s5, $0x0  }
0x1f: {  	s9 =	smul.u32 $0xF7A, s1;
	s8 =	simm.s32 @!p0 $0x1BF5;
	p2 =	por !p2, p0  }
0x20: {  	[sflag:s8] =	ssyncset.s32 @!p0 $0xFFFFF086;
	s6 =	sadd.s32 @!p0 s3, s7;
	s7 =	simm.s32 @!p0 $0x108  }
0x21: {  	s3 =	sadd.s32 s3, s9;
	s6 =	sadd.s32 @!p0 $0x88, s6;
	s7 =	simm.s32 @p2 $0x1082  }
0x22: {  	[simem:s7], [sflag:s8] =	dma.local @!p0 [hbm:s6], $0xF7A  }
0x23: {  	s9 =	sor.u32 $0xD0000000, s2;
	s6 =	simm.s32 $0x108;
	_ =	swait.ge @!p0 [sflag:s8], $0x0  }
0x24: {  	s3 =	sadd.s32 $0x88, s3;
	s6 =	simm.s32 @!p1 $0x1082;
	[sflag:s4] =	ssyncset.s32 $0xFFFFF086  }
0x25: {  	[simem:s6], [sflag:s4] =	dma.local [hbm:s3], $0xF7A  }
0x26: {  	[smem:$0x3F8C] =	sst s1;
	(tag) =	ssettag s2;
	_ =	strace s9  }
0x27: {  	s1 =	sld [smem:$0x3F9C]  }
0x28: {  	s2 =	sld [smem:$0x3F9D]  }
0x29: {  	s4 =	sld [smem:$0x3F9F]  }
0x2a: {  	p0 =	seq.s32 s5, $0x0;
	s5 =	sld [smem:$0x3FA0]  }
0x2b: {  	s6 =	sld [smem:$0x3FA1]  }
0x2c: {  	s7 =	sld [smem:$0x3FA2]  }
0x2d: {  	s3 =	simm.s32 $0x108;
	s8 =	sld [smem:$0x3FA3]  }
0x2e: {  	s3 =	simm.s32 @!p0 $0x1082;
	s9 =	sld [smem:$0x3FA4]  }
0x2f: {  	lr =	sadd.s32 s0, s3;
	s0 =	sld [smem:$0x3F9B]  }
0x30: {  	s3 =	sld [smem:$0x3F9E]  }
0x31: {  	[smem:$0x3FA7] =	sst s10  }
0x32: {  	s10 =	sld [smem:$0x3FA5];
	_ =	sdelay $0x3  }
0x33: {  	p0 =	seq.s32 s10, $0x1;
	s10 =	sld [smem:$0x3FA7];
	_ =	sdelay $0x3  }
0x34: {  	[smem:$0x3FA7] =	sst s10  }
0x35: {  	s10 =	sld [smem:$0x3FA6];
	_ =	sdelay $0x3  }
0x36: {  	p1 =	seq.s32 s10, $0x1;
	s10 =	sld [smem:$0x3FA7];
	_ =	sdelay $0x3  }
0x37: {  	[smem:$0x3FA7] =	sst s10  }
0x38: {  	s10 =	sld [smem:$0x3FA8]  }
0x39: {  	_ = 	snop;
	(pc) =	sbr.ind lr, $3  }
0x3a: {  	_ = 	snop  }
0x3b: {  	_ = 	snop  }
0x3c: {  	p2 =	seq.s32 s10, $0x1;
	s10 =	sld [smem:$0x3FA7]  }
0x3d: {  	_ =	shalt  }
0x3e: {  	_ =	shalt  }
0x3f: {  	_ =	shalt  }
0x40: {  	_ =	shalt  }
0x41: {  	_ =	shalt  }
0x42: {  	_ =	shalt  }
0x43: {  	_ =	shalt  }
0x44: {  	_ =	shalt  }
0x45: {  	_ =	shalt  }
0x46: {  	_ =	shalt  }
0x47: {  	_ =	shalt  }
0x48: {  	_ =	shalt  }
0x49: {  	_ =	shalt  }
0x4a: {  	_ =	shalt  }
0x4b: {  	_ =	shalt  }
0x4c: {  	_ =	shalt  }
0x4d: {  	_ =	shalt  }
0x4e: {  	_ =	shalt  }
0x4f: {  	_ =	shalt  }
0x50: {  	_ =	shalt  }
0x51: {  	_ =	shalt  }
0x52: {  	_ =	shalt  }
0x53: {  	_ =	shalt  }
0x54: {  	_ =	shalt  }
0x55: {  	_ =	shalt  }
0x56: {  	_ =	shalt  }
0x57: {  	_ =	shalt  }
0x58: {  	_ =	shalt  }
0x59: {  	_ =	shalt  }
0x5a: {  	_ =	shalt  }
0x5b: {  	_ =	shalt  }
0x5c: {  	_ =	shalt  }
0x5d: {  	_ =	shalt  }
0x5e: {  	_ =	shalt  }
0x5f: {  	_ =	shalt  }
0x60: {  	_ =	shalt  }
0x61: {  	_ =	shalt  }
0x62: {  	_ =	shalt  }
0x63: {  	_ =	shalt  }
0x64: {  	_ =	shalt  }
0x65: {  	_ =	shalt  }
0x66: {  	_ =	shalt  }
0x67: {  	_ =	shalt  }
0x68: {  	_ =	shalt  }
0x69: {  	_ =	shalt  }
0x6a: {  	_ =	shalt  }
0x6b: {  	_ =	shalt  }
0x6c: {  	_ =	shalt  }
0x6d: {  	_ =	shalt  }
0x6e: {  	_ =	shalt  }
0x6f: {  	_ =	shalt  }
0x70: {  	_ =	shalt  }
0x71: {  	_ =	shalt  }
0x72: {  	_ =	shalt  }
0x73: {  	_ =	shalt  }
0x74: {  	_ =	shalt  }
0x75: {  	_ =	shalt  }
0x76: {  	_ =	shalt  }
0x77: {  	_ =	shalt  }
0x78: {  	_ =	shalt  }
0x79: {  	_ =	shalt  }
0x7a: {  	_ =	shalt  }
0x7b: {  	_ =	shalt  }
0x7c: {  	_ =	shalt  }
0x7d: {  	_ =	shalt  }
0x7e: {  	_ =	shalt  }
0x7f: {  	_ =	shalt  }
0x80: {  	_ =	shalt  }
0x81: {  	_ =	shalt  }
0x82: {  	_ =	shalt  }
0x83: {  	_ =	shalt  }
0x84: {  	_ =	shalt  }
0x85: {  	_ =	shalt  }
0x86: {  	_ =	shalt  }
0x87: {  	_ =	shalt  }
.Lfunc_end0:
.L_simem_size_0:
called_computation.1_lowered:
.L_overlay_start_0:
0x88: {  	s2 =	sld [smem:$0x3FD9]  }
0x89: {  	s3 =	sld [smem:$0x3FFE];
	_ =	sdelay $0x1  }
0x8a: {  	s1 =	srdreg.scid  }
0x8b: {  	s0 =	sand.u32 $0x1, s1  }
0x8c: {  	s16 =	sshll.u32 s0, $0xA;
	s2 =	sadd.s32 s3, s2  }
0x8d: {  	s2 =	sadd.s32 s2, s16  }
0x8e: {  	[smem:$0x3FB3] =	sst s2  }
0x8f: {  	_ = 	snop  }
0x90: {  	(tm) =	ssettm $0x1  }
0x91: {  	s17 =	sld [smem:$0x3FFB];
	_ =	sdelay $0x3  }
0x92: {  	_ =	strace s17  }
0x93: {  	s2 =	sld [smem:$0x3FFC];
	_ =	sdelay $0x3  }
0x94: {  	_ =	strace s2  }
0x95: {  	s2 =	sld [smem:$0x3FFD];
	_ =	sdelay $0x3  }
0x96: {  	_ =	strace s2  }
0x97: {  	_ =	strace $0x8FFFFFFF  }
0x98: {  	s18 =	sld [smem:$0x3FDB];
	_ =	sdelay $0x1  }
0x99: {  	s19 =	simm.s32 $_scs_section_size  }
0x9a: {  	s4 =	simm.s32 $_size__tile_overlayer_lowered;
	s5 =	simm.s32 $_tile_overlayer_lowered  }
0x9b: {  	s22 =	simm.s32 $0x1BFF;
	s21 =	sshll.u32 s5, $0x1;
	s2 =	sadd.s32 s19, s18  }
0x9c: {  	s6 =	simm.s32 $0x0;
	s20 =	sshll.u32 s4, $0x1;
	s4 =	sadd.s32 s21, s2  }
0x9d: {  	[timem:s6], [sflag:s22] =	dma.local [hbm:s4], s20  }
0x9e: {  	_ =	swait.ge [sflag:s22], s20  }
0x9f: {  	s3 =	ssub.s32 $0x0, s20;
	[sflag:s22] =	ssyncset.done $0x0  }
0xa0: {  	[sflag:s22] =	ssyncadd.s32 s3;
	_ =	sdelay $0x1  }
0xa1: {  	s23 =	simm.s32 $0x1B8B  }
0xa2: {  	_ =	swait.ge [sflag:s23], $0x1  }
0xa3: {  	[sflag:s23] =	ssyncset.done $0x0  }
0xa4: {  	s25 =	simm.s32 $0x1B8E;
	s24 =	sld [smem:$0x3FFE];
	[sflag:s23] =	ssyncadd.s32 $0xFFFFFFFF  }
0xa5: {  	s26 =	simm.s32 $execute0_lowered;
	[smem:$0x3FD2] =	sst s25  }
0xa6: {  	s4 =	sshll.u32 s26, $0x1;
	_ =	strace $0x80000049;
	[dreg:$0x1] =	wrdreg $0xFFFFFFFF  }
0xa7: {  	s28 =	simm.s32 $_size_execute0_lowered;
	s2 =	sadd.s32 s2, s4;
	[dreg:$0x0] =	wrdreg $0x0  }
0xa8: {  	s4 =	sshll.u32 s28, $0x1;
	[dreg:$0x2] =	wrdreg s2  }
0xa9: {  	[dreg:$0x3] =	wrdreg s4  }
0xaa: {  	[dreg:$0x4] =	wrdreg $0xC0  }
0xab: {  	_ =	task [dreg:s6], $0x5FFFF  }
0xac: {  	[dreg:$0x1] =	wrdreg $0xFFFFFFFF  }
0xad: {  	[dreg:$0x0] =	wrdreg $0x60  }
0xae: {  	[dreg:$0x2] =	wrdreg s24  }
0xaf: {  	[dreg:$0x3] =	wrdreg $0x99000  }
0xb0: {  	[dreg:$0x4] =	wrdreg $0x9  }
0xb1: {  	_ =	task.clear_ibuf [dreg:s6], $0x5FFFF;
	_ =	strace $0x90000049  }
0xb2: {  	s29 =	simm.s32 $0x9;
	_ =	strace $0x8000004B  }
0xb3: {  	_ =	swait.ge [sflag:s29], $0x1  }
0xb4: {  	[sflag:s29] =	ssyncadd.s32 $0xFFFFFFFF  }
0xb5: {  	_ =	strace $0x9000004B  }
0xb6: {  	_ =	sfence  }
0xb7: {  	s30 =	sld [smem:$0x0];
	_ =	sdelay $0x2  }
0xb8: {  	s31 =	sshll.u32 s1, $0xD;
	s1 =	sshrl.u32 s1, $0x2  }
0xb9: {  	s3 =	sand.u32 $0x4000, s31;
	s1 =	sadd.s32 s1, s30  }
0xba: {  	s0 =	sor.u32 s3, s0;
	s1 =	sshll.u32 s1, $0x11  }
0xbb: {  	s0 =	sor.u32 s1, s0  }
0xbc: {  	s0 =	sadd.s32 $0x8F2B, s0  }
0xbd: {  	[sflag:s0] =	ssyncadd.remote.s32 $0x1  }
0xbe: {  	_ =	sfence.sel $0xFFFF  }
0xbf: {  	[dreg:$0x0] =	wrdreg $0xFFFFFFFF;
	(pc) =	sbr.abs _section_cstart, $3  }
0xc0: {  	[dreg:$0x1] =	wrdreg $0xFFFFFFFF  }
0xc1: {  	_ =	task.clear_ibuf [dreg:s6], $0x2FFFF;
	_ =	strace $0x9FFFFFFF  }
0xc2: {  	(tm) =	ssettm $0x7FFFFFFF  }
0xc3: {  	_ =	shalt  }
tec
execute0_lowered:
.L_overlay_start_1:
0x0: {  	(tag) =	ssettag $0x1  }
0x1: {  	s10 =	rddreg [dreg:$0x0]  }
0x2: {  	s1 =	rddreg [dreg:$0x1]  }
0x3: {  	s0 =	rddreg [dreg:$0x2]  }
0x4: {  	s2 =	simm.s32 $0x0;
	s3 =	stileid.u32;
	s8 =	srdreg.scid  }
0x5: {  	s17 =	simm.s32 $0x80;
	s18 =	simm.s32 $0x100;
	s19 =	simm.s32 $0x900  }
0x6: {  	s20 =	simm.s32 $0x1100;
	s21 =	simm.s32 $0x1900;
	s22 =	simm.s32 $0x5900  }
0x7: {  	[smem:$0x7FF] =	sst s2;
	s4 =	sadd.s32 $0x41C00, s10;
	s5 =	sadd.s32 $0x37A00, s10  }
0x8: {  	s6 =	sadd.s32 $0x5AE00, s10;
	s11 =	smul.u32 $0x14000, s3;
	s7 =	sadd.s32 $0x32A00, s10  }
0x9: {  	s12 =	sand.u32 $0x1, s8;
	s13 =	smul.u32 $0x2800, s3;
	s8 =	sadd.s32 $0x2DA00, s10  }
0xa: {  	s9 =	sadd.s32 $0x5A00, s10;
	s31 =	sshll.u32 s3, $0x6;
	_ =	strace $0x8000004A  }
0xb: {  	s15 =	smul.u32 $0x28000, s12;
	s16 =	ssub.s32 $0x2, s12;
	s12 =	sshll.u32 s12, $0x4  }
0xc: {  	s14 =	sshrl.u32 s11, $0x3;
	s29 =	sshrl.u32 s16, $0x1;
	s12 =	sor.u32 s3, s12  }
0xd: {  	s30 =	sadd.s32 s11, s1;
	s11 =	sor.u32 $0x1C01, s31;
	s14 =	sadd.s32 s14, s10  }
0xe: {  	s13 =	sadd.s32 s13, s15;
	s15 =	ssub.s32 s16, s29;
	s12 =	smul.u32 $0x2880, s12  }
0xf: {  	s16 =	simm.s32 $0x1;
	s13 =	sadd.s32 s13, s10;
	s10 =	sadd.s32 $0xFCE00, s14  }
0x10: {  	s14 =	smax.u32 s15, $0x1;
	s15 =	sshrl.u32 s30, $0x3;
	s13 =	sadd.s32 $0x124E00, s13  }
.LBB2_1:
0x11: {  	[spmem:s15], [sflag:s11] =	dma.local [hbm:s10], $0x2800  }
0x12: {  	_ =	swait.ge [sflag:s16], $0x2800  }
0x13: {  	[sflag:s16] =	ssyncset.done $0x0  }
0x14: {  	[sflag:s16] =	ssyncadd.s32 $0xFFFFD800  }
0x15: {  	s23 =	simm.s32 $0x0;
	[bflag:$0x0] =	sbarrier.arrive $0xFFFF  }
.LBB2_2:
0x16: {  	s24 =	sshll.u32 s23, $0x7  }
0x17: {  	s24 =	sadd.s32 s12, s24  }
0x18: {  	s25 =	sshrl.u32 s24, $0x3  }
0x19: {  	s28 =	simm.s32 $0x0;
	s26 =	sadd.s32 s4, s25  }
0x1a: {  	[tilespmem:s28], [sflag:$0x1] =	stream.linear.gather [hbm4b:s26+s28], $0x80, $0x38;
	[tilespmem:$0x1D900] =	vst v63  }
0x1b: {  	_ =	swait.ge [sflag:s16], $0x80  }
0x1c: {  	[sflag:s16] =	ssyncset.done $0x0  }
0x1d: {  	s25 =	sadd.s32 s5, s25;
	[sflag:s16] =	ssyncadd.s32 $0xFFFFFF80  }
0x1e: {  	[tilespmem:s17], [sflag:$0x1] =	stream.linear.gather [hbm4b:s25+s28], $0x80, $0x38;
	[tilespmem:$0x1D900] =	vst v63  }
0x1f: {  	_ =	swait.ge [sflag:s16], $0x80  }
0x20: {  	s24 =	sshll.u32 s24, $0x1;
	[sflag:s16] =	ssyncset.done $0x0  }
0x21: {  	s24 =	sadd.s32 s6, s24;
	[sflag:s16] =	ssyncadd.s32 $0xFFFFFF80  }
0x22: {  	[tilespmem:s18], [sflag:$0x1] =	stream.linear.gather [hbm4b:s24+s28], $0x800, $0x38;
	[tilespmem:$0x1D900] =	vst v63  }
0x23: {  	_ =	swait.ge [sflag:s16], $0x800  }
0x24: {  	[sflag:s16] =	ssyncset.done $0x0  }
0x25: {  	[sflag:s16] =	ssyncadd.s32 $0xFFFFF800  }
0x26: {  	[tilespmem:s19], [sflag:$0x1] =	stream.indirect.gather [hbm4b:s7+s17], $0x10, s17, s17, $0xb8;
	[tilespmem:$0x1D900] =	vst v63  }
0x27: {  	_ =	swait.ge [sflag:s16], $0x800  }
0x28: {  	[sflag:s16] =	ssyncset.done $0x0  }
0x29: {  	[sflag:s16] =	ssyncadd.s32 $0xFFFFF800  }
0x2a: {  	[tilespmem:s20], [sflag:$0x1] =	stream.indirect.gather [hbm4b:s8+s17], $0x10, s17, s17, $0xb8;
	[tilespmem:$0x1D900] =	vst v63  }
0x2b: {  	_ =	swait.ge [sflag:s16], $0x800  }
0x2c: {  	[sflag:s16] =	ssyncset.done $0x0  }
0x2d: {  	[sflag:s16] =	ssyncadd.s32 $0xFFFFF800  }
0x2e: {  	[tilespmem:s21], [sflag:$0x1] =	stream.indirect.gather [hbm4b:s9+s17], $0x80, s28, s17, $0xb8;
	[tilespmem:$0x1D900] =	vst v63  }
0x2f: {  	_ =	swait.ge [sflag:s16], $0x4000  }
0x30: {  	[sflag:s16] =	ssyncset.done $0x0  }
0x31: {  	s31 =	simm.s32 $0x0;
	[sflag:s16] =	ssyncadd.s32 $0xFFFFC000  }
0x32: {  	v0 =	vld [tilespmem:s31+$0x900]  }
0x33: {  	v1 =	vld [tilespmem:s31+$0x1100];
	_ =	sdelay $0x4  }
0x34: {  	v0 =	vadd.f32 v1, v0;
	_ =	sdelay $0x1  }
0x35: {  	v0 =	vadd.f32 $1.000000020e-16, v0;
	_ =	sdelay $0x1  }
0x36: {  	(erf) = vrcp.f32 v0;
	_ =	sdelay $0x4  }
0x37: {  	v0 =	vld [tilespmem:s31+$0x100]  }
0x38: {  	s24 =	simm.s32 $0x1940  }
0x39: {  	v1 =	vld [tilespmem:s24+$0xFFFFFFC0];
	_ =	sdelay $0x1  }
0x3a: {  	v2 =	vpop (erf)  }
0x3b: {  	v0 =	vmul.f32 v2, v0;
	_ =	sdelay $0x1  }
0x3c: {  	v1 =	vmul.f32 v0, v1  }
0x3d: {  	s25 =	simm.s32 $0x5940  }
0x3e: {  	[tilespmem:s25+$0xFFFFFFC0] =	vst v1  }
0x3f: {  	v1 =	vld [tilespmem:s24+$0xFFFFFFD0];
	_ =	sdelay $0x4  }
0x40: {  	v1 =	vmul.f32 v0, v1;
	_ =	sdelay $0x1  }
0x41: {  	[tilespmem:s25+$0xFFFFFFD0] =	vst v1  }
0x42: {  	v1 =	vld [tilespmem:s24+$0xFFFFFFE0];
	_ =	sdelay $0x4  }
0x43: {  	v1 =	vmul.f32 v1, v0;
	_ =	sdelay $0x1  }
0x44: {  	[tilespmem:s25+$0xFFFFFFE0] =	vst v1  }
0x45: {  	v1 =	vld [tilespmem:s24+$0xFFFFFFF0];
	_ =	sdelay $0x4  }
0x46: {  	v1 =	vmul.f32 v1, v0;
	_ =	sdelay $0x1  }
0x47: {  	[tilespmem:s25+$0xFFFFFFF0] =	vst v1  }
0x48: {  	v1 =	vld [tilespmem:s24+$0x0];
	_ =	sdelay $0x4  }
0x49: {  	v1 =	vmul.f32 v1, v0;
	_ =	sdelay $0x1  }
0x4a: {  	[tilespmem:s25+$0x0] =	vst v1  }
0x4b: {  	v1 =	vld [tilespmem:s24+$0x10];
	_ =	sdelay $0x4  }
0x4c: {  	v1 =	vmul.f32 v1, v0;
	_ =	sdelay $0x1  }
0x4d: {  	[tilespmem:s25+$0x10] =	vst v1  }
0x4e: {  	v1 =	vld [tilespmem:s24+$0x20];
	_ =	sdelay $0x4  }
0x4f: {  	v1 =	vmul.f32 v1, v0;
	_ =	sdelay $0x1  }
0x50: {  	[tilespmem:s25+$0x20] =	vst v1  }
0x51: {  	v1 =	vld [tilespmem:s24+$0x30];
	_ =	sdelay $0x4  }
0x52: {  	v0 =	vmul.f32 v1, v0;
	_ =	sdelay $0x1  }
0x53: {  	s28 =	simm.s32 $0x10;
	[tilespmem:s25+$0x30] =	vst v0  }
0x54: {  	s26 =	simm.s32 $0x80;
	v0 =	vld [tilespmem:s28+$0x900]  }
.LBB2_3:
0x55: {  	p0 =	sne.s32 s26, $0x1FC0;
	v1 =	vld [tilespmem:s28+$0x1100]  }
0x56: {  	s24 =	sadd.s32 $0x80, s24;
	v2 =	vld [tilespmem:s28+$0x100]  }
0x57: {  	v3 =	vld [tilespmem:s24+$0xFFFFFFC0];
	_ =	sdelay $0x2  }
0x58: {  	v0 =	vadd.f32 v1, v0;
	_ =	sdelay $0x1  }
0x59: {  	v0 =	vadd.f32 $1.000000020e-16, v0;
	_ =	sdelay $0x1  }
0x5a: {  	(erf) = vrcp.f32 v0;
	_ =	sdelay $0x8  }
0x5b: {  	v0 =	vpop (erf)  }
0x5c: {  	v0 =	vmul.f32 v0, v2;
	_ =	sdelay $0x1  }
0x5d: {  	v1 =	vmul.f32 v0, v3  }
0x5e: {  	s25 =	sadd.s32 $0x80, s25  }
0x5f: {  	[tilespmem:s25+$0xFFFFFFC0] =	vst v1  }
0x60: {  	v1 =	vld [tilespmem:s24+$0xFFFFFFD0];
	_ =	sdelay $0x4  }
0x61: {  	v1 =	vmul.f32 v0, v1;
	_ =	sdelay $0x1  }
0x62: {  	[tilespmem:s25+$0xFFFFFFD0] =	vst v1  }
0x63: {  	v1 =	vld [tilespmem:s24+$0xFFFFFFE0];
	_ =	sdelay $0x4  }
0x64: {  	v1 =	vmul.f32 v1, v0;
	_ =	sdelay $0x1  }
0x65: {  	[tilespmem:s25+$0xFFFFFFE0] =	vst v1  }
0x66: {  	v1 =	vld [tilespmem:s24+$0xFFFFFFF0];
	_ =	sdelay $0x4  }
0x67: {  	v1 =	vmul.f32 v1, v0;
	_ =	sdelay $0x1  }
0x68: {  	[tilespmem:s25+$0xFFFFFFF0] =	vst v1  }
0x69: {  	v1 =	vld [tilespmem:s24+$0x0];
	_ =	sdelay $0x4  }
0x6a: {  	v1 =	vmul.f32 v1, v0;
	_ =	sdelay $0x1  }
0x6b: {  	[tilespmem:s25+$0x0] =	vst v1  }
0x6c: {  	v1 =	vld [tilespmem:s24+$0x10];
	_ =	sdelay $0x4  }
0x6d: {  	v1 =	vmul.f32 v1, v0;
	_ =	sdelay $0x1  }
0x6e: {  	[tilespmem:s25+$0x10] =	vst v1  }
0x6f: {  	v1 =	vld [tilespmem:s24+$0x20];
	_ =	sdelay $0x4  }
0x70: {  	v1 =	vmul.f32 v1, v0;
	_ =	sdelay $0x1  }
0x71: {  	[tilespmem:s25+$0x20] =	vst v1  }
0x72: {  	v1 =	vld [tilespmem:s24+$0x30];
	_ =	sdelay $0x3  }
.Ltmp0:
0x73: {  	(pc) =	sbr.rel @p0 .LBB2_3-.Ltmp0, $3  }
0x74: {  	v0 =	vmul.f32 v1, v0;
	_ =	sdelay $0x1  }
0x75: {  	s28 =	sshra.s32 s26, $0x2;
	[tilespmem:s25+$0x30] =	vst v0  }
0x76: {  	s26 =	sadd.s32 $0x40, s26;
	v0 =	vld [tilespmem:s28+$0x900]  }
0x77: {  	v1 =	vld [tilespmem:s28+$0x1100];
	_ =	sdelay $0x4  }
0x78: {  	v0 =	vadd.f32 v1, v0;
	_ =	sdelay $0x1  }
0x79: {  	v0 =	vadd.f32 $1.000000020e-16, v0;
	_ =	sdelay $0x1  }
0x7a: {  	(erf) = vrcp.f32 v0;
	_ =	sdelay $0x4  }
0x7b: {  	v62 =	vld [tilespmem:s28+$0x100]  }
0x7c: {  	s24 =	sadd.s32 $0x80, s24  }
0x7d: {  	v63 =	vld [tilespmem:s24+$0xFFFFFFC0];
	_ =	sdelay $0x1  }
0x7e: {  	v2 =	vpop (erf)  }
0x7f: {  	v0 =	vmul.f32 v2, v62;
	_ =	sdelay $0x1  }
0x80: {  	v1 =	vmul.f32 v0, v63  }
0x81: {  	s25 =	sadd.s32 $0x80, s25  }
0x82: {  	[tilespmem:s25+$0xFFFFFFC0] =	vst v1  }
0x83: {  	v1 =	vld [tilespmem:s24+$0xFFFFFFD0];
	_ =	sdelay $0x4  }
0x84: {  	v1 =	vmul.f32 v0, v1;
	_ =	sdelay $0x1  }
0x85: {  	[tilespmem:s25+$0xFFFFFFD0] =	vst v1  }
0x86: {  	v1 =	vld [tilespmem:s24+$0xFFFFFFE0];
	_ =	sdelay $0x4  }
0x87: {  	v1 =	vmul.f32 v1, v0;
	_ =	sdelay $0x1  }
0x88: {  	[tilespmem:s25+$0xFFFFFFE0] =	vst v1  }
0x89: {  	v1 =	vld [tilespmem:s24+$0xFFFFFFF0];
	_ =	sdelay $0x4  }
0x8a: {  	v1 =	vmul.f32 v1, v0;
	_ =	sdelay $0x1  }
0x8b: {  	[tilespmem:s25+$0xFFFFFFF0] =	vst v1  }
0x8c: {  	v1 =	vld [tilespmem:s24+$0x0];
	_ =	sdelay $0x4  }
0x8d: {  	v1 =	vmul.f32 v1, v0;
	_ =	sdelay $0x1  }
0x8e: {  	[tilespmem:s25+$0x0] =	vst v1  }
0x8f: {  	v1 =	vld [tilespmem:s24+$0x10];
	_ =	sdelay $0x4  }
0x90: {  	v1 =	vmul.f32 v1, v0;
	_ =	sdelay $0x1  }
0x91: {  	[tilespmem:s25+$0x10] =	vst v1  }
0x92: {  	v1 =	vld [tilespmem:s24+$0x20];
	_ =	sdelay $0x4  }
0x93: {  	v1 =	vmul.f32 v1, v0;
	_ =	sdelay $0x1  }
0x94: {  	[tilespmem:s25+$0x20] =	vst v1  }
0x95: {  	v1 =	vld [tilespmem:s24+$0x30];
	_ =	sdelay $0x4  }
0x96: {  	s23 =	sadd.s32 $0x1, s23;
	v0 =	vmul.f32 v1, v0  }
0x97: {  	p0 =	sne.s32 s23, $0x51  }
.Ltmp1:
0x98: {  	[tilespmem:s25+$0x30] =	vst v0;
	(pc) =	sbr.rel @p0 .LBB2_2-.Ltmp1, $4  }
0x99: {  	[spmem:s1] =	stream.indirect.scatter.add.f32 [tilespmem:s22], [sflag:$0x1], $0x80, s17, s17, $0xb8;
	[tilespmem:$0x1D900] =	vst v63  }
0x9a: {  	_ =	swait.ge [sflag:s16], $0x4000  }
0x9b: {  	[sflag:s16] =	ssyncset.done $0x0  }
0x9c: {  	[sflag:s16] =	ssyncadd.s32 $0xFFFFC000  }
0x9d: {  	s2 =	sadd.s32 $0x1, s2  }
0x9e: {  	p0 =	sne.s32 s2, s14  }
.Ltmp2:
0x9f: {  	[bflag:$0x0] =	sbarrier.arrive $0xFFFF;
	(pc) =	sbr.rel @p0 .LBB2_1-.Ltmp2, $4  }
0xa0: {  	[hbm:s13], [sflag:s11] =	dma.local [spmem:s15], $0x2800  }
0xa1: {  	_ =	swait.ge [sflag:s16], $0x2800  }
0xa2: {  	[sflag:s16] =	ssyncset.done $0x0  }
0xa3: {  	[sflag:s16] =	ssyncadd.s32 $0xFFFFD800  }
0xa4: {  	_ =	sfence.sel $0x180000  }
0xa5: {  	[bflag:$0x0] =	sbarrier.arrive $0xFFFF  }
0xa6: {  	p0 =	sne.s32 s3, $0x0;
	_ =	strace $0x9000004A  }
0xa7: {  	s0 =	sadd.s32 @!p0 $0x100000, s0;
	[bflag:$0x2] =	sbarrier.arrive $0xFFFF  }
0xa8: {  	[sflag:s0] =	ssyncadd.tile.s32 @!p0 $0x1;
	_ =	shalt  }
.Lfunc_end2:
_tile_overlayer_lowered:
.L_overlay_start_2:
0xa9: {  	(tag) =	ssettag $0x2  }
0xaa: {  	s0 =	rddreg [dreg:$0x0];
	s2 =	stileid.u32  }
0xab: {  	s1 =	rddreg [dreg:$0x1];
	p0 =	sne.s32 s2, $0x0  }
0xac: {  	s3 =	rddreg [dreg:$0x2];
	[bflag:$0x3] =	sbarrier.arrive $0xFFFF;
	s2 =	simm.s32 @!p0 $0x1C01  }
0xad: {  	[timem:s3], [sflag:s2] =	dma.local @!p0 [hbm:s0], s1  }
0xae: {  	s0 =	simm.s32 @!p0 $0x1  }
0xaf: {  	_ =	swait.ge @!p0 [sflag:s0], s1  }
0xb0: {  	s1 =	ssub.s32 @!p0 $0x0, s1;
	[sflag:s0] =	ssyncset.done @!p0 $0x0  }
0xb1: {  	[sflag:s0] =	ssyncadd.s32 @!p0 s1  }
0xb2: {  	[bflag:$0x3] =	sbarrier.arrive $0xFFFF  }
0xb3: {  	_ =	shalt  }

// kernel: kernel.19.cloned.1.call-start
scs
__scs_entry_jumppad:
0x0: {  	(pc) =	sbr.rel $0x88, $3  }
0x1: {  	(tag) =	ssettag $0x0;
	lr =	simm.s32 $0x1  }
0x2: {  	[smem:$0x3F8C] =	sst lr;
	_ =	strace $0xD0000000  }
0x3: {  	_ = 	snop  }
0x4: {  	_ = 	snop  }
0x5: {  	_ = 	snop  }
0x6: {  	_ = 	snop  }
0x7: {  	_ = 	snop  }
__scs_overlays_trampoline_lowered:
0x8: {  	[smem:$0x3F9B] =	sst s0  }
0x9: {  	[smem:$0x3F9C] =	sst s1  }
0xa: {  	[smem:$0x3F9D] =	sst s2  }
0xb: {  	[smem:$0x3F9E] =	sst s3  }
0xc: {  	[smem:$0x3F9F] =	sst s4  }
0xd: {  	[smem:$0x3FA0] =	sst s5  }
0xe: {  	[smem:$0x3FA1] =	sst s6  }
0xf: {  	[smem:$0x3FA2] =	sst s7  }
0x10: {  	[smem:$0x3FA3] =	sst s8  }
0x11: {  	[smem:$0x3FA4] =	sst s9;
	s0 =	simm.s32 @!p0 $0x0  }
0x12: {  	s1 =	sld [smem:$0x3F8A];
	s0 =	simm.s32 @p0 $0x1  }
0x13: {  	[smem:$0x3FA5] =	sst s0;
	s0 =	simm.s32 @!p1 $0x0  }
0x14: {  	s2 =	sld [smem:$0x3F89];
	s0 =	simm.s32 @p1 $0x1  }
0x15: {  	[smem:$0x3FA6] =	sst s0;
	s0 =	simm.s32 @!p2 $0x0  }
0x16: {  	s3 =	sld [smem:$0x3FDB];
	s0 =	simm.s32 @p2 $0x1  }
0x17: {  	s4 =	simm.s32 $0x1BF5;
	[smem:$0x3FA8] =	sst s0  }
0x18: {  	s0 =	sld [smem:$0x3F8B];
	_ =	swait.ge [sflag:s4], $0x0  }
0x19: {  	s7 =	sld [smem:$0x3F8C]  }
0x1a: {  	s8 =	sadd.s32 $0xFFFFE003, lr  }
0x1b: {  	s9 =	sadd.s32 $0xFFFFFEF7, lr;
	s5 =	simm.s32 $0xFFFFFFFF;
	p2 =	slt.u32 s8, $0xFFFFF086  }
0x1c: {  	p1 =	slt.u32 s9, $0xF7A;
	s5 =	simm.s32 @!p2 $0x0  }
0x1d: {  	s5 =	simm.s32 @p1 $0x1;
	p0 =	seq.s32 s7, s2  }
0x1e: {  	s7 =	smul.u32 @!p0 $0xF7A, s2;
	p2 =	seq.s32 @!p0 s5, $0x0  }
0x1f: {  	s9 =	smul.u32 $0xF7A, s1;
	s8 =	simm.s32 @!p0 $0x1BF5;
	p2 =	por !p2, p0  }
0x20: {  	[sflag:s8] =	ssyncset.s32 @!p0 $0xFFFFF086;
	s6 =	sadd.s32 @!p0 s3, s7;
	s7 =	simm.s32 @!p0 $0x108  }
0x21: {  	s3 =	sadd.s32 s3, s9;
	s6 =	sadd.s32 @!p0 $0x88, s6;
	s7 =	simm.s32 @p2 $0x1082  }
0x22: {  	[simem:s7], [sflag:s8] =	dma.local @!p0 [hbm:s6], $0xF7A  }
0x23: {  	s9 =	sor.u32 $0xD0000000, s2;
	s6 =	simm.s32 $0x108;
	_ =	swait.ge @!p0 [sflag:s8], $0x0  }
0x24: {  	s3 =	sadd.s32 $0x88, s3;
	s6 =	simm.s32 @!p1 $0x1082;
	[sflag:s4] =	ssyncset.s32 $0xFFFFF086  }
0x25: {  	[simem:s6], [sflag:s4] =	dma.local [hbm:s3], $0xF7A  }
0x26: {  	[smem:$0x3F8C] =	sst s1;
	(tag) =	ssettag s2;
	_ =	strace s9  }
0x27: {  	s1 =	sld [smem:$0x3F9C]  }
0x28: {  	s2 =	sld [smem:$0x3F9D]  }
0x29: {  	s4 =	sld [smem:$0x3F9F]  }
0x2a: {  	p0 =	seq.s32 s5, $0x0;
	s5 =	sld [smem:$0x3FA0]  }
0x2b: {  	s6 =	sld [smem:$0x3FA1]  }
0x2c: {  	s7 =	sld [smem:$0x3FA2]  }
0x2d: {  	s3 =	simm.s32 $0x108;
	s8 =	sld [smem:$0x3FA3]  }
0x2e: {  	s3 =	simm.s32 @!p0 $0x1082;
	s9 =	sld [smem:$0x3FA4]  }
0x2f: {  	lr =	sadd.s32 s0, s3;
	s0 =	sld [smem:$0x3F9B]  }
0x30: {  	s3 =	sld [smem:$0x3F9E]  }
0x31: {  	[smem:$0x3FA7] =	sst s10  }
0x32: {  	s10 =	sld [smem:$0x3FA5];
	_ =	sdelay $0x3  }
0x33: {  	p0 =	seq.s32 s10, $0x1;
	s10 =	sld [smem:$0x3FA7];
	_ =	sdelay $0x3  }
0x34: {  	[smem:$0x3FA7] =	sst s10  }
0x35: {  	s10 =	sld [smem:$0x3FA6];
	_ =	sdelay $0x3  }
0x36: {  	p1 =	seq.s32 s10, $0x1;
	s10 =	sld [smem:$0x3FA7];
	_ =	sdelay $0x3  }
0x37: {  	[smem:$0x3FA7] =	sst s10  }
0x38: {  	s10 =	sld [smem:$0x3FA8]  }
0x39: {  	_ = 	snop;
	(pc) =	sbr.ind lr, $3  }
0x3a: {  	_ = 	snop  }
0x3b: {  	_ = 	snop  }
0x3c: {  	p2 =	seq.s32 s10, $0x1;
	s10 =	sld [smem:$0x3FA7]  }
0x3d: {  	_ =	shalt  }
0x3e: {  	_ =	shalt  }
0x3f: {  	_ =	shalt  }
0x40: {  	_ =	shalt  }
0x41: {  	_ =	shalt  }
0x42: {  	_ =	shalt  }
0x43: {  	_ =	shalt  }
0x44: {  	_ =	shalt  }
0x45: {  	_ =	shalt  }
0x46: {  	_ =	shalt  }
0x47: {  	_ =	shalt  }
0x48: {  	_ =	shalt  }
0x49: {  	_ =	shalt  }
0x4a: {  	_ =	shalt  }
0x4b: {  	_ =	shalt  }
0x4c: {  	_ =	shalt  }
0x4d: {  	_ =	shalt  }
0x4e: {  	_ =	shalt  }
0x4f: {  	_ =	shalt  }
0x50: {  	_ =	shalt  }
0x51: {  	_ =	shalt  }
0x52: {  	_ =	shalt  }
0x53: {  	_ =	shalt  }
0x54: {  	_ =	shalt  }
0x55: {  	_ =	shalt  }
0x56: {  	_ =	shalt  }
0x57: {  	_ =	shalt  }
0x58: {  	_ =	shalt  }
0x59: {  	_ =	shalt  }
0x5a: {  	_ =	shalt  }
0x5b: {  	_ =	shalt  }
0x5c: {  	_ =	shalt  }
0x5d: {  	_ =	shalt  }
0x5e: {  	_ =	shalt  }
0x5f: {  	_ =	shalt  }
0x60: {  	_ =	shalt  }
0x61: {  	_ =	shalt  }
0x62: {  	_ =	shalt  }
0x63: {  	_ =	shalt  }
0x64: {  	_ =	shalt  }
0x65: {  	_ =	shalt  }
0x66: {  	_ =	shalt  }
0x67: {  	_ =	shalt  }
0x68: {  	_ =	shalt  }
0x69: {  	_ =	shalt  }
0x6a: {  	_ =	shalt  }
0x6b: {  	_ =	shalt  }
0x6c: {  	_ =	shalt  }
0x6d: {  	_ =	shalt  }
0x6e: {  	_ =	shalt  }
0x6f: {  	_ =	shalt  }
0x70: {  	_ =	shalt  }
0x71: {  	_ =	shalt  }
0x72: {  	_ =	shalt  }
0x73: {  	_ =	shalt  }
0x74: {  	_ =	shalt  }
0x75: {  	_ =	shalt  }
0x76: {  	_ =	shalt  }
0x77: {  	_ =	shalt  }
0x78: {  	_ =	shalt  }
0x79: {  	_ =	shalt  }
0x7a: {  	_ =	shalt  }
0x7b: {  	_ =	shalt  }
0x7c: {  	_ =	shalt  }
0x7d: {  	_ =	shalt  }
0x7e: {  	_ =	shalt  }
0x7f: {  	_ =	shalt  }
0x80: {  	_ =	shalt  }
0x81: {  	_ =	shalt  }
0x82: {  	_ =	shalt  }
0x83: {  	_ =	shalt  }
0x84: {  	_ =	shalt  }
0x85: {  	_ =	shalt  }
0x86: {  	_ =	shalt  }
0x87: {  	_ =	shalt  }
.Lfunc_end0:
.L_simem_size_0:
called_computation.2_lowered:
.L_overlay_start_0:
0x88: {  	s2 =	sld [smem:$0x3FD9]  }
0x89: {  	s3 =	sld [smem:$0x3FFE];
	_ =	sdelay $0x1  }
0x8a: {  	s1 =	srdreg.scid  }
0x8b: {  	s0 =	sand.u32 $0x1, s1  }
0x8c: {  	s17 =	sshll.u32 s0, $0xA;
	s2 =	sadd.s32 s3, s2  }
0x8d: {  	s2 =	sadd.s32 s2, s17  }
0x8e: {  	[smem:$0x3FB3] =	sst s2  }
0x8f: {  	_ = 	snop  }
0x90: {  	s2 =	sld [smem:$0x3FD0];
	(tm) =	ssettm $0x1  }
0x91: {  	s18 =	sld [smem:$0x3FFB];
	_ =	sdelay $0x3  }
0x92: {  	_ =	strace s18  }
0x93: {  	s3 =	sld [smem:$0x3FFC];
	_ =	sdelay $0x3  }
0x94: {  	_ =	strace s3  }
0x95: {  	s3 =	sld [smem:$0x3FFD];
	_ =	sdelay $0x3  }
0x96: {  	_ =	strace s3  }
0x97: {  	_ =	strace $0x8FFFFFFF  }
0x98: {  	s19 =	sld [smem:$0x3FDB];
	_ =	sdelay $0x1  }
0x99: {  	s4 =	simm.s32 $_scs_section_size  }
0x9a: {  	s5 =	simm.s32 $_size__tile_overlayer_lowered;
	s6 =	simm.s32 $_tile_overlayer_lowered  }
0x9b: {  	s22 =	simm.s32 $0x1BFF;
	s21 =	sshll.u32 s6, $0x1;
	s3 =	sadd.s32 s4, s19  }
0x9c: {  	s7 =	simm.s32 $0x0;
	s20 =	sshll.u32 s5, $0x1;
	s5 =	sadd.s32 s21, s3  }
0x9d: {  	[timem:s7], [sflag:s22] =	dma.local [hbm:s5], s20  }
0x9e: {  	_ =	swait.ge [sflag:s22], s20  }
0x9f: {  	s4 =	ssub.s32 $0x0, s20;
	[sflag:s22] =	ssyncset.done $0x0  }
0xa0: {  	[sflag:s22] =	ssyncadd.s32 s4;
	_ =	sdelay $0x1  }
0xa1: {  	s23 =	simm.s32 $0x1B8B  }
0xa2: {  	_ =	swait.ge [sflag:s23], $0x1  }
0xa3: {  	[sflag:s23] =	ssyncset.done $0x0  }
0xa4: {  	s25 =	simm.s32 $0x1B8E;
	s24 =	sld [smem:$0x3FFE];
	[sflag:s23] =	ssyncadd.s32 $0xFFFFFFFF  }
0xa5: {  	s26 =	simm.s32 $execute0_lowered;
	[smem:$0x3FD2] =	sst s25  }
0xa6: {  	s5 =	sshll.u32 s26, $0x1;
	_ =	strace $0x8000004C;
	[dreg:$0x1] =	wrdreg $0xFFFFFFFF  }
0xa7: {  	s28 =	simm.s32 $_size_execute0_lowered;
	s3 =	sadd.s32 s3, s5;
	[dreg:$0x0] =	wrdreg $0x0  }
0xa8: {  	s5 =	sshll.u32 s28, $0x1;
	[dreg:$0x2] =	wrdreg s3  }
0xa9: {  	[dreg:$0x3] =	wrdreg s5  }
0xaa: {  	[dreg:$0x4] =	wrdreg $0xC0  }
0xab: {  	_ =	task [dreg:s7], $0x5FFFF  }
0xac: {  	[dreg:$0x1] =	wrdreg $0xFFFFFFFF  }
0xad: {  	[dreg:$0x0] =	wrdreg $0x60  }
0xae: {  	[dreg:$0x2] =	wrdreg s24  }
0xaf: {  	[dreg:$0x3] =	wrdreg s2  }
0xb0: {  	[dreg:$0x4] =	wrdreg $0x19100  }
0xb1: {  	[dreg:$0x5] =	wrdreg $0x9  }
0xb2: {  	_ =	task.clear_ibuf [dreg:s7], $0x6FFFF;
	_ =	strace $0x9000004C  }
0xb3: {  	s29 =	simm.s32 $0x9;
	_ =	strace $0x8000004E  }
0xb4: {  	_ =	swait.ge [sflag:s29], $0x1  }
0xb5: {  	[sflag:s29] =	ssyncadd.s32 $0xFFFFFFFF  }
0xb6: {  	_ =	strace $0x9000004E  }
0xb7: {  	_ =	sfence  }
0xb8: {  	s30 =	sld [smem:$0x0];
	_ =	sdelay $0x2  }
0xb9: {  	s31 =	sshll.u32 s1, $0xD;
	s1 =	sshrl.u32 s1, $0x2  }
0xba: {  	s3 =	sand.u32 $0x4000, s31;
	s1 =	sadd.s32 s1, s30  }
0xbb: {  	s0 =	sor.u32 s3, s0;
	s1 =	sshll.u32 s1, $0x11  }
0xbc: {  	s0 =	sor.u32 s1, s0  }
0xbd: {  	s0 =	sadd.s32 $0x8F2B, s0  }
0xbe: {  	[sflag:s0] =	ssyncadd.remote.s32 $0x1  }
0xbf: {  	_ =	sfence.sel $0xFFFF  }
0xc0: {  	[dreg:$0x0] =	wrdreg $0xFFFFFFFF;
	(pc) =	sbr.abs _section_cstart, $3  }
0xc1: {  	[dreg:$0x1] =	wrdreg $0xFFFFFFFF  }
0xc2: {  	_ =	task.clear_ibuf [dreg:s7], $0x2FFFF;
	_ =	strace $0x9FFFFFFF  }
0xc3: {  	(tm) =	ssettm $0x7FFFFFFF  }
tec
execute0_lowered:
.L_overlay_start_1:
0x0: {  	(tag) =	ssettag $0x1  }
0x1: {  	s10 =	rddreg [dreg:$0x0]  }
0x2: {  	s1 =	rddreg [dreg:$0x1]  }
0x3: {  	s2 =	rddreg [dreg:$0x2]  }
0x4: {  	s0 =	rddreg [dreg:$0x3];
	s4 =	simm.s32 $0x0;
	s3 =	stileid.u32  }
0x5: {  	s8 =	srdreg.scid;
	s17 =	simm.s32 $0x1900;
	s18 =	simm.s32 $0x80  }
0x6: {  	s19 =	simm.s32 $0x100;
	s20 =	simm.s32 $0x900;
	s21 =	simm.s32 $0x1100  }
0x7: {  	s22 =	simm.s32 $0x0;
	[smem:$0x7FF] =	sst s4;
	s5 =	sadd.s32 $0x41C00, s10  }
0x8: {  	s6 =	sadd.s32 $0x37A00, s10;
	s11 =	smul.u32 $0x2800, s3;
	s7 =	sadd.s32 $0x32A00, s10  }
0x9: {  	s12 =	sand.u32 $0x1, s8;
	s13 =	smul.u32 $0x500, s3;
	s8 =	sadd.s32 $0x2DA00, s10  }
0xa: {  	s31 =	sshll.u32 s3, $0x6;
	_ =	strace $0x8000004D;
	s14 =	smul.u32 $0x5000, s12  }
0xb: {  	s16 =	ssub.s32 $0x2, s12;
	s12 =	sshll.u32 s12, $0x4;
	s9 =	sshrl.u32 s11, $0x3  }
0xc: {  	s29 =	sshrl.u32 s16, $0x1;
	s12 =	sor.u32 s3, s12;
	s30 =	sadd.s32 s11, s2  }
0xd: {  	s11 =	sor.u32 $0x1C01, s31;
	s15 =	sadd.s32 s9, s10;
	s9 =	sadd.s32 $0x5AE00, s10  }
0xe: {  	s13 =	sadd.s32 s13, s14;
	s14 =	ssub.s32 s16, s29;
	s12 =	smul.u32 $0x2880, s12  }
0xf: {  	s16 =	simm.s32 $0x1;
	s13 =	sadd.s32 s13, s10;
	s10 =	sadd.s32 $0x4BE00, s15  }
0x10: {  	s14 =	smax.u32 s14, $0x1;
	s15 =	sshrl.u32 s30, $0x3;
	s13 =	sadd.s32 $0x50E00, s13  }
.LBB2_1:
0x11: {  	[spmem:s15], [sflag:s11] =	dma.local [hbm:s10], $0x500  }
0x12: {  	_ =	swait.ge [sflag:s16], $0x500  }
0x13: {  	[sflag:s16] =	ssyncset.done $0x0  }
0x14: {  	[sflag:s16] =	ssyncadd.s32 $0xFFFFFB00  }
0x15: {  	[tilespmem:s17], [sflag:$0x1] =	stream.linear.gather [hbm4b:s1+s4], $0x10, $0x38;
	[tilespmem:$0x4110] =	vst v63  }
0x16: {  	_ =	swait.ge [sflag:s16], $0x10  }
0x17: {  	[sflag:s16] =	ssyncset.done $0x0  }
0x18: {  	[sflag:s16] =	ssyncadd.s32 $0xFFFFFFF0  }
0x19: {  	[bflag:$0x0] =	sbarrier.arrive $0xFFFF  }
0x1a: {  	v0 =	vld [tilespmem:$0x1900];
	_ =	sdelay $0x2  }
0x1b: {  	s23 =	simm.s32 $0x0  }
.LBB2_2:
0x1c: {  	s24 =	sshll.u32 s23, $0x7  }
0x1d: {  	s24 =	sadd.s32 s12, s24  }
0x1e: {  	s25 =	sshrl.u32 s24, $0x3  }
0x1f: {  	s28 =	simm.s32 $0x0;
	s26 =	sadd.s32 s5, s25  }
0x20: {  	[tilespmem:s28], [sflag:$0x1] =	stream.linear.gather [hbm4b:s26+s28], $0x80, $0x38;
	[tilespmem:$0x4110] =	vst v63  }
0x21: {  	_ =	swait.ge [sflag:s16], $0x80  }
0x22: {  	[sflag:s16] =	ssyncset.done $0x0  }
0x23: {  	s25 =	sadd.s32 s6, s25;
	[sflag:s16] =	ssyncadd.s32 $0xFFFFFF80  }
0x24: {  	[tilespmem:s18], [sflag:$0x1] =	stream.linear.gather [hbm4b:s25+s28], $0x80, $0x38;
	[tilespmem:$0x4110] =	vst v63  }
0x25: {  	_ =	swait.ge [sflag:s16], $0x80  }
0x26: {  	[sflag:s16] =	ssyncset.done $0x0  }
0x27: {  	[sflag:s16] =	ssyncadd.s32 $0xFFFFFF80  }
0x28: {  	[tilespmem:s19], [sflag:$0x1] =	stream.indirect.gather [hbm4b:s7+s18], $0x10, s28, s18, $0xb8;
	[tilespmem:$0x4110] =	vst v63  }
0x29: {  	_ =	swait.ge [sflag:s16], $0x800  }
0x2a: {  	[sflag:s16] =	ssyncset.done $0x0  }
0x2b: {  	[sflag:s16] =	ssyncadd.s32 $0xFFFFF800  }
0x2c: {  	[tilespmem:s20], [sflag:$0x1] =	stream.indirect.gather [hbm4b:s8+s18], $0x10, s18, s18, $0xb8;
	[tilespmem:$0x4110] =	vst v63  }
0x2d: {  	_ =	swait.ge [sflag:s16], $0x800  }
0x2e: {  	[sflag:s16] =	ssyncset.done $0x0  }
0x2f: {  	s25 =	simm.s32 $0x0;
	[sflag:s16] =	ssyncadd.s32 $0xFFFFF800  }
0x30: {  	v1 =	vld [tilespmem:s25+$0x100]  }
0x31: {  	v2 =	vld [tilespmem:s25+$0x900]  }
0x32: {  	s26 =	simm.s32 $0x10  }
0x33: {  	v3 =	vld [tilespmem:s26+$0x100]  }
0x34: {  	v4 =	vld [tilespmem:s26+$0x900];
	_ =	sdelay $0x1  }
0x35: {  	v1 =	vadd.f32 v2, v1;
	v2 =	vadd.f32 v2, v0;
	_ =	sdelay $0x1  }
0x36: {  	v5 =	vmul.f32 $2.000000030e-01, v1;
	v7 =	vmul.f32 $2.000000030e-01, v2  }
0x37: {  	v3 =	vadd.f32 v4, v3;
	vm0 =	vge.f32 v1, $0.0e+00;
	vm13 =	vge.f32 v2, $0.0e+00  }
0x38: {  	v4 =	vadd.f32 v4, v0;
	v1 =	vsel vm0, v1, v5;
	v2 =	vsel vm13, v2, v7  }
0x39: {  	s28 =	simm.s32 $0x20;
	v1 =	vsub.f32 v1, v2  }
0x3a: {  	v6 =	vld [tilespmem:s28+$0x100];
	v9 =	vmul.f32 $2.000000030e-01, v4;
	v5 =	vmul.f32 $2.000000030e-01, v3  }
0x3b: {  	v8 =	vld [tilespmem:s28+$0x900];
	vm1 =	vge.f32 v3, $0.0e+00;
	vm2 =	vge.f32 v4, $0.0e+00;
	v1 =	vmul.f32 $1.442695020e+00, v1  }
0x3c: {  	v4 =	vsel vm2, v4, v9;
	v3 =	vsel vm1, v3, v5  }
0x3d: {  	v2 =	vsub.f32 v3, v4;
	(erf) = vpow2.f32 v1;
	_ =	sdelay $0x1  }
0x3e: {  	s29 =	simm.s32 $0x30;
	v5 =	vmul.f32 $1.442695020e+00, v2  }
0x3f: {  	v3 =	vadd.f32 v8, v6;
	v4 =	vadd.f32 v8, v0;
	v1 =	vld [tilespmem:s29+$0x100]  }
0x40: {  	v2 =	vld [tilespmem:s29+$0x900];
	(erf) = vpow2.f32 v5  }
0x41: {  	v6 =	vmul.f32 $2.000000030e-01, v3;
	v7 =	vmul.f32 $2.000000030e-01, v4  }
0x42: {  	vm14 =	vge.f32 v3, $0.0e+00;
	vm15 =	vge.f32 v4, $0.0e+00  }
0x43: {  	s30 =	simm.s32 $0x100;
	v3 =	vsel vm14, v3, v6;
	v4 =	vsel vm15, v4, v7  }
.LBB2_3:
0x44: {  	s31 =	sshra.s32 s30, $0x2;
	v3 =	vsub.f32 v3, v4;
	p0 =	sne.s32 s30, $0x1FC0  }
.Ltmp0:
0x45: {  	s30 =	sadd.s32 $0x40, s30;
	v4 =	vadd.f32 v2, v1;
	v1 =	vld [tilespmem:s31+$0x100];
	v5 =	vadd.f32 v2, v0;
	v6 =	vpop (erf);
	(pc) =	sbr.rel @p0 .LBB2_3-.Ltmp0, $4  }
0x46: {  	v2 =	vld [tilespmem:s31+$0x900];
	v3 =	vmul.f32 $1.442695020e+00, v3;
	[tilespmem:s25+$0x1100] =	vst v6;
	s25 =	smov.u32 s26;
	s26 =	smov.u32 s28;
	s28 =	smov.u32 s29  }
0x47: {  	s29 =	smov.u32 s31;
	v6 =	vmul.f32 $2.000000030e-01, v4;
	v7 =	vmul.f32 $2.000000030e-01, v5  }
0x48: {  	vm0 =	vge.f32 v4, $0.0e+00;
	vm1 =	vge.f32 v5, $0.0e+00;
	(erf) = vpow2.f32 v3  }
0x49: {  	v3 =	vsel vm0, v4, v6;
	v4 =	vsel vm1, v5, v7  }
0x4a: {  	_ = 	snop  }
0x4b: {  	v1 =	vadd.f32 v2, v1;
	v2 =	vadd.f32 v2, v0;
	_ =	sdelay $0x1  }
0x4c: {  	v5 =	vmul.f32 $2.000000030e-01, v1;
	v6 =	vmul.f32 $2.000000030e-01, v2  }
0x4d: {  	vm0 =	vge.f32 v1, $0.0e+00;
	vm1 =	vge.f32 v2, $0.0e+00  }
0x4e: {  	v3 =	vsub.f32 v3, v4;
	v1 =	vsel vm0, v1, v5;
	v2 =	vsel vm1, v2, v6  }
0x4f: {  	v1 =	vsub.f32 v1, v2  }
0x50: {  	v2 =	vmul.f32 $1.442695020e+00, v3  }
0x51: {  	v1 =	vmul.f32 $1.442695020e+00, v1  }
0x52: {  	(erf) = vpow2.f32 v2  }
0x53: {  	(erf) = vpow2.f32 v1;
	_ =	sdelay $0x5  }
0x54: {  	v1 =	vpop (erf)  }
0x55: {  	v2 =	vpop (erf);
	[tilespmem:s25+$0x1100] =	vst v1  }
0x56: {  	[tilespmem:s26+$0x1100] =	vst v2;
	v1 =	vpop (erf)  }
0x57: {  	s24 =	sshll.u32 s24, $0x1;
	[tilespmem:s28+$0x1100] =	vst v1;
	v1 =	vpop (erf)  }
0x58: {  	s24 =	sadd.s32 s9, s24;
	[tilespmem:s29+$0x1100] =	vst v1  }
0x59: {  	[hbm4b:s24+s4] =	stream.linear.scatter [tilespmem:s21], [sflag:$0x1], $0x800, $0x38;
	[tilespmem:$0x4110] =	vst v63  }
0x5a: {  	s23 =	sadd.s32 $0x1, s23;
	_ =	swait.ge [sflag:s16], $0x800  }
0x5b: {  	p0 =	sne.s32 s23, $0x51;
	[sflag:s16] =	ssyncset.done $0x0  }
.Ltmp1:
0x5c: {  	[sflag:s16] =	ssyncadd.s32 $0xFFFFF800;
	(pc) =	sbr.rel @p0 .LBB2_2-.Ltmp1, $4  }
0x5d: {  	[spmem:s2] =	stream.indirect.scatter.add.f32 [tilespmem:s21], [sflag:$0x1], $0x10, s18, s18, $0xb8;
	[tilespmem:$0x4110] =	vst v63  }
0x5e: {  	_ =	swait.ge [sflag:s16], $0x800  }
0x5f: {  	[sflag:s16] =	ssyncset.done $0x0  }
0x60: {  	[sflag:s16] =	ssyncadd.s32 $0xFFFFF800  }
0x61: {  	s22 =	sadd.s32 $0x1, s22  }
0x62: {  	p0 =	sne.s32 s22, s14  }
.Ltmp2:
0x63: {  	[bflag:$0x0] =	sbarrier.arrive $0xFFFF;
	(pc) =	sbr.rel @p0 .LBB2_1-.Ltmp2, $4  }
0x64: {  	[hbm:s13], [sflag:s11] =	dma.local [spmem:s15], $0x500  }
0x65: {  	_ =	swait.ge [sflag:s16], $0x500  }
0x66: {  	[sflag:s16] =	ssyncset.done $0x0  }
0x67: {  	[sflag:s16] =	ssyncadd.s32 $0xFFFFFB00  }
0x68: {  	_ =	sfence.sel $0x180000  }
0x69: {  	[bflag:$0x0] =	sbarrier.arrive $0xFFFF  }
0x6a: {  	p0 =	sne.s32 s3, $0x0;
	_ =	strace $0x9000004D  }
0x6b: {  	s0 =	sadd.s32 @!p0 $0x100000, s0;
	[bflag:$0x2] =	sbarrier.arrive $0xFFFF  }
0x6c: {  	[sflag:s0] =	ssyncadd.tile.s32 @!p0 $0x1;
	_ =	shalt  }
.Lfunc_end2:
_tile_overlayer_lowered:
.L_overlay_start_2:
0x6d: {  	(tag) =	ssettag $0x2  }
0x6e: {  	s0 =	rddreg [dreg:$0x0];
	s2 =	stileid.u32  }
0x6f: {  	s1 =	rddreg [dreg:$0x1];
	p0 =	sne.s32 s2, $0x0  }
0x70: {  	s3 =	rddreg [dreg:$0x2];
	[bflag:$0x3] =	sbarrier.arrive $0xFFFF;
	s2 =	simm.s32 @!p0 $0x1C01  }
0x71: {  	[timem:s3], [sflag:s2] =	dma.local @!p0 [hbm:s0], s1  }
0x72: {  	s0 =	simm.s32 @!p0 $0x1  }
0x73: {  	_ =	swait.ge @!p0 [sflag:s0], s1  }
0x74: {  	s1 =	ssub.s32 @!p0 $0x0, s1;
	[sflag:s0] =	ssyncset.done @!p0 $0x0  }
0x75: {  	[sflag:s0] =	ssyncadd.s32 @!p0 s1  }
0x76: {  	[bflag:$0x3] =	sbarrier.arrive $0xFFFF  }
0x77: {  	_ =	shalt  }

// kernel: kernel.22.cloned.1.call-start
scs
__scs_entry_jumppad:
0x0: {  	(pc) =	sbr.rel $0x88, $3  }
0x1: {  	(tag) =	ssettag $0x0;
	lr =	simm.s32 $0x1  }
0x2: {  	[smem:$0x3F8C] =	sst lr;
	_ =	strace $0xD0000000  }
0x3: {  	_ = 	snop  }
0x4: {  	_ = 	snop  }
0x5: {  	_ = 	snop  }
0x6: {  	_ = 	snop  }
0x7: {  	_ = 	snop  }
__scs_overlays_trampoline_lowered:
0x8: {  	[smem:$0x3F9B] =	sst s0  }
0x9: {  	[smem:$0x3F9C] =	sst s1  }
0xa: {  	[smem:$0x3F9D] =	sst s2  }
0xb: {  	[smem:$0x3F9E] =	sst s3  }
0xc: {  	[smem:$0x3F9F] =	sst s4  }
0xd: {  	[smem:$0x3FA0] =	sst s5  }
0xe: {  	[smem:$0x3FA1] =	sst s6  }
0xf: {  	[smem:$0x3FA2] =	sst s7  }
0x10: {  	[smem:$0x3FA3] =	sst s8  }
0x11: {  	[smem:$0x3FA4] =	sst s9;
	s0 =	simm.s32 @!p0 $0x0  }
0x12: {  	s1 =	sld [smem:$0x3F8A];
	s0 =	simm.s32 @p0 $0x1  }
0x13: {  	[smem:$0x3FA5] =	sst s0;
	s0 =	simm.s32 @!p1 $0x0  }
0x14: {  	s2 =	sld [smem:$0x3F89];
	s0 =	simm.s32 @p1 $0x1  }
0x15: {  	[smem:$0x3FA6] =	sst s0;
	s0 =	simm.s32 @!p2 $0x0  }
0x16: {  	s3 =	sld [smem:$0x3FDB];
	s0 =	simm.s32 @p2 $0x1  }
0x17: {  	s4 =	simm.s32 $0x1BF5;
	[smem:$0x3FA8] =	sst s0  }
0x18: {  	s0 =	sld [smem:$0x3F8B];
	_ =	swait.ge [sflag:s4], $0x0  }
0x19: {  	s7 =	sld [smem:$0x3F8C]  }
0x1a: {  	s8 =	sadd.s32 $0xFFFFE003, lr  }
0x1b: {  	s9 =	sadd.s32 $0xFFFFFEF7, lr;
	s5 =	simm.s32 $0xFFFFFFFF;
	p2 =	slt.u32 s8, $0xFFFFF086  }
0x1c: {  	p1 =	slt.u32 s9, $0xF7A;
	s5 =	simm.s32 @!p2 $0x0  }
0x1d: {  	s5 =	simm.s32 @p1 $0x1;
	p0 =	seq.s32 s7, s2  }
0x1e: {  	s7 =	smul.u32 @!p0 $0xF7A, s2;
	p2 =	seq.s32 @!p0 s5, $0x0  }
0x1f: {  	s9 =	smul.u32 $0xF7A, s1;
	s8 =	simm.s32 @!p0 $0x1BF5;
	p2 =	por !p2, p0  }
0x20: {  	[sflag:s8] =	ssyncset.s32 @!p0 $0xFFFFF086;
	s6 =	sadd.s32 @!p0 s3, s7;
	s7 =	simm.s32 @!p0 $0x108  }
0x21: {  	s3 =	sadd.s32 s3, s9;
	s6 =	sadd.s32 @!p0 $0x88, s6;
	s7 =	simm.s32 @p2 $0x1082  }
0x22: {  	[simem:s7], [sflag:s8] =	dma.local @!p0 [hbm:s6], $0xF7A  }
0x23: {  	s9 =	sor.u32 $0xD0000000, s2;
	s6 =	simm.s32 $0x108;
	_ =	swait.ge @!p0 [sflag:s8], $0x0  }
0x24: {  	s3 =	sadd.s32 $0x88, s3;
	s6 =	simm.s32 @!p1 $0x1082;
	[sflag:s4] =	ssyncset.s32 $0xFFFFF086  }
0x25: {  	[simem:s6], [sflag:s4] =	dma.local [hbm:s3], $0xF7A  }
0x26: {  	[smem:$0x3F8C] =	sst s1;
	(tag) =	ssettag s2;
	_ =	strace s9  }
0x27: {  	s1 =	sld [smem:$0x3F9C]  }
0x28: {  	s2 =	sld [smem:$0x3F9D]  }
0x29: {  	s4 =	sld [smem:$0x3F9F]  }
0x2a: {  	p0 =	seq.s32 s5, $0x0;
	s5 =	sld [smem:$0x3FA0]  }
0x2b: {  	s6 =	sld [smem:$0x3FA1]  }
0x2c: {  	s7 =	sld [smem:$0x3FA2]  }
0x2d: {  	s3 =	simm.s32 $0x108;
	s8 =	sld [smem:$0x3FA3]  }
0x2e: {  	s3 =	simm.s32 @!p0 $0x1082;
	s9 =	sld [smem:$0x3FA4]  }
0x2f: {  	lr =	sadd.s32 s0, s3;
	s0 =	sld [smem:$0x3F9B]  }
0x30: {  	s3 =	sld [smem:$0x3F9E]  }
0x31: {  	[smem:$0x3FA7] =	sst s10  }
0x32: {  	s10 =	sld [smem:$0x3FA5];
	_ =	sdelay $0x3  }
0x33: {  	p0 =	seq.s32 s10, $0x1;
	s10 =	sld [smem:$0x3FA7];
	_ =	sdelay $0x3  }
0x34: {  	[smem:$0x3FA7] =	sst s10  }
0x35: {  	s10 =	sld [smem:$0x3FA6];
	_ =	sdelay $0x3  }
0x36: {  	p1 =	seq.s32 s10, $0x1;
	s10 =	sld [smem:$0x3FA7];
	_ =	sdelay $0x3  }
0x37: {  	[smem:$0x3FA7] =	sst s10  }
0x38: {  	s10 =	sld [smem:$0x3FA8]  }
0x39: {  	_ = 	snop;
	(pc) =	sbr.ind lr, $3  }
0x3a: {  	_ = 	snop  }
0x3b: {  	_ = 	snop  }
0x3c: {  	p2 =	seq.s32 s10, $0x1;
	s10 =	sld [smem:$0x3FA7]  }
0x3d: {  	_ =	shalt  }
0x3e: {  	_ =	shalt  }
0x3f: {  	_ =	shalt  }
0x40: {  	_ =	shalt  }
0x41: {  	_ =	shalt  }
0x42: {  	_ =	shalt  }
0x43: {  	_ =	shalt  }
0x44: {  	_ =	shalt  }
0x45: {  	_ =	shalt  }
0x46: {  	_ =	shalt  }
0x47: {  	_ =	shalt  }
0x48: {  	_ =	shalt  }
0x49: {  	_ =	shalt  }
0x4a: {  	_ =	shalt  }
0x4b: {  	_ =	shalt  }
0x4c: {  	_ =	shalt  }
0x4d: {  	_ =	shalt  }
0x4e: {  	_ =	shalt  }
0x4f: {  	_ =	shalt  }
0x50: {  	_ =	shalt  }
0x51: {  	_ =	shalt  }
0x52: {  	_ =	shalt  }
0x53: {  	_ =	shalt  }
0x54: {  	_ =	shalt  }
0x55: {  	_ =	shalt  }
0x56: {  	_ =	shalt  }
0x57: {  	_ =	shalt  }
0x58: {  	_ =	shalt  }
0x59: {  	_ =	shalt  }
0x5a: {  	_ =	shalt  }
0x5b: {  	_ =	shalt  }
0x5c: {  	_ =	shalt  }
0x5d: {  	_ =	shalt  }
0x5e: {  	_ =	shalt  }
0x5f: {  	_ =	shalt  }
0x60: {  	_ =	shalt  }
0x61: {  	_ =	shalt  }
0x62: {  	_ =	shalt  }
0x63: {  	_ =	shalt  }
0x64: {  	_ =	shalt  }
0x65: {  	_ =	shalt  }
0x66: {  	_ =	shalt  }
0x67: {  	_ =	shalt  }
0x68: {  	_ =	shalt  }
0x69: {  	_ =	shalt  }
0x6a: {  	_ =	shalt  }
0x6b: {  	_ =	shalt  }
0x6c: {  	_ =	shalt  }
0x6d: {  	_ =	shalt  }
0x6e: {  	_ =	shalt  }
0x6f: {  	_ =	shalt  }
0x70: {  	_ =	shalt  }
0x71: {  	_ =	shalt  }
0x72: {  	_ =	shalt  }
0x73: {  	_ =	shalt  }
0x74: {  	_ =	shalt  }
0x75: {  	_ =	shalt  }
0x76: {  	_ =	shalt  }
0x77: {  	_ =	shalt  }
0x78: {  	_ =	shalt  }
0x79: {  	_ =	shalt  }
0x7a: {  	_ =	shalt  }
0x7b: {  	_ =	shalt  }
0x7c: {  	_ =	shalt  }
0x7d: {  	_ =	shalt  }
0x7e: {  	_ =	shalt  }
0x7f: {  	_ =	shalt  }
0x80: {  	_ =	shalt  }
0x81: {  	_ =	shalt  }
0x82: {  	_ =	shalt  }
0x83: {  	_ =	shalt  }
0x84: {  	_ =	shalt  }
0x85: {  	_ =	shalt  }
0x86: {  	_ =	shalt  }
0x87: {  	_ =	shalt  }
.Lfunc_end0:
.L_simem_size_0:
called_computation.3_lowered:
.L_overlay_start_0:
0x88: {  	s2 =	sld [smem:$0x3FD9]  }
0x89: {  	s3 =	sld [smem:$0x3FFE];
	_ =	sdelay $0x1  }
0x8a: {  	s1 =	srdreg.scid  }
0x8b: {  	s0 =	sand.u32 $0x1, s1  }
0x8c: {  	s16 =	sshll.u32 s0, $0xA;
	s2 =	sadd.s32 s3, s2  }
0x8d: {  	s2 =	sadd.s32 s2, s16  }
0x8e: {  	[smem:$0x3FB3] =	sst s2  }
0x8f: {  	_ = 	snop  }
0x90: {  	(tm) =	ssettm $0x1  }
0x91: {  	s17 =	sld [smem:$0x3FFB];
	_ =	sdelay $0x3  }
0x92: {  	_ =	strace s17  }
0x93: {  	s2 =	sld [smem:$0x3FFC];
	_ =	sdelay $0x3  }
0x94: {  	_ =	strace s2  }
0x95: {  	s2 =	sld [smem:$0x3FFD];
	_ =	sdelay $0x3  }
0x96: {  	_ =	strace s2  }
0x97: {  	_ =	strace $0x8FFFFFFF  }
0x98: {  	s18 =	sld [smem:$0x3FDB];
	_ =	sdelay $0x1  }
0x99: {  	s19 =	simm.s32 $_scs_section_size  }
0x9a: {  	s4 =	simm.s32 $_size__tile_overlayer_lowered;
	s5 =	simm.s32 $_tile_overlayer_lowered  }
0x9b: {  	s22 =	simm.s32 $0x1BFF;
	s21 =	sshll.u32 s5, $0x1;
	s2 =	sadd.s32 s19, s18  }
0x9c: {  	s6 =	simm.s32 $0x0;
	s20 =	sshll.u32 s4, $0x1;
	s4 =	sadd.s32 s21, s2  }
0x9d: {  	[timem:s6], [sflag:s22] =	dma.local [hbm:s4], s20  }
0x9e: {  	_ =	swait.ge [sflag:s22], s20  }
0x9f: {  	s3 =	ssub.s32 $0x0, s20;
	[sflag:s22] =	ssyncset.done $0x0  }
0xa0: {  	[sflag:s22] =	ssyncadd.s32 s3;
	_ =	sdelay $0x1  }
0xa1: {  	s23 =	simm.s32 $0x1B8B  }
0xa2: {  	_ =	swait.ge [sflag:s23], $0x1  }
0xa3: {  	[sflag:s23] =	ssyncset.done $0x0  }
0xa4: {  	s25 =	simm.s32 $0x1B8E;
	s24 =	sld [smem:$0x3FFE];
	[sflag:s23] =	ssyncadd.s32 $0xFFFFFFFF  }
0xa5: {  	s26 =	simm.s32 $execute0_lowered;
	[smem:$0x3FD2] =	sst s25  }
0xa6: {  	s4 =	sshll.u32 s26, $0x1;
	_ =	strace $0x8000004F;
	[dreg:$0x1] =	wrdreg $0xFFFFFFFF  }
0xa7: {  	s28 =	simm.s32 $_size_execute0_lowered;
	s2 =	sadd.s32 s2, s4;
	[dreg:$0x0] =	wrdreg $0x0  }
0xa8: {  	s4 =	sshll.u32 s28, $0x1;
	[dreg:$0x2] =	wrdreg s2  }
0xa9: {  	[dreg:$0x3] =	wrdreg s4  }
0xaa: {  	[dreg:$0x4] =	wrdreg $0xC0  }
0xab: {  	_ =	task [dreg:s6], $0x5FFFF  }
0xac: {  	[dreg:$0x1] =	wrdreg $0xFFFFFFFF  }
0xad: {  	[dreg:$0x0] =	wrdreg $0x60  }
0xae: {  	[dreg:$0x2] =	wrdreg s24  }
0xaf: {  	[dreg:$0x3] =	wrdreg $0x99000  }
0xb0: {  	[dreg:$0x4] =	wrdreg $0x9  }
0xb1: {  	_ =	task.clear_ibuf [dreg:s6], $0x5FFFF;
	_ =	strace $0x9000004F  }
0xb2: {  	s29 =	simm.s32 $0x9;
	_ =	strace $0x80000051  }
0xb3: {  	_ =	swait.ge [sflag:s29], $0x1  }
0xb4: {  	[sflag:s29] =	ssyncadd.s32 $0xFFFFFFFF  }
0xb5: {  	_ =	strace $0x90000051  }
0xb6: {  	_ =	sfence  }
0xb7: {  	s30 =	sld [smem:$0x0];
	_ =	sdelay $0x2  }
0xb8: {  	s31 =	sshll.u32 s1, $0xD;
	s1 =	sshrl.u32 s1, $0x2  }
0xb9: {  	s3 =	sand.u32 $0x4000, s31;
	s1 =	sadd.s32 s1, s30  }
0xba: {  	s0 =	sor.u32 s3, s0;
	s1 =	sshll.u32 s1, $0x11  }
0xbb: {  	s0 =	sor.u32 s1, s0  }
0xbc: {  	s0 =	sadd.s32 $0x8F2B, s0  }
0xbd: {  	[sflag:s0] =	ssyncadd.remote.s32 $0x1  }
0xbe: {  	_ =	sfence.sel $0xFFFF  }
0xbf: {  	[dreg:$0x0] =	wrdreg $0xFFFFFFFF;
	(pc) =	sbr.abs _section_cstart, $3  }
0xc0: {  	[dreg:$0x1] =	wrdreg $0xFFFFFFFF  }
0xc1: {  	_ =	task.clear_ibuf [dreg:s6], $0x2FFFF;
	_ =	strace $0x9FFFFFFF  }
0xc2: {  	(tm) =	ssettm $0x7FFFFFFF  }
0xc3: {  	_ =	shalt  }
tec
execute0_lowered:
.L_overlay_start_1:
0x0: {  	(tag) =	ssettag $0x1  }
0x1: {  	s10 =	rddreg [dreg:$0x0]  }
0x2: {  	s1 =	rddreg [dreg:$0x1]  }
0x3: {  	s0 =	rddreg [dreg:$0x2]  }
0x4: {  	s2 =	simm.s32 $0x0;
	s3 =	stileid.u32;
	s8 =	srdreg.scid  }
0x5: {  	s17 =	simm.s32 $0x80;
	s18 =	simm.s32 $0x100;
	s19 =	simm.s32 $0x900  }
0x6: {  	s20 =	simm.s32 $0x1100;
	s21 =	simm.s32 $0x1900;
	s22 =	simm.s32 $0x5900  }
0x7: {  	[smem:$0x7FF] =	sst s2;
	s4 =	sadd.s32 $0x41C00, s10;
	s5 =	sadd.s32 $0x37A00, s10  }
0x8: {  	s6 =	sadd.s32 $0x5AE00, s10;
	s11 =	smul.u32 $0x14000, s3;
	s7 =	sadd.s32 $0x32A00, s10  }
0x9: {  	s12 =	sand.u32 $0x1, s8;
	s13 =	smul.u32 $0x2800, s3;
	s8 =	sadd.s32 $0x2DA00, s10  }
0xa: {  	s9 =	sadd.s32 $0x5A00, s10;
	s31 =	sshll.u32 s3, $0x6;
	_ =	strace $0x80000050  }
0xb: {  	s15 =	smul.u32 $0x28000, s12;
	s16 =	ssub.s32 $0x2, s12;
	s12 =	sshll.u32 s12, $0x4  }
0xc: {  	s14 =	sshrl.u32 s11, $0x3;
	s29 =	sshrl.u32 s16, $0x1;
	s12 =	sor.u32 s3, s12  }
0xd: {  	s30 =	sadd.s32 s11, s1;
	s11 =	sor.u32 $0x1C01, s31;
	s14 =	sadd.s32 s14, s10  }
0xe: {  	s13 =	sadd.s32 s13, s15;
	s15 =	ssub.s32 s16, s29;
	s12 =	smul.u32 $0x2880, s12  }
0xf: {  	s16 =	simm.s32 $0x1;
	s13 =	sadd.s32 s13, s10;
	s10 =	sadd.s32 $0xFCE00, s14  }
0x10: {  	s14 =	smax.u32 s15, $0x1;
	s15 =	sshrl.u32 s30, $0x3;
	s13 =	sadd.s32 $0x124E00, s13  }
.LBB2_1:
0x11: {  	[spmem:s15], [sflag:s11] =	dma.local [hbm:s10], $0x2800  }
0x12: {  	_ =	swait.ge [sflag:s16], $0x2800  }
0x13: {  	[sflag:s16] =	ssyncset.done $0x0  }
0x14: {  	[sflag:s16] =	ssyncadd.s32 $0xFFFFD800  }
0x15: {  	s23 =	simm.s32 $0x0;
	[bflag:$0x0] =	sbarrier.arrive $0xFFFF  }
.LBB2_2:
0x16: {  	s24 =	sshll.u32 s23, $0x7  }
0x17: {  	s24 =	sadd.s32 s12, s24  }
0x18: {  	s25 =	sshrl.u32 s24, $0x3  }
0x19: {  	s28 =	simm.s32 $0x0;
	s26 =	sadd.s32 s4, s25  }
0x1a: {  	[tilespmem:s28], [sflag:$0x1] =	stream.linear.gather [hbm4b:s26+s28], $0x80, $0x38;
	[tilespmem:$0x1D900] =	vst v63  }
0x1b: {  	_ =	swait.ge [sflag:s16], $0x80  }
0x1c: {  	[sflag:s16] =	ssyncset.done $0x0  }
0x1d: {  	s25 =	sadd.s32 s5, s25;
	[sflag:s16] =	ssyncadd.s32 $0xFFFFFF80  }
0x1e: {  	[tilespmem:s17], [sflag:$0x1] =	stream.linear.gather [hbm4b:s25+s28], $0x80, $0x38;
	[tilespmem:$0x1D900] =	vst v63  }
0x1f: {  	_ =	swait.ge [sflag:s16], $0x80  }
0x20: {  	s24 =	sshll.u32 s24, $0x1;
	[sflag:s16] =	ssyncset.done $0x0  }
0x21: {  	s24 =	sadd.s32 s6, s24;
	[sflag:s16] =	ssyncadd.s32 $0xFFFFFF80  }
0x22: {  	[tilespmem:s18], [sflag:$0x1] =	stream.linear.gather [hbm4b:s24+s28], $0x800, $0x38;
	[tilespmem:$0x1D900] =	vst v63  }
0x23: {  	_ =	swait.ge [sflag:s16], $0x800  }
0x24: {  	[sflag:s16] =	ssyncset.done $0x0  }
0x25: {  	[sflag:s16] =	ssyncadd.s32 $0xFFFFF800  }
0x26: {  	[tilespmem:s19], [sflag:$0x1] =	stream.indirect.gather [hbm4b:s7+s17], $0x10, s17, s17, $0xb8;
	[tilespmem:$0x1D900] =	vst v63  }
0x27: {  	_ =	swait.ge [sflag:s16], $0x800  }
0x28: {  	[sflag:s16] =	ssyncset.done $0x0  }
0x29: {  	[sflag:s16] =	ssyncadd.s32 $0xFFFFF800  }
0x2a: {  	[tilespmem:s20], [sflag:$0x1] =	stream.indirect.gather [hbm4b:s8+s17], $0x10, s17, s17, $0xb8;
	[tilespmem:$0x1D900] =	vst v63  }
0x2b: {  	_ =	swait.ge [sflag:s16], $0x800  }
0x2c: {  	[sflag:s16] =	ssyncset.done $0x0  }
0x2d: {  	[sflag:s16] =	ssyncadd.s32 $0xFFFFF800  }
0x2e: {  	[tilespmem:s21], [sflag:$0x1] =	stream.indirect.gather [hbm4b:s9+s17], $0x80, s28, s17, $0xb8;
	[tilespmem:$0x1D900] =	vst v63  }
0x2f: {  	_ =	swait.ge [sflag:s16], $0x4000  }
0x30: {  	[sflag:s16] =	ssyncset.done $0x0  }
0x31: {  	s31 =	simm.s32 $0x0;
	[sflag:s16] =	ssyncadd.s32 $0xFFFFC000  }
0x32: {  	v0 =	vld [tilespmem:s31+$0x900]  }
0x33: {  	v1 =	vld [tilespmem:s31+$0x1100];
	_ =	sdelay $0x4  }
0x34: {  	v0 =	vadd.f32 v1, v0;
	_ =	sdelay $0x1  }
0x35: {  	v0 =	vadd.f32 $1.000000020e-16, v0;
	_ =	sdelay $0x1  }
0x36: {  	(erf) = vrcp.f32 v0;
	_ =	sdelay $0x4  }
0x37: {  	v0 =	vld [tilespmem:s31+$0x100]  }
0x38: {  	s24 =	simm.s32 $0x1940  }
0x39: {  	v1 =	vld [tilespmem:s24+$0xFFFFFFC0];
	_ =	sdelay $0x1  }
0x3a: {  	v2 =	vpop (erf)  }
0x3b: {  	v0 =	vmul.f32 v2, v0;
	_ =	sdelay $0x1  }
0x3c: {  	v1 =	vmul.f32 v0, v1  }
0x3d: {  	s25 =	simm.s32 $0x5940  }
0x3e: {  	[tilespmem:s25+$0xFFFFFFC0] =	vst v1  }
0x3f: {  	v1 =	vld [tilespmem:s24+$0xFFFFFFD0];
	_ =	sdelay $0x4  }
0x40: {  	v1 =	vmul.f32 v0, v1;
	_ =	sdelay $0x1  }
0x41: {  	[tilespmem:s25+$0xFFFFFFD0] =	vst v1  }
0x42: {  	v1 =	vld [tilespmem:s24+$0xFFFFFFE0];
	_ =	sdelay $0x4  }
0x43: {  	v1 =	vmul.f32 v1, v0;
	_ =	sdelay $0x1  }
0x44: {  	[tilespmem:s25+$0xFFFFFFE0] =	vst v1  }
0x45: {  	v1 =	vld [tilespmem:s24+$0xFFFFFFF0];
	_ =	sdelay $0x4  }
0x46: {  	v1 =	vmul.f32 v1, v0;
	_ =	sdelay $0x1  }
0x47: {  	[tilespmem:s25+$0xFFFFFFF0] =	vst v1  }
0x48: {  	v1 =	vld [tilespmem:s24+$0x0];
	_ =	sdelay $0x4  }
0x49: {  	v1 =	vmul.f32 v1, v0;
	_ =	sdelay $0x1  }
0x4a: {  	[tilespmem:s25+$0x0] =	vst v1  }
0x4b: {  	v1 =	vld [tilespmem:s24+$0x10];
	_ =	sdelay $0x4  }
0x4c: {  	v1 =	vmul.f32 v1, v0;
	_ =	sdelay $0x1  }
0x4d: {  	[tilespmem:s25+$0x10] =	vst v1  }
0x4e: {  	v1 =	vld [tilespmem:s24+$0x20];
	_ =	sdelay $0x4  }
0x4f: {  	v1 =	vmul.f32 v1, v0;
	_ =	sdelay $0x1  }
0x50: {  	[tilespmem:s25+$0x20] =	vst v1  }
0x51: {  	v1 =	vld [tilespmem:s24+$0x30];
	_ =	sdelay $0x4  }
0x52: {  	v0 =	vmul.f32 v1, v0;
	_ =	sdelay $0x1  }
0x53: {  	s28 =	simm.s32 $0x10;
	[tilespmem:s25+$0x30] =	vst v0  }
0x54: {  	s26 =	simm.s32 $0x80;
	v0 =	vld [tilespmem:s28+$0x900]  }
.LBB2_3:
0x55: {  	p0 =	sne.s32 s26, $0x1FC0;
	v1 =	vld [tilespmem:s28+$0x1100]  }
0x56: {  	s24 =	sadd.s32 $0x80, s24;
	v2 =	vld [tilespmem:s28+$0x100]  }
0x57: {  	v3 =	vld [tilespmem:s24+$0xFFFFFFC0];
	_ =	sdelay $0x2  }
0x58: {  	v0 =	vadd.f32 v1, v0;
	_ =	sdelay $0x1  }
0x59: {  	v0 =	vadd.f32 $1.000000020e-16, v0;
	_ =	sdelay $0x1  }
0x5a: {  	(erf) = vrcp.f32 v0;
	_ =	sdelay $0x8  }
0x5b: {  	v0 =	vpop (erf)  }
0x5c: {  	v0 =	vmul.f32 v0, v2;
	_ =	sdelay $0x1  }
0x5d: {  	v1 =	vmul.f32 v0, v3  }
0x5e: {  	s25 =	sadd.s32 $0x80, s25  }
0x5f: {  	[tilespmem:s25+$0xFFFFFFC0] =	vst v1  }
0x60: {  	v1 =	vld [tilespmem:s24+$0xFFFFFFD0];
	_ =	sdelay $0x4  }
0x61: {  	v1 =	vmul.f32 v0, v1;
	_ =	sdelay $0x1  }
0x62: {  	[tilespmem:s25+$0xFFFFFFD0] =	vst v1  }
0x63: {  	v1 =	vld [tilespmem:s24+$0xFFFFFFE0];
	_ =	sdelay $0x4  }
0x64: {  	v1 =	vmul.f32 v1, v0;
	_ =	sdelay $0x1  }
0x65: {  	[tilespmem:s25+$0xFFFFFFE0] =	vst v1  }
0x66: {  	v1 =	vld [tilespmem:s24+$0xFFFFFFF0];
	_ =	sdelay $0x4  }
0x67: {  	v1 =	vmul.f32 v1, v0;
	_ =	sdelay $0x1  }
0x68: {  	[tilespmem:s25+$0xFFFFFFF0] =	vst v1  }
0x69: {  	v1 =	vld [tilespmem:s24+$0x0];
	_ =	sdelay $0x4  }
0x6a: {  	v1 =	vmul.f32 v1, v0;
	_ =	sdelay $0x1  }
0x6b: {  	[tilespmem:s25+$0x0] =	vst v1  }
0x6c: {  	v1 =	vld [tilespmem:s24+$0x10];
	_ =	sdelay $0x4  }
0x6d: {  	v1 =	vmul.f32 v1, v0;
	_ =	sdelay $0x1  }
0x6e: {  	[tilespmem:s25+$0x10] =	vst v1  }
0x6f: {  	v1 =	vld [tilespmem:s24+$0x20];
	_ =	sdelay $0x4  }
0x70: {  	v1 =	vmul.f32 v1, v0;
	_ =	sdelay $0x1  }
0x71: {  	[tilespmem:s25+$0x20] =	vst v1  }
0x72: {  	v1 =	vld [tilespmem:s24+$0x30];
	_ =	sdelay $0x3  }
.Ltmp0:
0x73: {  	(pc) =	sbr.rel @p0 .LBB2_3-.Ltmp0, $3  }
0x74: {  	v0 =	vmul.f32 v1, v0;
	_ =	sdelay $0x1  }
0x75: {  	s28 =	sshra.s32 s26, $0x2;
	[tilespmem:s25+$0x30] =	vst v0  }
0x76: {  	s26 =	sadd.s32 $0x40, s26;
	v0 =	vld [tilespmem:s28+$0x900]  }
0x77: {  	v1 =	vld [tilespmem:s28+$0x1100];
	_ =	sdelay $0x4  }
0x78: {  	v0 =	vadd.f32 v1, v0;
	_ =	sdelay $0x1  }
0x79: {  	v0 =	vadd.f32 $1.000000020e-16, v0;
	_ =	sdelay $0x1  }
0x7a: {  	(erf) = vrcp.f32 v0;
	_ =	sdelay $0x4  }
0x7b: {  	v62 =	vld [tilespmem:s28+$0x100]  }
0x7c: {  	s24 =	sadd.s32 $0x80, s24  }
0x7d: {  	v63 =	vld [tilespmem:s24+$0xFFFFFFC0];
	_ =	sdelay $0x1  }
0x7e: {  	v2 =	vpop (erf)  }
0x7f: {  	v0 =	vmul.f32 v2, v62;
	_ =	sdelay $0x1  }
0x80: {  	v1 =	vmul.f32 v0, v63  }
0x81: {  	s25 =	sadd.s32 $0x80, s25  }
0x82: {  	[tilespmem:s25+$0xFFFFFFC0] =	vst v1  }
0x83: {  	v1 =	vld [tilespmem:s24+$0xFFFFFFD0];
	_ =	sdelay $0x4  }
0x84: {  	v1 =	vmul.f32 v0, v1;
	_ =	sdelay $0x1  }
0x85: {  	[tilespmem:s25+$0xFFFFFFD0] =	vst v1  }
0x86: {  	v1 =	vld [tilespmem:s24+$0xFFFFFFE0];
	_ =	sdelay $0x4  }
0x87: {  	v1 =	vmul.f32 v1, v0;
	_ =	sdelay $0x1  }
0x88: {  	[tilespmem:s25+$0xFFFFFFE0] =	vst v1  }
0x89: {  	v1 =	vld [tilespmem:s24+$0xFFFFFFF0];
	_ =	sdelay $0x4  }
0x8a: {  	v1 =	vmul.f32 v1, v0;
	_ =	sdelay $0x1  }
0x8b: {  	[tilespmem:s25+$0xFFFFFFF0] =	vst v1  }
0x8c: {  	v1 =	vld [tilespmem:s24+$0x0];
	_ =	sdelay $0x4  }
0x8d: {  	v1 =	vmul.f32 v1, v0;
	_ =	sdelay $0x1  }
0x8e: {  	[tilespmem:s25+$0x0] =	vst v1  }
0x8f: {  	v1 =	vld [tilespmem:s24+$0x10];
	_ =	sdelay $0x4  }
0x90: {  	v1 =	vmul.f32 v1, v0;
	_ =	sdelay $0x1  }
0x91: {  	[tilespmem:s25+$0x10] =	vst v1  }
0x92: {  	v1 =	vld [tilespmem:s24+$0x20];
	_ =	sdelay $0x4  }
0x93: {  	v1 =	vmul.f32 v1, v0;
	_ =	sdelay $0x1  }
0x94: {  	[tilespmem:s25+$0x20] =	vst v1  }
0x95: {  	v1 =	vld [tilespmem:s24+$0x30];
	_ =	sdelay $0x4  }
0x96: {  	s23 =	sadd.s32 $0x1, s23;
	v0 =	vmul.f32 v1, v0  }
0x97: {  	p0 =	sne.s32 s23, $0x51  }
.Ltmp1:
0x98: {  	[tilespmem:s25+$0x30] =	vst v0;
	(pc) =	sbr.rel @p0 .LBB2_2-.Ltmp1, $4  }
0x99: {  	[spmem:s1] =	stream.indirect.scatter.add.f32 [tilespmem:s22], [sflag:$0x1], $0x80, s17, s17, $0xb8;
	[tilespmem:$0x1D900] =	vst v63  }
0x9a: {  	_ =	swait.ge [sflag:s16], $0x4000  }
0x9b: {  	[sflag:s16] =	ssyncset.done $0x0  }
0x9c: {  	[sflag:s16] =	ssyncadd.s32 $0xFFFFC000  }
0x9d: {  	s2 =	sadd.s32 $0x1, s2  }
0x9e: {  	p0 =	sne.s32 s2, s14  }
.Ltmp2:
0x9f: {  	[bflag:$0x0] =	sbarrier.arrive $0xFFFF;
	(pc) =	sbr.rel @p0 .LBB2_1-.Ltmp2, $4  }
0xa0: {  	[hbm:s13], [sflag:s11] =	dma.local [spmem:s15], $0x2800  }
0xa1: {  	_ =	swait.ge [sflag:s16], $0x2800  }
0xa2: {  	[sflag:s16] =	ssyncset.done $0x0  }
0xa3: {  	[sflag:s16] =	ssyncadd.s32 $0xFFFFD800  }
0xa4: {  	_ =	sfence.sel $0x180000  }
0xa5: {  	[bflag:$0x0] =	sbarrier.arrive $0xFFFF  }
0xa6: {  	p0 =	sne.s32 s3, $0x0;
	_ =	strace $0x90000050  }
0xa7: {  	s0 =	sadd.s32 @!p0 $0x100000, s0;
	[bflag:$0x2] =	sbarrier.arrive $0xFFFF  }
0xa8: {  	[sflag:s0] =	ssyncadd.tile.s32 @!p0 $0x1;
	_ =	shalt  }
.Lfunc_end2:
_tile_overlayer_lowered:
.L_overlay_start_2:
0xa9: {  	(tag) =	ssettag $0x2  }
0xaa: {  	s0 =	rddreg [dreg:$0x0];
	s2 =	stileid.u32  }
0xab: {  	s1 =	rddreg [dreg:$0x1];
	p0 =	sne.s32 s2, $0x0  }
0xac: {  	s3 =	rddreg [dreg:$0x2];
	[bflag:$0x3] =	sbarrier.arrive $0xFFFF;
	s2 =	simm.s32 @!p0 $0x1C01  }
0xad: {  	[timem:s3], [sflag:s2] =	dma.local @!p0 [hbm:s0], s1  }
0xae: {  	s0 =	simm.s32 @!p0 $0x1  }
0xaf: {  	_ =	swait.ge @!p0 [sflag:s0], s1  }
0xb0: {  	s1 =	ssub.s32 @!p0 $0x0, s1;
	[sflag:s0] =	ssyncset.done @!p0 $0x0  }
0xb1: {  	[sflag:s0] =	ssyncadd.s32 @!p0 s1  }
0xb2: {  	[bflag:$0x3] =	sbarrier.arrive $0xFFFF  }
0xb3: {  	_ =	shalt  }

// kernel: kernel.25.cloned.1.call-start
scs
__scs_entry_jumppad:
0x0: {  	(pc) =	sbr.rel $0x88, $3  }
0x1: {  	(tag) =	ssettag $0x0;
	lr =	simm.s32 $0x1  }
0x2: {  	[smem:$0x3F8C] =	sst lr;
	_ =	strace $0xD0000000  }
0x3: {  	_ = 	snop  }
0x4: {  	_ = 	snop  }
0x5: {  	_ = 	snop  }
0x6: {  	_ = 	snop  }
0x7: {  	_ = 	snop  }
__scs_overlays_trampoline_lowered:
0x8: {  	[smem:$0x3F9B] =	sst s0  }
0x9: {  	[smem:$0x3F9C] =	sst s1  }
0xa: {  	[smem:$0x3F9D] =	sst s2  }
0xb: {  	[smem:$0x3F9E] =	sst s3  }
0xc: {  	[smem:$0x3F9F] =	sst s4  }
0xd: {  	[smem:$0x3FA0] =	sst s5  }
0xe: {  	[smem:$0x3FA1] =	sst s6  }
0xf: {  	[smem:$0x3FA2] =	sst s7  }
0x10: {  	[smem:$0x3FA3] =	sst s8  }
0x11: {  	[smem:$0x3FA4] =	sst s9;
	s0 =	simm.s32 @!p0 $0x0  }
0x12: {  	s1 =	sld [smem:$0x3F8A];
	s0 =	simm.s32 @p0 $0x1  }
0x13: {  	[smem:$0x3FA5] =	sst s0;
	s0 =	simm.s32 @!p1 $0x0  }
0x14: {  	s2 =	sld [smem:$0x3F89];
	s0 =	simm.s32 @p1 $0x1  }
0x15: {  	[smem:$0x3FA6] =	sst s0;
	s0 =	simm.s32 @!p2 $0x0  }
0x16: {  	s3 =	sld [smem:$0x3FDB];
	s0 =	simm.s32 @p2 $0x1  }
0x17: {  	s4 =	simm.s32 $0x1BF5;
	[smem:$0x3FA8] =	sst s0  }
0x18: {  	s0 =	sld [smem:$0x3F8B];
	_ =	swait.ge [sflag:s4], $0x0  }
0x19: {  	s7 =	sld [smem:$0x3F8C]  }
0x1a: {  	s8 =	sadd.s32 $0xFFFFE003, lr  }
0x1b: {  	s9 =	sadd.s32 $0xFFFFFEF7, lr;
	s5 =	simm.s32 $0xFFFFFFFF;
	p2 =	slt.u32 s8, $0xFFFFF086  }
0x1c: {  	p1 =	slt.u32 s9, $0xF7A;
	s5 =	simm.s32 @!p2 $0x0  }
0x1d: {  	s5 =	simm.s32 @p1 $0x1;
	p0 =	seq.s32 s7, s2  }
0x1e: {  	s7 =	smul.u32 @!p0 $0xF7A, s2;
	p2 =	seq.s32 @!p0 s5, $0x0  }
0x1f: {  	s9 =	smul.u32 $0xF7A, s1;
	s8 =	simm.s32 @!p0 $0x1BF5;
	p2 =	por !p2, p0  }
0x20: {  	[sflag:s8] =	ssyncset.s32 @!p0 $0xFFFFF086;
	s6 =	sadd.s32 @!p0 s3, s7;
	s7 =	simm.s32 @!p0 $0x108  }
0x21: {  	s3 =	sadd.s32 s3, s9;
	s6 =	sadd.s32 @!p0 $0x88, s6;
	s7 =	simm.s32 @p2 $0x1082  }
0x22: {  	[simem:s7], [sflag:s8] =	dma.local @!p0 [hbm:s6], $0xF7A  }
0x23: {  	s9 =	sor.u32 $0xD0000000, s2;
	s6 =	simm.s32 $0x108;
	_ =	swait.ge @!p0 [sflag:s8], $0x0  }
0x24: {  	s3 =	sadd.s32 $0x88, s3;
	s6 =	simm.s32 @!p1 $0x1082;
	[sflag:s4] =	ssyncset.s32 $0xFFFFF086  }
0x25: {  	[simem:s6], [sflag:s4] =	dma.local [hbm:s3], $0xF7A  }
0x26: {  	[smem:$0x3F8C] =	sst s1;
	(tag) =	ssettag s2;
	_ =	strace s9  }
0x27: {  	s1 =	sld [smem:$0x3F9C]  }
0x28: {  	s2 =	sld [smem:$0x3F9D]  }
0x29: {  	s4 =	sld [smem:$0x3F9F]  }
0x2a: {  	p0 =	seq.s32 s5, $0x0;
	s5 =	sld [smem:$0x3FA0]  }
0x2b: {  	s6 =	sld [smem:$0x3FA1]  }
0x2c: {  	s7 =	sld [smem:$0x3FA2]  }
0x2d: {  	s3 =	simm.s32 $0x108;
	s8 =	sld [smem:$0x3FA3]  }
0x2e: {  	s3 =	simm.s32 @!p0 $0x1082;
	s9 =	sld [smem:$0x3FA4]  }
0x2f: {  	lr =	sadd.s32 s0, s3;
	s0 =	sld [smem:$0x3F9B]  }
0x30: {  	s3 =	sld [smem:$0x3F9E]  }
0x31: {  	[smem:$0x3FA7] =	sst s10  }
0x32: {  	s10 =	sld [smem:$0x3FA5];
	_ =	sdelay $0x3  }
0x33: {  	p0 =	seq.s32 s10, $0x1;
	s10 =	sld [smem:$0x3FA7];
	_ =	sdelay $0x3  }
0x34: {  	[smem:$0x3FA7] =	sst s10  }
0x35: {  	s10 =	sld [smem:$0x3FA6];
	_ =	sdelay $0x3  }
0x36: {  	p1 =	seq.s32 s10, $0x1;
	s10 =	sld [smem:$0x3FA7];
	_ =	sdelay $0x3  }
0x37: {  	[smem:$0x3FA7] =	sst s10  }
0x38: {  	s10 =	sld [smem:$0x3FA8]  }
0x39: {  	_ = 	snop;
	(pc) =	sbr.ind lr, $3  }
0x3a: {  	_ = 	snop  }
0x3b: {  	_ = 	snop  }
0x3c: {  	p2 =	seq.s32 s10, $0x1;
	s10 =	sld [smem:$0x3FA7]  }
0x3d: {  	_ =	shalt  }
0x3e: {  	_ =	shalt  }
0x3f: {  	_ =	shalt  }
0x40: {  	_ =	shalt  }
0x41: {  	_ =	shalt  }
0x42: {  	_ =	shalt  }
0x43: {  	_ =	shalt  }
0x44: {  	_ =	shalt  }
0x45: {  	_ =	shalt  }
0x46: {  	_ =	shalt  }
0x47: {  	_ =	shalt  }
0x48: {  	_ =	shalt  }
0x49: {  	_ =	shalt  }
0x4a: {  	_ =	shalt  }
0x4b: {  	_ =	shalt  }
0x4c: {  	_ =	shalt  }
0x4d: {  	_ =	shalt  }
0x4e: {  	_ =	shalt  }
0x4f: {  	_ =	shalt  }
0x50: {  	_ =	shalt  }
0x51: {  	_ =	shalt  }
0x52: {  	_ =	shalt  }
0x53: {  	_ =	shalt  }
0x54: {  	_ =	shalt  }
0x55: {  	_ =	shalt  }
0x56: {  	_ =	shalt  }
0x57: {  	_ =	shalt  }
0x58: {  	_ =	shalt  }
0x59: {  	_ =	shalt  }
0x5a: {  	_ =	shalt  }
0x5b: {  	_ =	shalt  }
0x5c: {  	_ =	shalt  }
0x5d: {  	_ =	shalt  }
0x5e: {  	_ =	shalt  }
0x5f: {  	_ =	shalt  }
0x60: {  	_ =	shalt  }
0x61: {  	_ =	shalt  }
0x62: {  	_ =	shalt  }
0x63: {  	_ =	shalt  }
0x64: {  	_ =	shalt  }
0x65: {  	_ =	shalt  }
0x66: {  	_ =	shalt  }
0x67: {  	_ =	shalt  }
0x68: {  	_ =	shalt  }
0x69: {  	_ =	shalt  }
0x6a: {  	_ =	shalt  }
0x6b: {  	_ =	shalt  }
0x6c: {  	_ =	shalt  }
0x6d: {  	_ =	shalt  }
0x6e: {  	_ =	shalt  }
0x6f: {  	_ =	shalt  }
0x70: {  	_ =	shalt  }
0x71: {  	_ =	shalt  }
0x72: {  	_ =	shalt  }
0x73: {  	_ =	shalt  }
0x74: {  	_ =	shalt  }
0x75: {  	_ =	shalt  }
0x76: {  	_ =	shalt  }
0x77: {  	_ =	shalt  }
0x78: {  	_ =	shalt  }
0x79: {  	_ =	shalt  }
0x7a: {  	_ =	shalt  }
0x7b: {  	_ =	shalt  }
0x7c: {  	_ =	shalt  }
0x7d: {  	_ =	shalt  }
0x7e: {  	_ =	shalt  }
0x7f: {  	_ =	shalt  }
0x80: {  	_ =	shalt  }
0x81: {  	_ =	shalt  }
0x82: {  	_ =	shalt  }
0x83: {  	_ =	shalt  }
0x84: {  	_ =	shalt  }
0x85: {  	_ =	shalt  }
0x86: {  	_ =	shalt  }
0x87: {  	_ =	shalt  }
.Lfunc_end0:
.L_simem_size_0:
called_computation.4_lowered:
.L_overlay_start_0:
0x88: {  	s2 =	sld [smem:$0x3FD9]  }
0x89: {  	s3 =	sld [smem:$0x3FFE];
	_ =	sdelay $0x1  }
0x8a: {  	s1 =	srdreg.scid  }
0x8b: {  	s0 =	sand.u32 $0x1, s1  }
0x8c: {  	s16 =	sshll.u32 s0, $0xA;
	s2 =	sadd.s32 s3, s2  }
0x8d: {  	s2 =	sadd.s32 s2, s16  }
0x8e: {  	[smem:$0x3FB3] =	sst s2  }
0x8f: {  	_ = 	snop  }
0x90: {  	(tm) =	ssettm $0x1  }
0x91: {  	s17 =	sld [smem:$0x3FFB];
	_ =	sdelay $0x3  }
0x92: {  	_ =	strace s17  }
0x93: {  	s2 =	sld [smem:$0x3FFC];
	_ =	sdelay $0x3  }
0x94: {  	_ =	strace s2  }
0x95: {  	s2 =	sld [smem:$0x3FFD];
	_ =	sdelay $0x3  }
0x96: {  	_ =	strace s2  }
0x97: {  	_ =	strace $0x8FFFFFFF  }
0x98: {  	s18 =	sld [smem:$0x3FDB];
	_ =	sdelay $0x1  }
0x99: {  	s19 =	simm.s32 $_scs_section_size  }
0x9a: {  	s4 =	simm.s32 $_size__tile_overlayer_lowered;
	s5 =	simm.s32 $_tile_overlayer_lowered  }
0x9b: {  	s22 =	simm.s32 $0x1BFF;
	s21 =	sshll.u32 s5, $0x1;
	s2 =	sadd.s32 s19, s18  }
0x9c: {  	s6 =	simm.s32 $0x0;
	s20 =	sshll.u32 s4, $0x1;
	s4 =	sadd.s32 s21, s2  }
0x9d: {  	[timem:s6], [sflag:s22] =	dma.local [hbm:s4], s20  }
0x9e: {  	_ =	swait.ge [sflag:s22], s20  }
0x9f: {  	s3 =	ssub.s32 $0x0, s20;
	[sflag:s22] =	ssyncset.done $0x0  }
0xa0: {  	[sflag:s22] =	ssyncadd.s32 s3;
	_ =	sdelay $0x1  }
0xa1: {  	s23 =	simm.s32 $0x1B8B  }
0xa2: {  	_ =	swait.ge [sflag:s23], $0x1  }
0xa3: {  	[sflag:s23] =	ssyncset.done $0x0  }
0xa4: {  	s25 =	simm.s32 $0x1B8E;
	s24 =	sld [smem:$0x3FFE];
	[sflag:s23] =	ssyncadd.s32 $0xFFFFFFFF  }
0xa5: {  	s26 =	simm.s32 $execute0_lowered;
	[smem:$0x3FD2] =	sst s25  }
0xa6: {  	s4 =	sshll.u32 s26, $0x1;
	_ =	strace $0x80000052;
	[dreg:$0x1] =	wrdreg $0xFFFFFFFF  }
0xa7: {  	s28 =	simm.s32 $_size_execute0_lowered;
	s2 =	sadd.s32 s2, s4;
	[dreg:$0x0] =	wrdreg $0x0  }
0xa8: {  	s4 =	sshll.u32 s28, $0x1;
	[dreg:$0x2] =	wrdreg s2  }
0xa9: {  	[dreg:$0x3] =	wrdreg s4  }
0xaa: {  	[dreg:$0x4] =	wrdreg $0xC0  }
0xab: {  	_ =	task [dreg:s6], $0x5FFFF  }
0xac: {  	[dreg:$0x1] =	wrdreg $0xFFFFFFFF  }
0xad: {  	[dreg:$0x0] =	wrdreg $0x60  }
0xae: {  	[dreg:$0x2] =	wrdreg s24  }
0xaf: {  	[dreg:$0x3] =	wrdreg $0x11000  }
0xb0: {  	[dreg:$0x4] =	wrdreg $0x39000  }
0xb1: {  	[dreg:$0x5] =	wrdreg $0x9  }
0xb2: {  	_ =	task.clear_ibuf [dreg:s6], $0x6FFFF;
	_ =	strace $0x90000052  }
0xb3: {  	s29 =	simm.s32 $0x9;
	_ =	strace $0x80000054  }
0xb4: {  	_ =	swait.ge [sflag:s29], $0x1  }
0xb5: {  	[sflag:s29] =	ssyncadd.s32 $0xFFFFFFFF  }
0xb6: {  	_ =	strace $0x90000054  }
0xb7: {  	_ =	sfence  }
0xb8: {  	s30 =	sld [smem:$0x0];
	_ =	sdelay $0x2  }
0xb9: {  	s31 =	sshll.u32 s1, $0xD;
	s1 =	sshrl.u32 s1, $0x2  }
0xba: {  	s3 =	sand.u32 $0x4000, s31;
	s1 =	sadd.s32 s1, s30  }
0xbb: {  	s0 =	sor.u32 s3, s0;
	s1 =	sshll.u32 s1, $0x11  }
0xbc: {  	s0 =	sor.u32 s1, s0  }
0xbd: {  	s0 =	sadd.s32 $0x8F2B, s0  }
0xbe: {  	[sflag:s0] =	ssyncadd.remote.s32 $0x1  }
0xbf: {  	_ =	sfence.sel $0xFFFF  }
0xc0: {  	[dreg:$0x0] =	wrdreg $0xFFFFFFFF;
	(pc) =	sbr.abs _section_cstart, $3  }
0xc1: {  	[dreg:$0x1] =	wrdreg $0xFFFFFFFF  }
0xc2: {  	_ =	task.clear_ibuf [dreg:s6], $0x2FFFF;
	_ =	strace $0x9FFFFFFF  }
0xc3: {  	(tm) =	ssettm $0x7FFFFFFF  }
tec
execute0_lowered:
.L_overlay_start_1:
0x0: {  	(tag) =	ssettag $0x1  }
0x1: {  	s6 =	rddreg [dreg:$0x0]  }
0x2: {  	s2 =	rddreg [dreg:$0x1]  }
0x3: {  	s0 =	srdreg.scid;
	s3 =	rddreg [dreg:$0x2]  }
0x4: {  	s1 =	rddreg [dreg:$0x3];
	s7 =	sand.u32 $0x1, s0  }
0x5: {  	s0 =	stileid.u32;
	s5 =	smul.u32 $0x27800, s7  }
0x6: {  	s4 =	simm.s32 $0x0;
	s16 =	simm.s32 $0x80;
	s8 =	smul.u32 $0x2780, s0  }
0x7: {  	s17 =	simm.s32 $0x100;
	s18 =	simm.s32 $0x900;
	s9 =	smul.u32 $0x280, s0  }
0x8: {  	s19 =	simm.s32 $0x0;
	[smem:$0x7FF] =	sst s4;
	s28 =	smul.u32 $0x2800, s7  }
0x9: {  	_ =	strace $0x80000053;
	s10 =	smul.u32 $0x2800, s0;
	s7 =	ssub.s32 $0x2, s7  }
0xa: {  	s31 =	sshll.u32 s0, $0x6;
	s30 =	sshrl.u32 s7, $0x1;
	s5 =	sadd.s32 s8, s5  }
0xb: {  	s8 =	sadd.s32 s9, s28;
	s29 =	sshrl.u32 s10, $0x3;
	s13 =	ssub.s32 s7, s30  }
0xc: {  	s14 =	sadd.s32 s10, s2;
	s7 =	sor.u32 $0x1C01, s31;
	s15 =	sadd.s32 s10, s3  }
0xd: {  	s5 =	sshrl.u32 s5, $0x3;
	s8 =	sshll.u32 s8, $0x1;
	s9 =	sadd.s32 s29, s6  }
0xe: {  	s10 =	smax.u32 s13, $0x1;
	s13 =	sshrl.u32 s14, $0x3;
	s14 =	simm.s32 $0x1  }
0xf: {  	s15 =	sshrl.u32 s15, $0x3;
	s12 =	sadd.s32 s5, s6;
	s11 =	sadd.s32 s8, s6  }
0x10: {  	s5 =	sadd.s32 $0x2DA00, s6;
	s6 =	sadd.s32 $0x4BE00, s9;
	s8 =	sadd.s32 $0x32A00, s11  }
0x11: {  	v0 =	vimm.f32 $1.000000000e+00;
	s9 =	sadd.s32 $0x3CA00, s11;
	s11 =	sadd.s32 $0x50E00, s12;
	s12 =	sadd.s32 $0x174E00, s12  }
.LBB2_1:
0x12: {  	[spmem:s13], [sflag:s7] =	dma.local [hbm:s6], $0x500  }
0x13: {  	_ =	swait.ge [sflag:s14], $0x500  }
0x14: {  	[sflag:s14] =	ssyncset.done $0x0  }
0x15: {  	[sflag:s14] =	ssyncadd.s32 $0xFFFFFB00  }
0x16: {  	[spmem:s15], [sflag:s7] =	dma.local [hbm:s6], $0x500  }
0x17: {  	_ =	swait.ge [sflag:s14], $0x500  }
0x18: {  	[sflag:s14] =	ssyncset.done $0x0  }
0x19: {  	s20 =	simm.s32 $0x40;
	s21 =	simm.s32 $0x0;
	[sflag:s14] =	ssyncadd.s32 $0xFFFFFB00  }
.LBB2_2:
0x1a: {  	p0 =	sne.s32 s20, $0x1FC0;
	[tilespmem:s21+$0x900] =	vst v0;
	s21 =	smov.u32 s20;
	s20 =	sadd.s32 $0x40, s20  }
.Ltmp0:
0x1b: {  	(pc) =	sbr.rel @p0 .LBB2_2-.Ltmp0, $2  }
0x1c: {  	_ =	sdelay $0x2  }
0x1d: {  	s21 =	sshra.s32 s21, $0x2  }
0x1e: {  	[tilespmem:s21+$0x900] =	vst v0  }
0x1f: {  	s20 =	sadd.s32 $0x0, s12;
	[bflag:$0x0] =	sbarrier.arrive $0xFFFF  }
0x20: {  	[tilespmem:s4], [sflag:$0x1] =	stream.linear.gather [hbm4b:s20+s4], $0x80, $0x38;
	[tilespmem:$0x6100] =	vst v63  }
0x21: {  	_ =	swait.ge [sflag:s14], $0x80  }
0x22: {  	[sflag:s14] =	ssyncset.done $0x0  }
0x23: {  	s31 =	sadd.s32 $0x0, s11;
	[sflag:s14] =	ssyncadd.s32 $0xFFFFFF80  }
0x24: {  	[tilespmem:s16], [sflag:$0x1] =	stream.linear.gather [hbm4b:s31+s4], $0x80, $0x38;
	[tilespmem:$0x6100] =	vst v63  }
0x25: {  	_ =	swait.ge [sflag:s14], $0x80  }
0x26: {  	[sflag:s14] =	ssyncset.done $0x0  }
0x27: {  	[sflag:s14] =	ssyncadd.s32 $0xFFFFFF80  }
0x28: {  	[tilespmem:s17], [sflag:$0x1] =	stream.indirect.gather [hbm4b:s5+s16], $0x10, s4, s16, $0xb8;
	[tilespmem:$0x6100] =	vst v63  }
0x29: {  	_ =	swait.ge [sflag:s14], $0x800  }
0x2a: {  	[sflag:s14] =	ssyncset.done $0x0  }
0x2b: {  	[sflag:s14] =	ssyncadd.s32 $0xFFFFF800  }
0x2c: {  	[spmem:s2] =	stream.indirect.scatter.add.f32 [tilespmem:s17], [sflag:$0x1], $0x10, s16, s16, $0xb8;
	[tilespmem:$0x6100] =	vst v63  }
0x2d: {  	_ =	swait.ge [sflag:s14], $0x800  }
0x2e: {  	[sflag:s14] =	ssyncset.done $0x0  }
0x2f: {  	[sflag:s14] =	ssyncadd.s32 $0xFFFFF800  }
0x30: {  	[spmem:s3] =	stream.indirect.scatter.add.f32 [tilespmem:s18], [sflag:$0x1], $0x10, s16, s16, $0xb8;
	[tilespmem:$0x6100] =	vst v63  }
0x31: {  	_ =	swait.ge [sflag:s14], $0x800  }
0x32: {  	s21 =	simm.s32 $0x20;
	s20 =	simm.s32 $0x10;
	[sflag:s14] =	ssyncset.done $0x0  }
.LBB2_4:
0x33: {  	s22 =	sadd.s32 s20, s12  }
0x34: {  	[sflag:s14] =	ssyncadd.s32 $0xFFFFF800;
	s23 =	smov.u32 s21;
	s24 =	sadd.s32 $0x10, s21  }
0x35: {  	[tilespmem:s4], [sflag:$0x1] =	stream.linear.gather [hbm4b:s22+s4], $0x80, $0x38;
	[tilespmem:$0x6100] =	vst v63  }
0x36: {  	p0 =	sne.s32 s21, $0x4E0;
	_ =	swait.ge [sflag:s14], $0x80  }
0x37: {  	[sflag:s14] =	ssyncset.done $0x0  }
0x38: {  	s21 =	sadd.s32 s20, s11;
	s20 =	smov.u32 s23;
	[sflag:s14] =	ssyncadd.s32 $0xFFFFFF80  }
0x39: {  	[tilespmem:s16], [sflag:$0x1] =	stream.linear.gather [hbm4b:s21+s4], $0x80, $0x38;
	[tilespmem:$0x6100] =	vst v63  }
0x3a: {  	_ =	swait.ge [sflag:s14], $0x80  }
0x3b: {  	[sflag:s14] =	ssyncset.done $0x0  }
0x3c: {  	[sflag:s14] =	ssyncadd.s32 $0xFFFFFF80  }
0x3d: {  	[tilespmem:s17], [sflag:$0x1] =	stream.indirect.gather [hbm4b:s5+s16], $0x10, s4, s16, $0xb8;
	[tilespmem:$0x6100] =	vst v63  }
0x3e: {  	_ =	swait.ge [sflag:s14], $0x800  }
0x3f: {  	[sflag:s14] =	ssyncset.done $0x0  }
0x40: {  	[sflag:s14] =	ssyncadd.s32 $0xFFFFF800  }
0x41: {  	[spmem:s2] =	stream.indirect.scatter.add.f32 [tilespmem:s17], [sflag:$0x1], $0x10, s16, s16, $0xb8;
	[tilespmem:$0x6100] =	vst v63  }
0x42: {  	_ =	swait.ge [sflag:s14], $0x800  }
.Ltmp1:
0x43: {  	[sflag:s14] =	ssyncset.done $0x0;
	(pc) =	sbr.rel @p0 .LBB2_4-.Ltmp1, $4  }
0x44: {  	[sflag:s14] =	ssyncadd.s32 $0xFFFFF800  }
0x45: {  	[spmem:s3] =	stream.indirect.scatter.add.f32 [tilespmem:s18], [sflag:$0x1], $0x10, s16, s16, $0xb8;
	[tilespmem:$0x6100] =	vst v63  }
0x46: {  	_ =	swait.ge [sflag:s14], $0x800  }
0x47: {  	s21 =	smov.u32 s24;
	[sflag:s14] =	ssyncset.done $0x0  }
0x48: {  	s21 =	sadd.s32 s20, s12;
	[sflag:s14] =	ssyncadd.s32 $0xFFFFF800  }
0x49: {  	[tilespmem:s4], [sflag:$0x1] =	stream.linear.gather [hbm4b:s21+s4], $0x80, $0x38;
	[tilespmem:$0x6100] =	vst v63  }
0x4a: {  	_ =	swait.ge [sflag:s14], $0x80  }
0x4b: {  	[sflag:s14] =	ssyncset.done $0x0  }
0x4c: {  	s31 =	sadd.s32 s20, s11;
	[sflag:s14] =	ssyncadd.s32 $0xFFFFFF80  }
0x4d: {  	[tilespmem:s16], [sflag:$0x1] =	stream.linear.gather [hbm4b:s31+s4], $0x80, $0x38;
	[tilespmem:$0x6100] =	vst v63  }
0x4e: {  	_ =	swait.ge [sflag:s14], $0x80  }
0x4f: {  	[sflag:s14] =	ssyncset.done $0x0  }
0x50: {  	[sflag:s14] =	ssyncadd.s32 $0xFFFFFF80  }
0x51: {  	[tilespmem:s17], [sflag:$0x1] =	stream.indirect.gather [hbm4b:s5+s16], $0x10, s4, s16, $0xb8;
	[tilespmem:$0x6100] =	vst v63  }
0x52: {  	_ =	swait.ge [sflag:s14], $0x800  }
0x53: {  	[sflag:s14] =	ssyncset.done $0x0  }
0x54: {  	[sflag:s14] =	ssyncadd.s32 $0xFFFFF800  }
0x55: {  	[spmem:s2] =	stream.indirect.scatter.add.f32 [tilespmem:s17], [sflag:$0x1], $0x10, s16, s16, $0xb8;
	[tilespmem:$0x6100] =	vst v63  }
0x56: {  	_ =	swait.ge [sflag:s14], $0x800  }
0x57: {  	[sflag:s14] =	ssyncset.done $0x0  }
0x58: {  	[sflag:s14] =	ssyncadd.s32 $0xFFFFF800  }
0x59: {  	[spmem:s3] =	stream.indirect.scatter.add.f32 [tilespmem:s18], [sflag:$0x1], $0x10, s16, s16, $0xb8;
	[tilespmem:$0x6100] =	vst v63  }
0x5a: {  	_ =	swait.ge [sflag:s14], $0x800  }
0x5b: {  	[sflag:s14] =	ssyncset.done $0x0  }
0x5c: {  	[sflag:s14] =	ssyncadd.s32 $0xFFFFF800  }
0x5d: {  	[bflag:$0x0] =	sbarrier.arrive $0xFFFF  }
0x5e: {  	[hbm:s8], [sflag:s7] =	dma.local [spmem:s13], $0x500  }
0x5f: {  	s19 =	sadd.s32 $0x1, s19;
	_ =	swait.ge [sflag:s14], $0x500  }
0x60: {  	p0 =	sne.s32 s19, s10;
	[sflag:s14] =	ssyncset.done $0x0  }
.Ltmp2:
0x61: {  	[sflag:s14] =	ssyncadd.s32 $0xFFFFFB00;
	(pc) =	sbr.rel @p0 .LBB2_1-.Ltmp2, $4  }
0x62: {  	[hbm:s9], [sflag:s7] =	dma.local [spmem:s15], $0x500  }
0x63: {  	_ =	swait.ge [sflag:s14], $0x500  }
0x64: {  	[sflag:s14] =	ssyncset.done $0x0  }
0x65: {  	[sflag:s14] =	ssyncadd.s32 $0xFFFFFB00  }
0x66: {  	_ =	sfence.sel $0x180000  }
0x67: {  	[bflag:$0x0] =	sbarrier.arrive $0xFFFF  }
0x68: {  	p0 =	sne.s32 s0, $0x0;
	_ =	strace $0x90000053  }
0x69: {  	s0 =	sadd.s32 @!p0 $0x100000, s1;
	[bflag:$0x2] =	sbarrier.arrive $0xFFFF  }
0x6a: {  	[sflag:s0] =	ssyncadd.tile.s32 @!p0 $0x1;
	_ =	shalt  }
.Lfunc_end2:
_tile_overlayer_lowered:
.L_overlay_start_2:
0x6b: {  	(tag) =	ssettag $0x2  }
0x6c: {  	s0 =	rddreg [dreg:$0x0];
	s2 =	stileid.u32  }
0x6d: {  	s1 =	rddreg [dreg:$0x1];
	p0 =	sne.s32 s2, $0x0  }
0x6e: {  	s3 =	rddreg [dreg:$0x2];
	[bflag:$0x3] =	sbarrier.arrive $0xFFFF;
	s2 =	simm.s32 @!p0 $0x1C01  }
0x6f: {  	[timem:s3], [sflag:s2] =	dma.local @!p0 [hbm:s0], s1  }
0x70: {  	s0 =	simm.s32 @!p0 $0x1  }
0x71: {  	_ =	swait.ge @!p0 [sflag:s0], s1  }
0x72: {  	s1 =	ssub.s32 @!p0 $0x0, s1;
	[sflag:s0] =	ssyncset.done @!p0 $0x0  }
0x73: {  	[sflag:s0] =	ssyncadd.s32 @!p0 s1  }
0x74: {  	[bflag:$0x3] =	sbarrier.arrive $0xFFFF  }
0x75: {  	_ =	shalt  }

// kernel: kernel.28.cloned.1.call-start
scs
__scs_entry_jumppad:
0x0: {  	(pc) =	sbr.rel $0x88, $3  }
0x1: {  	(tag) =	ssettag $0x0;
	lr =	simm.s32 $0x1  }
0x2: {  	[smem:$0x3F8C] =	sst lr;
	_ =	strace $0xD0000000  }
0x3: {  	_ = 	snop  }
0x4: {  	_ = 	snop  }
0x5: {  	_ = 	snop  }
0x6: {  	_ = 	snop  }
0x7: {  	_ = 	snop  }
__scs_overlays_trampoline_lowered:
0x8: {  	[smem:$0x3F9B] =	sst s0  }
0x9: {  	[smem:$0x3F9C] =	sst s1  }
0xa: {  	[smem:$0x3F9D] =	sst s2  }
0xb: {  	[smem:$0x3F9E] =	sst s3  }
0xc: {  	[smem:$0x3F9F] =	sst s4  }
0xd: {  	[smem:$0x3FA0] =	sst s5  }
0xe: {  	[smem:$0x3FA1] =	sst s6  }
0xf: {  	[smem:$0x3FA2] =	sst s7  }
0x10: {  	[smem:$0x3FA3] =	sst s8  }
0x11: {  	[smem:$0x3FA4] =	sst s9;
	s0 =	simm.s32 @!p0 $0x0  }
0x12: {  	s1 =	sld [smem:$0x3F8A];
	s0 =	simm.s32 @p0 $0x1  }
0x13: {  	[smem:$0x3FA5] =	sst s0;
	s0 =	simm.s32 @!p1 $0x0  }
0x14: {  	s2 =	sld [smem:$0x3F89];
	s0 =	simm.s32 @p1 $0x1  }
0x15: {  	[smem:$0x3FA6] =	sst s0;
	s0 =	simm.s32 @!p2 $0x0  }
0x16: {  	s3 =	sld [smem:$0x3FDB];
	s0 =	simm.s32 @p2 $0x1  }
0x17: {  	s4 =	simm.s32 $0x1BF5;
	[smem:$0x3FA8] =	sst s0  }
0x18: {  	s0 =	sld [smem:$0x3F8B];
	_ =	swait.ge [sflag:s4], $0x0  }
0x19: {  	s7 =	sld [smem:$0x3F8C]  }
0x1a: {  	s8 =	sadd.s32 $0xFFFFE003, lr  }
0x1b: {  	s9 =	sadd.s32 $0xFFFFFEF7, lr;
	s5 =	simm.s32 $0xFFFFFFFF;
	p2 =	slt.u32 s8, $0xFFFFF086  }
0x1c: {  	p1 =	slt.u32 s9, $0xF7A;
	s5 =	simm.s32 @!p2 $0x0  }
0x1d: {  	s5 =	simm.s32 @p1 $0x1;
	p0 =	seq.s32 s7, s2  }
0x1e: {  	s7 =	smul.u32 @!p0 $0xF7A, s2;
	p2 =	seq.s32 @!p0 s5, $0x0  }
0x1f: {  	s9 =	smul.u32 $0xF7A, s1;
	s8 =	simm.s32 @!p0 $0x1BF5;
	p2 =	por !p2, p0  }
0x20: {  	[sflag:s8] =	ssyncset.s32 @!p0 $0xFFFFF086;
	s6 =	sadd.s32 @!p0 s3, s7;
	s7 =	simm.s32 @!p0 $0x108  }
0x21: {  	s3 =	sadd.s32 s3, s9;
	s6 =	sadd.s32 @!p0 $0x88, s6;
	s7 =	simm.s32 @p2 $0x1082  }
0x22: {  	[simem:s7], [sflag:s8] =	dma.local @!p0 [hbm:s6], $0xF7A  }
0x23: {  	s9 =	sor.u32 $0xD0000000, s2;
	s6 =	simm.s32 $0x108;
	_ =	swait.ge @!p0 [sflag:s8], $0x0  }
0x24: {  	s3 =	sadd.s32 $0x88, s3;
	s6 =	simm.s32 @!p1 $0x1082;
	[sflag:s4] =	ssyncset.s32 $0xFFFFF086  }
0x25: {  	[simem:s6], [sflag:s4] =	dma.local [hbm:s3], $0xF7A  }
0x26: {  	[smem:$0x3F8C] =	sst s1;
	(tag) =	ssettag s2;
	_ =	strace s9  }
0x27: {  	s1 =	sld [smem:$0x3F9C]  }
0x28: {  	s2 =	sld [smem:$0x3F9D]  }
0x29: {  	s4 =	sld [smem:$0x3F9F]  }
0x2a: {  	p0 =	seq.s32 s5, $0x0;
	s5 =	sld [smem:$0x3FA0]  }
0x2b: {  	s6 =	sld [smem:$0x3FA1]  }
0x2c: {  	s7 =	sld [smem:$0x3FA2]  }
0x2d: {  	s3 =	simm.s32 $0x108;
	s8 =	sld [smem:$0x3FA3]  }
0x2e: {  	s3 =	simm.s32 @!p0 $0x1082;
	s9 =	sld [smem:$0x3FA4]  }
0x2f: {  	lr =	sadd.s32 s0, s3;
	s0 =	sld [smem:$0x3F9B]  }
0x30: {  	s3 =	sld [smem:$0x3F9E]  }
0x31: {  	[smem:$0x3FA7] =	sst s10  }
0x32: {  	s10 =	sld [smem:$0x3FA5];
	_ =	sdelay $0x3  }
0x33: {  	p0 =	seq.s32 s10, $0x1;
	s10 =	sld [smem:$0x3FA7];
	_ =	sdelay $0x3  }
0x34: {  	[smem:$0x3FA7] =	sst s10  }
0x35: {  	s10 =	sld [smem:$0x3FA6];
	_ =	sdelay $0x3  }
0x36: {  	p1 =	seq.s32 s10, $0x1;
	s10 =	sld [smem:$0x3FA7];
	_ =	sdelay $0x3  }
0x37: {  	[smem:$0x3FA7] =	sst s10  }
0x38: {  	s10 =	sld [smem:$0x3FA8]  }
0x39: {  	_ = 	snop;
	(pc) =	sbr.ind lr, $3  }
0x3a: {  	_ = 	snop  }
0x3b: {  	_ = 	snop  }
0x3c: {  	p2 =	seq.s32 s10, $0x1;
	s10 =	sld [smem:$0x3FA7]  }
0x3d: {  	_ =	shalt  }
0x3e: {  	_ =	shalt  }
0x3f: {  	_ =	shalt  }
0x40: {  	_ =	shalt  }
0x41: {  	_ =	shalt  }
0x42: {  	_ =	shalt  }
0x43: {  	_ =	shalt  }
0x44: {  	_ =	shalt  }
0x45: {  	_ =	shalt  }
0x46: {  	_ =	shalt  }
0x47: {  	_ =	shalt  }
0x48: {  	_ =	shalt  }
0x49: {  	_ =	shalt  }
0x4a: {  	_ =	shalt  }
0x4b: {  	_ =	shalt  }
0x4c: {  	_ =	shalt  }
0x4d: {  	_ =	shalt  }
0x4e: {  	_ =	shalt  }
0x4f: {  	_ =	shalt  }
0x50: {  	_ =	shalt  }
0x51: {  	_ =	shalt  }
0x52: {  	_ =	shalt  }
0x53: {  	_ =	shalt  }
0x54: {  	_ =	shalt  }
0x55: {  	_ =	shalt  }
0x56: {  	_ =	shalt  }
0x57: {  	_ =	shalt  }
0x58: {  	_ =	shalt  }
0x59: {  	_ =	shalt  }
0x5a: {  	_ =	shalt  }
0x5b: {  	_ =	shalt  }
0x5c: {  	_ =	shalt  }
0x5d: {  	_ =	shalt  }
0x5e: {  	_ =	shalt  }
0x5f: {  	_ =	shalt  }
0x60: {  	_ =	shalt  }
0x61: {  	_ =	shalt  }
0x62: {  	_ =	shalt  }
0x63: {  	_ =	shalt  }
0x64: {  	_ =	shalt  }
0x65: {  	_ =	shalt  }
0x66: {  	_ =	shalt  }
0x67: {  	_ =	shalt  }
0x68: {  	_ =	shalt  }
0x69: {  	_ =	shalt  }
0x6a: {  	_ =	shalt  }
0x6b: {  	_ =	shalt  }
0x6c: {  	_ =	shalt  }
0x6d: {  	_ =	shalt  }
0x6e: {  	_ =	shalt  }
0x6f: {  	_ =	shalt  }
0x70: {  	_ =	shalt  }
0x71: {  	_ =	shalt  }
0x72: {  	_ =	shalt  }
0x73: {  	_ =	shalt  }
0x74: {  	_ =	shalt  }
0x75: {  	_ =	shalt  }
0x76: {  	_ =	shalt  }
0x77: {  	_ =	shalt  }
0x78: {  	_ =	shalt  }
0x79: {  	_ =	shalt  }
0x7a: {  	_ =	shalt  }
0x7b: {  	_ =	shalt  }
0x7c: {  	_ =	shalt  }
0x7d: {  	_ =	shalt  }
0x7e: {  	_ =	shalt  }
0x7f: {  	_ =	shalt  }
0x80: {  	_ =	shalt  }
0x81: {  	_ =	shalt  }
0x82: {  	_ =	shalt  }
0x83: {  	_ =	shalt  }
0x84: {  	_ =	shalt  }
0x85: {  	_ =	shalt  }
0x86: {  	_ =	shalt  }
0x87: {  	_ =	shalt  }
.Lfunc_end0:
.L_simem_size_0:
called_computation.5_lowered:
.L_overlay_start_0:
0x88: {  	s2 =	sld [smem:$0x3FD9]  }
0x89: {  	s3 =	sld [smem:$0x3FFE];
	_ =	sdelay $0x1  }
0x8a: {  	s1 =	srdreg.scid  }
0x8b: {  	s0 =	sand.u32 $0x1, s1  }
0x8c: {  	s16 =	sshll.u32 s0, $0xA;
	s2 =	sadd.s32 s3, s2  }
0x8d: {  	s2 =	sadd.s32 s2, s16  }
0x8e: {  	[smem:$0x3FB3] =	sst s2  }
0x8f: {  	_ = 	snop  }
0x90: {  	(tm) =	ssettm $0x1  }
0x91: {  	s17 =	sld [smem:$0x3FFB];
	_ =	sdelay $0x3  }
0x92: {  	_ =	strace s17  }
0x93: {  	s2 =	sld [smem:$0x3FFC];
	_ =	sdelay $0x3  }
0x94: {  	_ =	strace s2  }
0x95: {  	s2 =	sld [smem:$0x3FFD];
	_ =	sdelay $0x3  }
0x96: {  	_ =	strace s2  }
0x97: {  	_ =	strace $0x8FFFFFFF  }
0x98: {  	s18 =	sld [smem:$0x3FDB];
	_ =	sdelay $0x1  }
0x99: {  	s19 =	simm.s32 $_scs_section_size  }
0x9a: {  	s4 =	simm.s32 $_size__tile_overlayer_lowered;
	s5 =	simm.s32 $_tile_overlayer_lowered  }
0x9b: {  	s22 =	simm.s32 $0x1BFF;
	s21 =	sshll.u32 s5, $0x1;
	s2 =	sadd.s32 s19, s18  }
0x9c: {  	s6 =	simm.s32 $0x0;
	s20 =	sshll.u32 s4, $0x1;
	s4 =	sadd.s32 s21, s2  }
0x9d: {  	[timem:s6], [sflag:s22] =	dma.local [hbm:s4], s20  }
0x9e: {  	_ =	swait.ge [sflag:s22], s20  }
0x9f: {  	s3 =	ssub.s32 $0x0, s20;
	[sflag:s22] =	ssyncset.done $0x0  }
0xa0: {  	[sflag:s22] =	ssyncadd.s32 s3;
	_ =	sdelay $0x1  }
0xa1: {  	s23 =	simm.s32 $0x1B8B  }
0xa2: {  	_ =	swait.ge [sflag:s23], $0x1  }
0xa3: {  	[sflag:s23] =	ssyncset.done $0x0  }
0xa4: {  	s25 =	simm.s32 $0x1B8E;
	s24 =	sld [smem:$0x3FFE];
	[sflag:s23] =	ssyncadd.s32 $0xFFFFFFFF  }
0xa5: {  	s26 =	simm.s32 $execute0_lowered;
	[smem:$0x3FD2] =	sst s25  }
0xa6: {  	s4 =	sshll.u32 s26, $0x1;
	_ =	strace $0x80000055;
	[dreg:$0x1] =	wrdreg $0xFFFFFFFF  }
0xa7: {  	s28 =	simm.s32 $_size_execute0_lowered;
	s2 =	sadd.s32 s2, s4;
	[dreg:$0x0] =	wrdreg $0x0  }
0xa8: {  	s4 =	sshll.u32 s28, $0x1;
	[dreg:$0x2] =	wrdreg s2  }
0xa9: {  	[dreg:$0x3] =	wrdreg s4  }
0xaa: {  	[dreg:$0x4] =	wrdreg $0xC0  }
0xab: {  	_ =	task [dreg:s6], $0x5FFFF  }
0xac: {  	[dreg:$0x1] =	wrdreg $0xFFFFFFFF  }
0xad: {  	[dreg:$0x0] =	wrdreg $0x60  }
0xae: {  	[dreg:$0x2] =	wrdreg s24  }
0xaf: {  	[dreg:$0x3] =	wrdreg $0x9000  }
0xb0: {  	[dreg:$0x4] =	wrdreg $0x9  }
0xb1: {  	_ =	task.clear_ibuf [dreg:s6], $0x5FFFF;
	_ =	strace $0x90000055  }
0xb2: {  	s29 =	simm.s32 $0x9;
	_ =	strace $0x80000057  }
0xb3: {  	_ =	swait.ge [sflag:s29], $0x1  }
0xb4: {  	[sflag:s29] =	ssyncadd.s32 $0xFFFFFFFF  }
0xb5: {  	_ =	strace $0x90000057  }
0xb6: {  	_ =	sfence  }
0xb7: {  	s30 =	sld [smem:$0x0];
	_ =	sdelay $0x2  }
0xb8: {  	s31 =	sshll.u32 s1, $0xD;
	s1 =	sshrl.u32 s1, $0x2  }
0xb9: {  	s3 =	sand.u32 $0x4000, s31;
	s1 =	sadd.s32 s1, s30  }
0xba: {  	s0 =	sor.u32 s3, s0;
	s1 =	sshll.u32 s1, $0x11  }
0xbb: {  	s0 =	sor.u32 s1, s0  }
0xbc: {  	s0 =	sadd.s32 $0x8F2B, s0  }
0xbd: {  	[sflag:s0] =	ssyncadd.remote.s32 $0x1  }
0xbe: {  	_ =	sfence.sel $0xFFFF  }
0xbf: {  	[dreg:$0x0] =	wrdreg $0xFFFFFFFF;
	(pc) =	sbr.abs _section_cstart, $3  }
0xc0: {  	[dreg:$0x1] =	wrdreg $0xFFFFFFFF  }
0xc1: {  	_ =	task.clear_ibuf [dreg:s6], $0x2FFFF;
	_ =	strace $0x9FFFFFFF  }
0xc2: {  	(tm) =	ssettm $0x7FFFFFFF  }
0xc3: {  	_ =	shalt  }
tec
execute0_lowered:
.L_overlay_start_1:
0x0: {  	(tag) =	ssettag $0x1  }
0x1: {  	s0 =	srdreg.scid;
	s5 =	rddreg [dreg:$0x0]  }
0x2: {  	s2 =	rddreg [dreg:$0x1];
	s6 =	sand.u32 $0x1, s0  }
0x3: {  	s0 =	stileid.u32;
	s4 =	smul.u32 $0x27800, s6  }
0x4: {  	s1 =	rddreg [dreg:$0x2];
	s7 =	smul.u32 $0x2780, s0  }
0x5: {  	s3 =	simm.s32 $0x0;
	s13 =	simm.s32 $0x80;
	s29 =	smul.u32 $0x2800, s0  }
0x6: {  	s14 =	simm.s32 $0x100;
	s15 =	simm.s32 $0x0;
	s8 =	smul.u32 $0x500, s0  }
0x7: {  	[smem:$0x7FF] =	sst s3;
	s9 =	smul.u32 $0x5000, s6;
	s6 =	ssub.s32 $0x2, s6  }
0x8: {  	_ =	strace $0x80000056;
	s31 =	sshll.u32 s0, $0x6;
	s30 =	sshrl.u32 s6, $0x1  }
0x9: {  	s4 =	sadd.s32 s7, s4;
	s11 =	sshrl.u32 s29, $0x3;
	s8 =	sadd.s32 s8, s9  }
0xa: {  	s9 =	ssub.s32 s6, s30;
	s12 =	sadd.s32 s29, s2;
	s6 =	sor.u32 $0x1C01, s31  }
0xb: {  	s4 =	sshrl.u32 s4, $0x3;
	s11 =	sadd.s32 s11, s5;
	s8 =	sadd.s32 s8, s5  }
0xc: {  	s10 =	sadd.s32 s4, s5;
	s4 =	sadd.s32 $0x46A00, s5;
	s5 =	sadd.s32 $0x4BE00, s11  }
0xd: {  	s7 =	sadd.s32 $0x2DA00, s8;
	s8 =	smax.u32 s9, $0x1;
	s11 =	sshrl.u32 s12, $0x3  }
0xe: {  	s12 =	simm.s32 $0x1;
	s9 =	sadd.s32 $0x50E00, s10;
	s10 =	sadd.s32 $0x174E00, s10  }
.LBB2_1:
0xf: {  	[spmem:s11], [sflag:s6] =	dma.local [hbm:s5], $0x500  }
0x10: {  	_ =	swait.ge [sflag:s12], $0x500  }
0x11: {  	[sflag:s12] =	ssyncset.done $0x0  }
0x12: {  	[sflag:s12] =	ssyncadd.s32 $0xFFFFFB00  }
0x13: {  	s16 =	sadd.s32 $0x0, s10;
	[bflag:$0x0] =	sbarrier.arrive $0xFFFF  }
0x14: {  	[tilespmem:s3], [sflag:$0x1] =	stream.linear.gather [hbm4b:s16+s3], $0x80, $0x38;
	[tilespmem:$0x3100] =	vst v63  }
0x15: {  	_ =	swait.ge [sflag:s12], $0x80  }
0x16: {  	[sflag:s12] =	ssyncset.done $0x0  }
0x17: {  	s31 =	sadd.s32 $0x0, s9;
	[sflag:s12] =	ssyncadd.s32 $0xFFFFFF80  }
0x18: {  	[tilespmem:s13], [sflag:$0x1] =	stream.linear.gather [hbm4b:s31+s3], $0x80, $0x38;
	[tilespmem:$0x3100] =	vst v63  }
0x19: {  	_ =	swait.ge [sflag:s12], $0x80  }
0x1a: {  	[sflag:s12] =	ssyncset.done $0x0  }
0x1b: {  	[sflag:s12] =	ssyncadd.s32 $0xFFFFFF80  }
0x1c: {  	[tilespmem:s14], [sflag:$0x1] =	stream.indirect.gather [hbm4b:s4+s13], $0x10, s3, s13, $0xb8;
	[tilespmem:$0x3100] =	vst v63  }
0x1d: {  	_ =	swait.ge [sflag:s12], $0x800  }
0x1e: {  	[sflag:s12] =	ssyncset.done $0x0  }
0x1f: {  	[sflag:s12] =	ssyncadd.s32 $0xFFFFF800  }
0x20: {  	[spmem:s2] =	stream.indirect.scatter.add.f32 [tilespmem:s14], [sflag:$0x1], $0x10, s13, s13, $0xb8;
	[tilespmem:$0x3100] =	vst v63  }
0x21: {  	_ =	swait.ge [sflag:s12], $0x800  }
0x22: {  	s17 =	simm.s32 $0x20;
	s16 =	simm.s32 $0x10;
	[sflag:s12] =	ssyncset.done $0x0  }
.LBB2_2:
0x23: {  	s18 =	sadd.s32 s16, s10  }
0x24: {  	[sflag:s12] =	ssyncadd.s32 $0xFFFFF800;
	s19 =	smov.u32 s17;
	s20 =	sadd.s32 $0x10, s17  }
0x25: {  	[tilespmem:s3], [sflag:$0x1] =	stream.linear.gather [hbm4b:s18+s3], $0x80, $0x38;
	[tilespmem:$0x3100] =	vst v63  }
0x26: {  	p0 =	sne.s32 s17, $0x4E0;
	_ =	swait.ge [sflag:s12], $0x80  }
0x27: {  	[sflag:s12] =	ssyncset.done $0x0  }
0x28: {  	s17 =	sadd.s32 s16, s9;
	s16 =	smov.u32 s19;
	[sflag:s12] =	ssyncadd.s32 $0xFFFFFF80  }
0x29: {  	[tilespmem:s13], [sflag:$0x1] =	stream.linear.gather [hbm4b:s17+s3], $0x80, $0x38;
	[tilespmem:$0x3100] =	vst v63  }
0x2a: {  	_ =	swait.ge [sflag:s12], $0x80  }
0x2b: {  	[sflag:s12] =	ssyncset.done $0x0  }
0x2c: {  	[sflag:s12] =	ssyncadd.s32 $0xFFFFFF80  }
0x2d: {  	[tilespmem:s14], [sflag:$0x1] =	stream.indirect.gather [hbm4b:s4+s13], $0x10, s3, s13, $0xb8;
	[tilespmem:$0x3100] =	vst v63  }
0x2e: {  	_ =	swait.ge [sflag:s12], $0x800  }
.Ltmp0:
0x2f: {  	[sflag:s12] =	ssyncset.done $0x0;
	(pc) =	sbr.rel @p0 .LBB2_2-.Ltmp0, $4  }
0x30: {  	[sflag:s12] =	ssyncadd.s32 $0xFFFFF800  }
0x31: {  	[spmem:s2] =	stream.indirect.scatter.add.f32 [tilespmem:s14], [sflag:$0x1], $0x10, s13, s13, $0xb8;
	[tilespmem:$0x3100] =	vst v63  }
0x32: {  	_ =	swait.ge [sflag:s12], $0x800  }
0x33: {  	s17 =	smov.u32 s20;
	[sflag:s12] =	ssyncset.done $0x0  }
0x34: {  	s17 =	sadd.s32 s16, s10;
	[sflag:s12] =	ssyncadd.s32 $0xFFFFF800  }
0x35: {  	[tilespmem:s3], [sflag:$0x1] =	stream.linear.gather [hbm4b:s17+s3], $0x80, $0x38;
	[tilespmem:$0x3100] =	vst v63  }
0x36: {  	_ =	swait.ge [sflag:s12], $0x80  }
0x37: {  	[sflag:s12] =	ssyncset.done $0x0  }
0x38: {  	s31 =	sadd.s32 s16, s9;
	[sflag:s12] =	ssyncadd.s32 $0xFFFFFF80  }
0x39: {  	[tilespmem:s13], [sflag:$0x1] =	stream.linear.gather [hbm4b:s31+s3], $0x80, $0x38;
	[tilespmem:$0x3100] =	vst v63  }
0x3a: {  	_ =	swait.ge [sflag:s12], $0x80  }
0x3b: {  	[sflag:s12] =	ssyncset.done $0x0  }
0x3c: {  	[sflag:s12] =	ssyncadd.s32 $0xFFFFFF80  }
0x3d: {  	[tilespmem:s14], [sflag:$0x1] =	stream.indirect.gather [hbm4b:s4+s13], $0x10, s3, s13, $0xb8;
	[tilespmem:$0x3100] =	vst v63  }
0x3e: {  	_ =	swait.ge [sflag:s12], $0x800  }
0x3f: {  	[sflag:s12] =	ssyncset.done $0x0  }
0x40: {  	[sflag:s12] =	ssyncadd.s32 $0xFFFFF800  }
0x41: {  	[spmem:s2] =	stream.indirect.scatter.add.f32 [tilespmem:s14], [sflag:$0x1], $0x10, s13, s13, $0xb8;
	[tilespmem:$0x3100] =	vst v63  }
0x42: {  	_ =	swait.ge [sflag:s12], $0x800  }
0x43: {  	s15 =	sadd.s32 $0x1, s15;
	[sflag:s12] =	ssyncset.done $0x0  }
0x44: {  	p0 =	sne.s32 s15, s8;
	[sflag:s12] =	ssyncadd.s32 $0xFFFFF800  }
.Ltmp1:
0x45: {  	[bflag:$0x0] =	sbarrier.arrive $0xFFFF;
	(pc) =	sbr.rel @p0 .LBB2_1-.Ltmp1, $4  }
0x46: {  	[hbm:s7], [sflag:s6] =	dma.local [spmem:s11], $0x500  }
0x47: {  	_ =	swait.ge [sflag:s12], $0x500  }
0x48: {  	[sflag:s12] =	ssyncset.done $0x0  }
0x49: {  	[sflag:s12] =	ssyncadd.s32 $0xFFFFFB00  }
0x4a: {  	_ =	sfence.sel $0x180000  }
0x4b: {  	[bflag:$0x0] =	sbarrier.arrive $0xFFFF  }
0x4c: {  	p0 =	sne.s32 s0, $0x0;
	_ =	strace $0x90000056  }
0x4d: {  	s0 =	sadd.s32 @!p0 $0x100000, s1;
	[bflag:$0x2] =	sbarrier.arrive $0xFFFF  }
0x4e: {  	[sflag:s0] =	ssyncadd.tile.s32 @!p0 $0x1;
	_ =	shalt  }
.Lfunc_end2:
_tile_overlayer_lowered:
.L_overlay_start_2:
0x4f: {  	(tag) =	ssettag $0x2  }
0x50: {  	s0 =	rddreg [dreg:$0x0];
	s2 =	stileid.u32  }
0x51: {  	s1 =	rddreg [dreg:$0x1];
	p0 =	sne.s32 s2, $0x0  }
0x52: {  	s3 =	rddreg [dreg:$0x2];
	[bflag:$0x3] =	sbarrier.arrive $0xFFFF;
	s2 =	simm.s32 @!p0 $0x1C01  }
0x53: {  	[timem:s3], [sflag:s2] =	dma.local @!p0 [hbm:s0], s1  }
0x54: {  	s0 =	simm.s32 @!p0 $0x1  }
0x55: {  	_ =	swait.ge @!p0 [sflag:s0], s1  }
0x56: {  	s1 =	ssub.s32 @!p0 $0x0, s1;
	[sflag:s0] =	ssyncset.done @!p0 $0x0  }
0x57: {  	[sflag:s0] =	ssyncadd.s32 @!p0 s1  }
0x58: {  	[bflag:$0x3] =	sbarrier.arrive $0xFFFF  }
0x59: {  	_ =	shalt  }

</sc_bundles>
